<compile_context>
chip_gen: v7x
topology: tpu7x:2x2x1
jax: 0.10.2.dev20260603
libtpu: 0.0.44.dev20260713+nightly
codegen_flags: <defaults>
</compile_context>

<pallas_src>
import functools
import math

import jax
import jax.numpy as jnp
from jax import lax
from jax.experimental import pallas as pl
from jax.experimental.pallas import tpu as pltpu
from jax.experimental.pallas import tpu_sc as plsc

_NC, _NS = 2, 16
_CH = 128
_L = 16

_LOG2PI = math.log(2.0 * math.pi)
_C1 = math.log(1.0 / 5.0 - 1.0 / 20.0) - 0.5 * _LOG2PI
_C2 = math.log(4.0 / 5.0 - 1.0 / 20.0) - 0.5 * _LOG2PI
_C3 = math.log(1.0 / 10.0) - 0.5 * _LOG2PI


def _sc_gather_e2(user_mu, user_logvar, idx2, z):
    V, D = user_mu.shape
    B = z.shape[0]
    nw = _NC * _NS
    n_ch = idx2.shape[0] // nw
    b_per_w = n_ch * _CH
    mesh = plsc.VectorSubcoreMesh(core_axis_name="c", subcore_axis_name="s")

    @functools.partial(
        pl.kernel,
        mesh=mesh,
        out_type=jax.ShapeDtypeStruct((B, D), jnp.float32),
        scratch_types=[
            pltpu.VMEM((n_ch, _CH), jnp.int32),
            pltpu.VMEM((2, _CH, D), jnp.float32),
            pltpu.VMEM((2, _CH, D), jnp.float32),
            pltpu.VMEM((2, _CH, D), jnp.float32),
            pltpu.SemaphoreType.DMA,
            pltpu.SemaphoreType.DMA,
            pltpu.SemaphoreType.DMA,
            pltpu.SemaphoreType.DMA,
        ],
    )
    def k(mu_hbm, lv_hbm, z_hbm, idx_hbm, e2_out, idx_v, mu_v, lv_v, z_v,
          in_sem0, in_sem1, out_sem0, out_sem1):
        wid = lax.axis_index("s") * _NC + lax.axis_index("c")
        base = wid * b_per_w
        in_sems = (in_sem0, in_sem1)
        out_sems = (out_sem0, out_sem1)
        pltpu.sync_copy(idx_hbm.at[pl.ds(wid * n_ch, n_ch)], idx_v)

        def fire(ch):
            p = ch % 2
            rows = pl.ds(base + ch * _CH, _CH)
            return (
                pltpu.async_copy(mu_hbm.at[idx_v.at[ch]], mu_v.at[p], in_sems[p]),
                pltpu.async_copy(lv_hbm.at[idx_v.at[ch]], lv_v.at[p], in_sems[p]),
                pltpu.async_copy(z_hbm.at[rows], z_v.at[p], in_sems[p]),
            )

        def compute(ch):
            p = ch % 2

            def row_body(r, _):
                for c in range(D // _L):
                    cs = pl.ds(c * _L, _L)
                    zv = z_v[p, r, cs]
                    mu = mu_v[p, r, cs]
                    lv = lv_v[p, r, cs]
                    t = zv - mu
                    acc = lv + t * t * jnp.exp(-lv)
                    z_v[p, r, cs] = jnp.exp(_C2 - 0.5 * acc)
                return _

            lax.fori_loop(0, _CH, row_body, None)

        in_cps = {0: fire(0)}
        out_cps = {}
        for ch in range(n_ch):
            p = ch % 2
            for cp in in_cps.pop(ch):
                cp.wait()
            if ch >= 1:
                out_cps.pop(ch - 1).wait()
            if ch + 1 < n_ch:
                in_cps[ch + 1] = fire(ch + 1)
            compute(ch)
            rows = pl.ds(base + ch * _CH, _CH)
            out_cps[ch] = pltpu.async_copy(z_v.at[p], e2_out.at[rows], out_sems[p])
        out_cps.pop(n_ch - 1).wait()

    return k(user_mu, user_logvar, z, idx2)


def _tc_math(z, e2, mu_p, lv_p, lv_u):
    B, D = z.shape
    blk = 2048

    def body(z_ref, e2_ref, mup_ref, lvp_ref, lvu_ref, o_ref):
        mup = mup_ref[...]
        lvp = lvp_ref[...]
        lvu = lvu_ref[...]
        a1 = -0.5 * jnp.exp(-lvp)
        b1 = _C1 - 0.5 * lvp
        a3 = -0.5 * jnp.exp(-lvu)
        b3 = _C3 - 0.5 * lvu
        zp2 = (z_ref[...] - mup) ** 2
        e1 = jnp.exp(a1 * zp2 + b1)
        e3 = jnp.exp(a3 * zp2 + b3)
        o_ref[...] = jnp.log(e1 + e2_ref[...] + e3)

    bs = pl.BlockSpec((blk, D), lambda i: (i, 0))
    ps = pl.BlockSpec((1, D), lambda i: (0, 0))
    return pl.pallas_call(
        body,
        grid=(B // blk,),
        in_specs=[bs, bs, ps, ps, ps],
        out_specs=bs,
        out_shape=jax.ShapeDtypeStruct((B, D), jnp.float32),
    )(z, e2, mu_p, lv_p, lv_u)


def kernel(z, idx, mu_prior, logvar_prior, logvar_uniform_prior, user_mu, user_logvar):
    B, D = z.shape
    idx2 = idx.astype(jnp.int32).reshape(-1, _CH)
    e2 = _sc_gather_e2(user_mu, user_logvar, idx2, z)
    return _tc_math(
        z,
        e2,
        mu_prior.reshape(1, D),
        logvar_prior.reshape(1, D),
        logvar_uniform_prior.reshape(1, D),
    )

# --- scband reference (transcript-rebuilt; emitter-appended) ---
"""Pipeline reference for scband-gaussian-mixture-prior-with-apr-post-472446402776 (READ-ONLY COPY).

The authoritative reference and input builder live on the scoring server;
editing this copy changes nothing except your own understanding.
"""

import jax, jax.numpy as jnp
import numpy as np


def log_norm_pdf(x, mu, logvar):
    return -0.5 * (jnp.log(2.0 * jnp.pi) + logvar + (x - mu) ** 2 / jnp.exp(logvar))


def setup_inputs(seed: int = 0) -> dict:
    key = jax.random.key(seed)
    k1, k2, k3, k4 = jax.random.split(key, 4)
    B, D, V = 16384, 128, 100000
    z = jax.random.normal(k1, (B, D), dtype=jnp.float32)
    idx = jax.random.randint(k2, (B,), 0, V, dtype=jnp.int64 if jax.config.jax_enable_x64 else jnp.int32)
    mu_prior = jnp.zeros((D, 1), dtype=jnp.float32)
    logvar_prior = jnp.zeros((D, 1), dtype=jnp.float32)
    logvar_uniform_prior = jnp.full((D, 1), 10.0, dtype=jnp.float32)
    user_mu = jax.random.normal(k3, (V, D), dtype=jnp.float32)
    user_logvar = jax.random.normal(k4, (V, D), dtype=jnp.float32)
    return {
        "z": z,
        "idx": idx,
        "mu_prior": mu_prior,
        "logvar_prior": logvar_prior,
        "logvar_uniform_prior": logvar_uniform_prior,
        "user_mu": user_mu,
        "user_logvar": user_logvar,
    }


def reference(z, idx, mu_prior, logvar_prior, logvar_uniform_prior, user_mu, user_logvar):
    sg = jax.lax.stop_gradient
    # component 1: shared prior gaussian
    d1 = log_norm_pdf(z[:, :, None], sg(mu_prior[None, :, :]), sg(logvar_prior[None, :, :])) + np.log(1.0 / 5.0 - 1.0 / 20.0)
    # component 2: per-user approximate posterior (embedding gather)
    mu_e = jnp.take(user_mu, idx, axis=0)
    lv_e = jnp.take(user_logvar, idx, axis=0)
    d2 = log_norm_pdf(z[:, :, None], sg(mu_e[:, :, None]), sg(lv_e[:, :, None])) + np.log(4.0 / 5.0 - 1.0 / 20.0)
    # component 3: wide (uniform-like) gaussian
    d3 = log_norm_pdf(z[:, :, None], sg(mu_prior[None, :, :]), sg(logvar_uniform_prior[None, :, :])) + np.log(1.0 / 10.0)
    density = jnp.concatenate([d1, d2, d3], axis=-1)
    return jax.scipy.special.logsumexp(density, axis=-1)

if __name__ == "__main__":
    import jax
    _d = setup_inputs()
    print(jax.jit(kernel)(*tuple(_d.values())))

</pallas_src>

<mosaic_0001>
#map = affine_map<(d0, d1) -> (0, 0)>
module attributes {stable_mosaic.version = 14 : i64} {
  func.func @k(%arg0: i32, %arg1: i32, %arg2: memref<100000x128xf32, #tpu.memory_space<hbm>>, %arg3: memref<100000x128xf32, #tpu.memory_space<hbm>>, %arg4: memref<16384x128xf32, #tpu.memory_space<hbm>>, %arg5: memref<128x128xi32, #tpu.memory_space<hbm>>, %arg6: memref<16384x128xf32, #tpu.memory_space<hbm>>, %arg7: memref<4x128xi32, #tpu.memory_space<vmem>>, %arg8: memref<2x128x128xf32, #tpu.memory_space<vmem>>, %arg9: memref<2x128x128xf32, #tpu.memory_space<vmem>>, %arg10: memref<2x128x128xf32, #tpu.memory_space<vmem>>, %arg11: memref<!tpu.dma_semaphore, #tpu.memory_space<semaphore_mem>>, %arg12: memref<!tpu.dma_semaphore, #tpu.memory_space<semaphore_mem>>, %arg13: memref<!tpu.dma_semaphore, #tpu.memory_space<semaphore_mem>>, %arg14: memref<!tpu.dma_semaphore, #tpu.memory_space<semaphore_mem>>) attributes {dimension_semantics = [#tpu.dimension_semantics<core_parallel>, #tpu.dimension_semantics<subcore_parallel>], iteration_bounds = array<i64: 2, 16>, scalar_prefetch = 0 : i64, scratch_operands = 8 : i64, tpu.core_type = #tpu.core_type<sc_vector_subcore>, window_params = [{transform_indices = #map}, {transform_indices = #map}, {transform_indices = #map}, {transform_indices = #map}, {transform_indices = #map}]} {
    %mul3A = arith.constant 2 : i32
    %mul3A_0 = arith.muli %arg1, %mul3A : i32
    %add3A = arith.addi %mul3A_0, %arg0 : i32
    %mul3A_1 = arith.constant 512 : i32
    %mul3A_2 = arith.muli %add3A, %mul3A_1 : i32
    %mul3A_3 = arith.constant 4 : i32
    %mul3A_4 = arith.muli %add3A, %mul3A_3 : i32
    "tpu.region"() ({
      %run_scoped3A = tpu.sem_alloc : memref<!tpu.dma_semaphore, #tpu.memory_space<semaphore_mem>>
      %dma_start3A_438 = arith.constant 0 : i32
      %dma_start3A_439 = tpu.memref_slice %arg5[%mul3A_4, %dma_start3A_438] : memref<128x128xi32, #tpu.memory_space<hbm>> -> memref<4x128xi32, #tpu.memory_space<hbm>>
      %dma_start3A_440 = arith.constant 0 : i32
      %dma_start3A_441 = tpu.memref_slice %arg5[%mul3A_4, %dma_start3A_440] : memref<128x128xi32, #tpu.memory_space<hbm>> -> memref<4x128xi32, #tpu.memory_space<hbm>>
      tpu.enqueue_dma source(%dma_start3A_441 : memref<4x128xi32, #tpu.memory_space<hbm>>) target(%arg7 : memref<4x128xi32, #tpu.memory_space<vmem>>) target_semaphore(%run_scoped3A : memref<!tpu.dma_semaphore, #tpu.memory_space<semaphore_mem>>)
      %dma_wait3A_442 = arith.constant 0 : i32
      %dma_wait3A_443 = tpu.memref_slice %arg5[%mul3A_4, %dma_wait3A_442] : memref<128x128xi32, #tpu.memory_space<hbm>> -> memref<4x128xi32, #tpu.memory_space<hbm>>
      %dma_wait3A_444 = arith.constant 0 : i32
      %dma_wait3A_445 = tpu.memref_slice %arg5[%mul3A_4, %dma_wait3A_444] : memref<128x128xi32, #tpu.memory_space<hbm>> -> memref<4x128xi32, #tpu.memory_space<hbm>>
      tpu.wait_dma2 semaphore(%run_scoped3A : memref<!tpu.dma_semaphore, #tpu.memory_space<semaphore_mem>>) src(%dma_wait3A_445 : memref<4x128xi32, #tpu.memory_space<hbm>>) dst(%arg7 : memref<4x128xi32, #tpu.memory_space<vmem>>)
      tpu.yield
    }) : () -> ()
    %add3A_5 = arith.constant 0 : i32
    %add3A_6 = arith.addi %mul3A_2, %add3A_5 : i32
    %dma_start3A = arith.constant 0 : i32
    %dma_start3A_7 = arith.constant 0 : i32
    %dma_start3A_8 = arith.constant 0 : i32
    %dma_start3A_9 = arith.constant 0 : i32
    %dma_start3A_10 = tpu.memref_slice %arg8[%dma_start3A_7, %dma_start3A_8, %dma_start3A_9] : memref<2x128x128xf32, #tpu.memory_space<vmem>> -> memref<1x128x128xf32, #tpu.memory_space<vmem>>
    %dma_start3A_11 = tpu.memref_squeeze %dma_start3A_10 : memref<1x128x128xf32, #tpu.memory_space<vmem>> -> memref<128x128xf32, #tpu.memory_space<vmem>>
    %dma_start3A_12 = arith.constant 0 : i32
    %dma_start3A_13 = tpu.memref_slice %arg7[%dma_start3A, %dma_start3A_12] : memref<4x128xi32, #tpu.memory_space<vmem>> -> memref<1x128xi32, #tpu.memory_space<vmem>>
    %dma_start3A_14 = tpu.memref_squeeze %dma_start3A_13 : memref<1x128xi32, #tpu.memory_space<vmem>> -> memref<128xi32, #tpu.memory_space<vmem>>
    %dma_start3A_15 = arith.constant 0 : i32
    %dma_start3A_16 = arith.constant 0 : i32
    %dma_start3A_17 = tpu.memref_slice %arg2[%dma_start3A_15, %dma_start3A_16] : memref<100000x128xf32, #tpu.memory_space<hbm>> -> memref<100000x128xf32, #tpu.memory_space<hbm>>
    tpu.enqueue_indirect_dma source(%dma_start3A_17 : memref<100000x128xf32, #tpu.memory_space<hbm>>) target(%dma_start3A_11 : memref<128x128xf32, #tpu.memory_space<vmem>>) offsets(%dma_start3A_14 : memref<128xi32, #tpu.memory_space<vmem>>) semaphore(%arg11 : memref<!tpu.dma_semaphore, #tpu.memory_space<semaphore_mem>>)
    %dma_start3A_18 = arith.constant 0 : i32
    %dma_start3A_19 = arith.constant 0 : i32
    %dma_start3A_20 = arith.constant 0 : i32
    %dma_start3A_21 = arith.constant 0 : i32
    %dma_start3A_22 = tpu.memref_slice %arg9[%dma_start3A_19, %dma_start3A_20, %dma_start3A_21] : memref<2x128x128xf32, #tpu.memory_space<vmem>> -> memref<1x128x128xf32, #tpu.memory_space<vmem>>
    %dma_start3A_23 = tpu.memref_squeeze %dma_start3A_22 : memref<1x128x128xf32, #tpu.memory_space<vmem>> -> memref<128x128xf32, #tpu.memory_space<vmem>>
    %dma_start3A_24 = arith.constant 0 : i32
    %dma_start3A_25 = tpu.memref_slice %arg7[%dma_start3A_18, %dma_start3A_24] : memref<4x128xi32, #tpu.memory_space<vmem>> -> memref<1x128xi32, #tpu.memory_space<vmem>>
    %dma_start3A_26 = tpu.memref_squeeze %dma_start3A_25 : memref<1x128xi32, #tpu.memory_space<vmem>> -> memref<128xi32, #tpu.memory_space<vmem>>
    %dma_start3A_27 = arith.constant 0 : i32
    %dma_start3A_28 = arith.constant 0 : i32
    %dma_start3A_29 = tpu.memref_slice %arg3[%dma_start3A_27, %dma_start3A_28] : memref<100000x128xf32, #tpu.memory_space<hbm>> -> memref<100000x128xf32, #tpu.memory_space<hbm>>
    tpu.enqueue_indirect_dma source(%dma_start3A_29 : memref<100000x128xf32, #tpu.memory_space<hbm>>) target(%dma_start3A_23 : memref<128x128xf32, #tpu.memory_space<vmem>>) offsets(%dma_start3A_26 : memref<128xi32, #tpu.memory_space<vmem>>) semaphore(%arg11 : memref<!tpu.dma_semaphore, #tpu.memory_space<semaphore_mem>>)
    %dma_start3A_30 = arith.constant 0 : i32
    %dma_start3A_31 = arith.constant 0 : i32
    %dma_start3A_32 = arith.constant 0 : i32
    %dma_start3A_33 = tpu.memref_slice %arg10[%dma_start3A_30, %dma_start3A_31, %dma_start3A_32] : memref<2x128x128xf32, #tpu.memory_space<vmem>> -> memref<1x128x128xf32, #tpu.memory_space<vmem>>
    %dma_start3A_34 = tpu.memref_squeeze %dma_start3A_33 : memref<1x128x128xf32, #tpu.memory_space<vmem>> -> memref<128x128xf32, #tpu.memory_space<vmem>>
    %dma_start3A_35 = arith.constant 0 : i32
    %dma_start3A_36 = tpu.memref_slice %arg4[%add3A_6, %dma_start3A_35] : memref<16384x128xf32, #tpu.memory_space<hbm>> -> memref<128x128xf32, #tpu.memory_space<hbm>>
    %dma_start3A_37 = arith.constant 0 : i32
    %dma_start3A_38 = arith.constant 0 : i32
    %dma_start3A_39 = tpu.memref_slice %arg10[%dma_start3A_30, %dma_start3A_37, %dma_start3A_38] : memref<2x128x128xf32, #tpu.memory_space<vmem>> -> memref<1x128x128xf32, #tpu.memory_space<vmem>>
    %dma_start3A_40 = tpu.memref_squeeze %dma_start3A_39 : memref<1x128x128xf32, #tpu.memory_space<vmem>> -> memref<128x128xf32, #tpu.memory_space<vmem>>
    %dma_start3A_41 = arith.constant 0 : i32
    %dma_start3A_42 = tpu.memref_slice %arg4[%add3A_6, %dma_start3A_41] : memref<16384x128xf32, #tpu.memory_space<hbm>> -> memref<128x128xf32, #tpu.memory_space<hbm>>
    tpu.enqueue_dma source(%dma_start3A_42 : memref<128x128xf32, #tpu.memory_space<hbm>>) target(%dma_start3A_40 : memref<128x128xf32, #tpu.memory_space<vmem>>) target_semaphore(%arg11 : memref<!tpu.dma_semaphore, #tpu.memory_space<semaphore_mem>>)
    %dma_wait3A = arith.constant 0 : i32
    %dma_wait3A_43 = arith.constant 0 : i32
    %dma_wait3A_44 = arith.constant 0 : i32
    %dma_wait3A_45 = arith.constant 0 : i32
    %dma_wait3A_46 = tpu.memref_slice %arg8[%dma_wait3A_43, %dma_wait3A_44, %dma_wait3A_45] : memref<2x128x128xf32, #tpu.memory_space<vmem>> -> memref<1x128x128xf32, #tpu.memory_space<vmem>>
    %dma_wait3A_47 = tpu.memref_squeeze %dma_wait3A_46 : memref<1x128x128xf32, #tpu.memory_space<vmem>> -> memref<128x128xf32, #tpu.memory_space<vmem>>
    %dma_wait3A_48 = arith.constant 0 : i32
    %dma_wait3A_49 = tpu.memref_slice %arg7[%dma_wait3A, %dma_wait3A_48] : memref<4x128xi32, #tpu.memory_space<vmem>> -> memref<1x128xi32, #tpu.memory_space<vmem>>
    %dma_wait3A_50 = tpu.memref_squeeze %dma_wait3A_49 : memref<1x128xi32, #tpu.memory_space<vmem>> -> memref<128xi32, #tpu.memory_space<vmem>>
    %dma_wait3A_51 = arith.constant 0 : i32
    %dma_wait3A_52 = arith.constant 0 : i32
    %dma_wait3A_53 = tpu.memref_slice %arg2[%dma_wait3A_51, %dma_wait3A_52] : memref<100000x128xf32, #tpu.memory_space<hbm>> -> memref<100000x128xf32, #tpu.memory_space<hbm>>
    tpu.wait_indirect_dma semaphore(%arg11 : memref<!tpu.dma_semaphore, #tpu.memory_space<semaphore_mem>>) src(%dma_wait3A_53 : memref<100000x128xf32, #tpu.memory_space<hbm>>) dst(%dma_wait3A_47 : memref<128x128xf32, #tpu.memory_space<vmem>>)
    %dma_wait3A_54 = arith.constant 0 : i32
    %dma_wait3A_55 = arith.constant 0 : i32
    %dma_wait3A_56 = arith.constant 0 : i32
    %dma_wait3A_57 = arith.constant 0 : i32
    %dma_wait3A_58 = tpu.memref_slice %arg9[%dma_wait3A_55, %dma_wait3A_56, %dma_wait3A_57] : memref<2x128x128xf32, #tpu.memory_space<vmem>> -> memref<1x128x128xf32, #tpu.memory_space<vmem>>
    %dma_wait3A_59 = tpu.memref_squeeze %dma_wait3A_58 : memref<1x128x128xf32, #tpu.memory_space<vmem>> -> memref<128x128xf32, #tpu.memory_space<vmem>>
    %dma_wait3A_60 = arith.constant 0 : i32
    %dma_wait3A_61 = tpu.memref_slice %arg7[%dma_wait3A_54, %dma_wait3A_60] : memref<4x128xi32, #tpu.memory_space<vmem>> -> memref<1x128xi32, #tpu.memory_space<vmem>>
    %dma_wait3A_62 = tpu.memref_squeeze %dma_wait3A_61 : memref<1x128xi32, #tpu.memory_space<vmem>> -> memref<128xi32, #tpu.memory_space<vmem>>
    %dma_wait3A_63 = arith.constant 0 : i32
    %dma_wait3A_64 = arith.constant 0 : i32
    %dma_wait3A_65 = tpu.memref_slice %arg3[%dma_wait3A_63, %dma_wait3A_64] : memref<100000x128xf32, #tpu.memory_space<hbm>> -> memref<100000x128xf32, #tpu.memory_space<hbm>>
    tpu.wait_indirect_dma semaphore(%arg11 : memref<!tpu.dma_semaphore, #tpu.memory_space<semaphore_mem>>) src(%dma_wait3A_65 : memref<100000x128xf32, #tpu.memory_space<hbm>>) dst(%dma_wait3A_59 : memref<128x128xf32, #tpu.memory_space<vmem>>)
    %dma_wait3A_66 = arith.constant 0 : i32
    %dma_wait3A_67 = arith.constant 0 : i32
    %dma_wait3A_68 = arith.constant 0 : i32
    %dma_wait3A_69 = tpu.memref_slice %arg10[%dma_wait3A_66, %dma_wait3A_67, %dma_wait3A_68] : memref<2x128x128xf32, #tpu.memory_space<vmem>> -> memref<1x128x128xf32, #tpu.memory_space<vmem>>
    %dma_wait3A_70 = tpu.memref_squeeze %dma_wait3A_69 : memref<1x128x128xf32, #tpu.memory_space<vmem>> -> memref<128x128xf32, #tpu.memory_space<vmem>>
    %dma_wait3A_71 = arith.constant 0 : i32
    %dma_wait3A_72 = tpu.memref_slice %arg4[%add3A_6, %dma_wait3A_71] : memref<16384x128xf32, #tpu.memory_space<hbm>> -> memref<128x128xf32, #tpu.memory_space<hbm>>
    %dma_wait3A_73 = arith.constant 0 : i32
    %dma_wait3A_74 = arith.constant 0 : i32
    %dma_wait3A_75 = tpu.memref_slice %arg10[%dma_wait3A_66, %dma_wait3A_73, %dma_wait3A_74] : memref<2x128x128xf32, #tpu.memory_space<vmem>> -> memref<1x128x128xf32, #tpu.memory_space<vmem>>
    %dma_wait3A_76 = tpu.memref_squeeze %dma_wait3A_75 : memref<1x128x128xf32, #tpu.memory_space<vmem>> -> memref<128x128xf32, #tpu.memory_space<vmem>>
    %dma_wait3A_77 = arith.constant 0 : i32
    %dma_wait3A_78 = tpu.memref_slice %arg4[%add3A_6, %dma_wait3A_77] : memref<16384x128xf32, #tpu.memory_space<hbm>> -> memref<128x128xf32, #tpu.memory_space<hbm>>
    tpu.wait_dma2 semaphore(%arg11 : memref<!tpu.dma_semaphore, #tpu.memory_space<semaphore_mem>>) src(%dma_wait3A_78 : memref<128x128xf32, #tpu.memory_space<hbm>>) dst(%dma_wait3A_76 : memref<128x128xf32, #tpu.memory_space<vmem>>)
    %add3A_79 = arith.constant 128 : i32
    %add3A_80 = arith.addi %mul3A_2, %add3A_79 : i32
    %dma_start3A_81 = arith.constant 1 : i32
    %dma_start3A_82 = arith.constant 1 : i32
    %dma_start3A_83 = arith.constant 0 : i32
    %dma_start3A_84 = arith.constant 0 : i32
    %dma_start3A_85 = tpu.memref_slice %arg8[%dma_start3A_82, %dma_start3A_83, %dma_start3A_84] : memref<2x128x128xf32, #tpu.memory_space<vmem>> -> memref<1x128x128xf32, #tpu.memory_space<vmem>>
    %dma_start3A_86 = tpu.memref_squeeze %dma_start3A_85 : memref<1x128x128xf32, #tpu.memory_space<vmem>> -> memref<128x128xf32, #tpu.memory_space<vmem>>
    %dma_start3A_87 = arith.constant 0 : i32
    %dma_start3A_88 = tpu.memref_slice %arg7[%dma_start3A_81, %dma_start3A_87] : memref<4x128xi32, #tpu.memory_space<vmem>> -> memref<1x128xi32, #tpu.memory_space<vmem>>
    %dma_start3A_89 = tpu.memref_squeeze %dma_start3A_88 : memref<1x128xi32, #tpu.memory_space<vmem>> -> memref<128xi32, #tpu.memory_space<vmem>>
    %dma_start3A_90 = arith.constant 0 : i32
    %dma_start3A_91 = arith.constant 0 : i32
    %dma_start3A_92 = tpu.memref_slice %arg2[%dma_start3A_90, %dma_start3A_91] : memref<100000x128xf32, #tpu.memory_space<hbm>> -> memref<100000x128xf32, #tpu.memory_space<hbm>>
    tpu.enqueue_indirect_dma source(%dma_start3A_92 : memref<100000x128xf32, #tpu.memory_space<hbm>>) target(%dma_start3A_86 : memref<128x128xf32, #tpu.memory_space<vmem>>) offsets(%dma_start3A_89 : memref<128xi32, #tpu.memory_space<vmem>>) semaphore(%arg12 : memref<!tpu.dma_semaphore, #tpu.memory_space<semaphore_mem>>)
    %dma_start3A_93 = arith.constant 1 : i32
    %dma_start3A_94 = arith.constant 1 : i32
    %dma_start3A_95 = arith.constant 0 : i32
    %dma_start3A_96 = arith.constant 0 : i32
    %dma_start3A_97 = tpu.memref_slice %arg9[%dma_start3A_94, %dma_start3A_95, %dma_start3A_96] : memref<2x128x128xf32, #tpu.memory_space<vmem>> -> memref<1x128x128xf32, #tpu.memory_space<vmem>>
    %dma_start3A_98 = tpu.memref_squeeze %dma_start3A_97 : memref<1x128x128xf32, #tpu.memory_space<vmem>> -> memref<128x128xf32, #tpu.memory_space<vmem>>
    %dma_start3A_99 = arith.constant 0 : i32
    %dma_start3A_100 = tpu.memref_slice %arg7[%dma_start3A_93, %dma_start3A_99] : memref<4x128xi32, #tpu.memory_space<vmem>> -> memref<1x128xi32, #tpu.memory_space<vmem>>
    %dma_start3A_101 = tpu.memref_squeeze %dma_start3A_100 : memref<1x128xi32, #tpu.memory_space<vmem>> -> memref<128xi32, #tpu.memory_space<vmem>>
    %dma_start3A_102 = arith.constant 0 : i32
    %dma_start3A_103 = arith.constant 0 : i32
    %dma_start3A_104 = tpu.memref_slice %arg3[%dma_start3A_102, %dma_start3A_103] : memref<100000x128xf32, #tpu.memory_space<hbm>> -> memref<100000x128xf32, #tpu.memory_space<hbm>>
    tpu.enqueue_indirect_dma source(%dma_start3A_104 : memref<100000x128xf32, #tpu.memory_space<hbm>>) target(%dma_start3A_98 : memref<128x128xf32, #tpu.memory_space<vmem>>) offsets(%dma_start3A_101 : memref<128xi32, #tpu.memory_space<vmem>>) semaphore(%arg12 : memref<!tpu.dma_semaphore, #tpu.memory_space<semaphore_mem>>)
    %dma_start3A_105 = arith.constant 1 : i32
    %dma_start3A_106 = arith.constant 0 : i32
    %dma_start3A_107 = arith.constant 0 : i32
    %dma_start3A_108 = tpu.memref_slice %arg10[%dma_start3A_105, %dma_start3A_106, %dma_start3A_107] : memref<2x128x128xf32, #tpu.memory_space<vmem>> -> memref<1x128x128xf32, #tpu.memory_space<vmem>>
    %dma_start3A_109 = tpu.memref_squeeze %dma_start3A_108 : memref<1x128x128xf32, #tpu.memory_space<vmem>> -> memref<128x128xf32, #tpu.memory_space<vmem>>
    %dma_start3A_110 = arith.constant 0 : i32
    %dma_start3A_111 = tpu.memref_slice %arg4[%add3A_80, %dma_start3A_110] : memref<16384x128xf32, #tpu.memory_space<hbm>> -> memref<128x128xf32, #tpu.memory_space<hbm>>
    %dma_start3A_112 = arith.constant 0 : i32
    %dma_start3A_113 = arith.constant 0 : i32
    %dma_start3A_114 = tpu.memref_slice %arg10[%dma_start3A_105, %dma_start3A_112, %dma_start3A_113] : memref<2x128x128xf32, #tpu.memory_space<vmem>> -> memref<1x128x128xf32, #tpu.memory_space<vmem>>
    %dma_start3A_115 = tpu.memref_squeeze %dma_start3A_114 : memref<1x128x128xf32, #tpu.memory_space<vmem>> -> memref<128x128xf32, #tpu.memory_space<vmem>>
    %dma_start3A_116 = arith.constant 0 : i32
    %dma_start3A_117 = tpu.memref_slice %arg4[%add3A_80, %dma_start3A_116] : memref<16384x128xf32, #tpu.memory_space<hbm>> -> memref<128x128xf32, #tpu.memory_space<hbm>>
    tpu.enqueue_dma source(%dma_start3A_117 : memref<128x128xf32, #tpu.memory_space<hbm>>) target(%dma_start3A_115 : memref<128x128xf32, #tpu.memory_space<vmem>>) target_semaphore(%arg12 : memref<!tpu.dma_semaphore, #tpu.memory_space<semaphore_mem>>)
    %scan3A = arith.constant 0 : i32
    %scan3A_118 = arith.constant 128 : i32
    %scan3A_119 = arith.addi %scan3A, %scan3A_118 : i32
    %scan3A_120 = arith.constant 1 : i32
    scf.for %scan3A_438 = %scan3A to %scan3A_119 step %scan3A_120  : i32 {
      %get3A = arith.constant 0 : i32
      %get3A_439 = arith.index_cast %get3A : i32 to index
      %get3A_440 = arith.index_cast %scan3A_438 : i32 to index
      %get3A_441 = arith.constant 0 : index
      %get3A_442 = tpu.vector_load %arg10[%get3A_439, %get3A_440, %get3A_441] {strides = array<i32>} : memref<2x128x128xf32, #tpu.memory_space<vmem>>, vector<1x1x16xf32>,
      %get3A_443 = vector.shape_cast %get3A_442 : vector<1x1x16xf32> to vector<16xf32>
      %get3A_444 = arith.constant 0 : i32
      %get3A_445 = arith.index_cast %get3A_444 : i32 to index
      %get3A_446 = arith.index_cast %scan3A_438 : i32 to index
      %get3A_447 = arith.constant 0 : index
      %get3A_448 = tpu.vector_load %arg8[%get3A_445, %get3A_446, %get3A_447] {strides = array<i32>} : memref<2x128x128xf32, #tpu.memory_space<vmem>>, vector<1x1x16xf32>,
      %get3A_449 = vector.shape_cast %get3A_448 : vector<1x1x16xf32> to vector<16xf32>
      %get3A_450 = arith.constant 0 : i32
      %get3A_451 = arith.index_cast %get3A_450 : i32 to index
      %get3A_452 = arith.index_cast %scan3A_438 : i32 to index
      %get3A_453 = arith.constant 0 : index
      %get3A_454 = tpu.vector_load %arg9[%get3A_451, %get3A_452, %get3A_453] {strides = array<i32>} : memref<2x128x128xf32, #tpu.memory_space<vmem>>, vector<1x1x16xf32>,
      %get3A_455 = vector.shape_cast %get3A_454 : vector<1x1x16xf32> to vector<16xf32>
      %sub3A = arith.subf %get3A_443, %get3A_449 : vector<16xf32>
      %mul3A_456 = arith.mulf %sub3A, %sub3A : vector<16xf32>
      %neg3A = arith.constant 0.000000e+00 : f32
      %neg3A_457 = vector.broadcast %neg3A : f32 to vector<16xf32>
      %neg3A_458 = arith.subf %neg3A_457, %get3A_455 : vector<16xf32>
      %exp3A = math.exp %neg3A_458 : vector<16xf32>
      %mul3A_459 = arith.mulf %mul3A_456, %exp3A : vector<16xf32>
      %add3A_460 = arith.addf %get3A_455, %mul3A_459 : vector<16xf32>
      %mul3A_461 = arith.constant 5.000000e-01 : f32
      %mul3A_462 = vector.broadcast %mul3A_461 : f32 to vector<16xf32>
      %mul3A_463 = arith.mulf %mul3A_462, %add3A_460 : vector<16xf32>
      %sub3A_464 = arith.constant -1.20662057 : f32
      %sub3A_465 = vector.broadcast %sub3A_464 : f32 to vector<16xf32>
      %sub3A_466 = arith.subf %sub3A_465, %mul3A_463 : vector<16xf32>
      %exp3A_467 = math.exp %sub3A_466 : vector<16xf32>
      %swap3A = arith.constant 0 : i32
      %swap3A_468 = arith.index_cast %swap3A : i32 to index
      %swap3A_469 = arith.index_cast %scan3A_438 : i32 to index
      %swap3A_470 = arith.constant 0 : index
      %swap3A_471 = tpu.vector_load %arg10[%swap3A_468, %swap3A_469, %swap3A_470] {strides = array<i32>} : memref<2x128x128xf32, #tpu.memory_space<vmem>>, vector<1x1x16xf32>,
      %swap3A_472 = vector.shape_cast %swap3A_471 : vector<1x1x16xf32> to vector<16xf32>
      %swap3A_473 = vector.shape_cast %exp3A_467 : vector<16xf32> to vector<1x1x16xf32>
      tpu.vector_store %arg10[%swap3A_468, %swap3A_469, %swap3A_470], %swap3A_473 {strides = array<i32>} : memref<2x128x128xf32, #tpu.memory_space<vmem>>, vector<1x1x16xf32>,
      %get3A_474 = arith.constant 0 : i32
      %get3A_475 = arith.index_cast %get3A_474 : i32 to index
      %get3A_476 = arith.index_cast %scan3A_438 : i32 to index
      %get3A_477 = arith.constant 16 : index
      %get3A_478 = tpu.vector_load %arg10[%get3A_475, %get3A_476, %get3A_477] {strides = array<i32>} : memref<2x128x128xf32, #tpu.memory_space<vmem>>, vector<1x1x16xf32>,
      %get3A_479 = vector.shape_cast %get3A_478 : vector<1x1x16xf32> to vector<16xf32>
      %get3A_480 = arith.constant 0 : i32
      %get3A_481 = arith.index_cast %get3A_480 : i32 to index
      %get3A_482 = arith.index_cast %scan3A_438 : i32 to index
      %get3A_483 = arith.constant 16 : index
      %get3A_484 = tpu.vector_load %arg8[%get3A_481, %get3A_482, %get3A_483] {strides = array<i32>} : memref<2x128x128xf32, #tpu.memory_space<vmem>>, vector<1x1x16xf32>,
      %get3A_485 = vector.shape_cast %get3A_484 : vector<1x1x16xf32> to vector<16xf32>
      %get3A_486 = arith.constant 0 : i32
      %get3A_487 = arith.index_cast %get3A_486 : i32 to index
      %get3A_488 = arith.index_cast %scan3A_438 : i32 to index
      %get3A_489 = arith.constant 16 : index
      %get3A_490 = tpu.vector_load %arg9[%get3A_487, %get3A_488, %get3A_489] {strides = array<i32>} : memref<2x128x128xf32, #tpu.memory_space<vmem>>, vector<1x1x16xf32>,
      %get3A_491 = vector.shape_cast %get3A_490 : vector<1x1x16xf32> to vector<16xf32>
      %sub3A_492 = arith.subf %get3A_479, %get3A_485 : vector<16xf32>
      %mul3A_493 = arith.mulf %sub3A_492, %sub3A_492 : vector<16xf32>
      %neg3A_494 = arith.constant 0.000000e+00 : f32
      %neg3A_495 = vector.broadcast %neg3A_494 : f32 to vector<16xf32>
      %neg3A_496 = arith.subf %neg3A_495, %get3A_491 : vector<16xf32>
      %exp3A_497 = math.exp %neg3A_496 : vector<16xf32>
      %mul3A_498 = arith.mulf %mul3A_493, %exp3A_497 : vector<16xf32>
      %add3A_499 = arith.addf %get3A_491, %mul3A_498 : vector<16xf32>
      %mul3A_500 = arith.constant 5.000000e-01 : f32
      %mul3A_501 = vector.broadcast %mul3A_500 : f32 to vector<16xf32>
      %mul3A_502 = arith.mulf %mul3A_501, %add3A_499 : vector<16xf32>
      %sub3A_503 = arith.constant -1.20662057 : f32
      %sub3A_504 = vector.broadcast %sub3A_503 : f32 to vector<16xf32>
      %sub3A_505 = arith.subf %sub3A_504, %mul3A_502 : vector<16xf32>
      %exp3A_506 = math.exp %sub3A_505 : vector<16xf32>
      %swap3A_507 = arith.constant 0 : i32
      %swap3A_508 = arith.index_cast %swap3A_507 : i32 to index
      %swap3A_509 = arith.index_cast %scan3A_438 : i32 to index
      %swap3A_510 = arith.constant 16 : index
      %swap3A_511 = tpu.vector_load %arg10[%swap3A_508, %swap3A_509, %swap3A_510] {strides = array<i32>} : memref<2x128x128xf32, #tpu.memory_space<vmem>>, vector<1x1x16xf32>,
      %swap3A_512 = vector.shape_cast %swap3A_511 : vector<1x1x16xf32> to vector<16xf32>
      %swap3A_513 = vector.shape_cast %exp3A_506 : vector<16xf32> to vector<1x1x16xf32>
      tpu.vector_store %arg10[%swap3A_508, %swap3A_509, %swap3A_510], %swap3A_513 {strides = array<i32>} : memref<2x128x128xf32, #tpu.memory_space<vmem>>, vector<1x1x16xf32>,
      %get3A_514 = arith.constant 0 : i32
      %get3A_515 = arith.index_cast %get3A_514 : i32 to index
      %get3A_516 = arith.index_cast %scan3A_438 : i32 to index
      %get3A_517 = arith.constant 32 : index
      %get3A_518 = tpu.vector_load %arg10[%get3A_515, %get3A_516, %get3A_517] {strides = array<i32>} : memref<2x128x128xf32, #tpu.memory_space<vmem>>, vector<1x1x16xf32>,
      %get3A_519 = vector.shape_cast %get3A_518 : vector<1x1x16xf32> to vector<16xf32>
      %get3A_520 = arith.constant 0 : i32
      %get3A_521 = arith.index_cast %get3A_520 : i32 to index
      %get3A_522 = arith.index_cast %scan3A_438 : i32 to index
      %get3A_523 = arith.constant 32 : index
      %get3A_524 = tpu.vector_load %arg8[%get3A_521, %get3A_522, %get3A_523] {strides = array<i32>} : memref<2x128x128xf32, #tpu.memory_space<vmem>>, vector<1x1x16xf32>,
      %get3A_525 = vector.shape_cast %get3A_524 : vector<1x1x16xf32> to vector<16xf32>
      %get3A_526 = arith.constant 0 : i32
      %get3A_527 = arith.index_cast %get3A_526 : i32 to index
      %get3A_528 = arith.index_cast %scan3A_438 : i32 to index
      %get3A_529 = arith.constant 32 : index
      %get3A_530 = tpu.vector_load %arg9[%get3A_527, %get3A_528, %get3A_529] {strides = array<i32>} : memref<2x128x128xf32, #tpu.memory_space<vmem>>, vector<1x1x16xf32>,
      %get3A_531 = vector.shape_cast %get3A_530 : vector<1x1x16xf32> to vector<16xf32>
      %sub3A_532 = arith.subf %get3A_519, %get3A_525 : vector<16xf32>
      %mul3A_533 = arith.mulf %sub3A_532, %sub3A_532 : vector<16xf32>
      %neg3A_534 = arith.constant 0.000000e+00 : f32
      %neg3A_535 = vector.broadcast %neg3A_534 : f32 to vector<16xf32>
      %neg3A_536 = arith.subf %neg3A_535, %get3A_531 : vector<16xf32>
      %exp3A_537 = math.exp %neg3A_536 : vector<16xf32>
      %mul3A_538 = arith.mulf %mul3A_533, %exp3A_537 : vector<16xf32>
      %add3A_539 = arith.addf %get3A_531, %mul3A_538 : vector<16xf32>
      %mul3A_540 = arith.constant 5.000000e-01 : f32
      %mul3A_541 = vector.broadcast %mul3A_540 : f32 to vector<16xf32>
      %mul3A_542 = arith.mulf %mul3A_541, %add3A_539 : vector<16xf32>
      %sub3A_543 = arith.constant -1.20662057 : f32
      %sub3A_544 = vector.broadcast %sub3A_543 : f32 to vector<16xf32>
      %sub3A_545 = arith.subf %sub3A_544, %mul3A_542 : vector<16xf32>
      %exp3A_546 = math.exp %sub3A_545 : vector<16xf32>
      %swap3A_547 = arith.constant 0 : i32
      %swap3A_548 = arith.index_cast %swap3A_547 : i32 to index
      %swap3A_549 = arith.index_cast %scan3A_438 : i32 to index
      %swap3A_550 = arith.constant 32 : index
      %swap3A_551 = tpu.vector_load %arg10[%swap3A_548, %swap3A_549, %swap3A_550] {strides = array<i32>} : memref<2x128x128xf32, #tpu.memory_space<vmem>>, vector<1x1x16xf32>,
      %swap3A_552 = vector.shape_cast %swap3A_551 : vector<1x1x16xf32> to vector<16xf32>
      %swap3A_553 = vector.shape_cast %exp3A_546 : vector<16xf32> to vector<1x1x16xf32>
      tpu.vector_store %arg10[%swap3A_548, %swap3A_549, %swap3A_550], %swap3A_553 {strides = array<i32>} : memref<2x128x128xf32, #tpu.memory_space<vmem>>, vector<1x1x16xf32>,
      %get3A_554 = arith.constant 0 : i32
      %get3A_555 = arith.index_cast %get3A_554 : i32 to index
      %get3A_556 = arith.index_cast %scan3A_438 : i32 to index
      %get3A_557 = arith.constant 48 : index
      %get3A_558 = tpu.vector_load %arg10[%get3A_555, %get3A_556, %get3A_557] {strides = array<i32>} : memref<2x128x128xf32, #tpu.memory_space<vmem>>, vector<1x1x16xf32>,
      %get3A_559 = vector.shape_cast %get3A_558 : vector<1x1x16xf32> to vector<16xf32>
      %get3A_560 = arith.constant 0 : i32
      %get3A_561 = arith.index_cast %get3A_560 : i32 to index
      %get3A_562 = arith.index_cast %scan3A_438 : i32 to index
      %get3A_563 = arith.constant 48 : index
      %get3A_564 = tpu.vector_load %arg8[%get3A_561, %get3A_562, %get3A_563] {strides = array<i32>} : memref<2x128x128xf32, #tpu.memory_space<vmem>>, vector<1x1x16xf32>,
      %get3A_565 = vector.shape_cast %get3A_564 : vector<1x1x16xf32> to vector<16xf32>
      %get3A_566 = arith.constant 0 : i32
      %get3A_567 = arith.index_cast %get3A_566 : i32 to index
      %get3A_568 = arith.index_cast %scan3A_438 : i32 to index
      %get3A_569 = arith.constant 48 : index
      %get3A_570 = tpu.vector_load %arg9[%get3A_567, %get3A_568, %get3A_569] {strides = array<i32>} : memref<2x128x128xf32, #tpu.memory_space<vmem>>, vector<1x1x16xf32>,
      %get3A_571 = vector.shape_cast %get3A_570 : vector<1x1x16xf32> to vector<16xf32>
      %sub3A_572 = arith.subf %get3A_559, %get3A_565 : vector<16xf32>
      %mul3A_573 = arith.mulf %sub3A_572, %sub3A_572 : vector<16xf32>
      %neg3A_574 = arith.constant 0.000000e+00 : f32
      %neg3A_575 = vector.broadcast %neg3A_574 : f32 to vector<16xf32>
      %neg3A_576 = arith.subf %neg3A_575, %get3A_571 : vector<16xf32>
      %exp3A_577 = math.exp %neg3A_576 : vector<16xf32>
      %mul3A_578 = arith.mulf %mul3A_573, %exp3A_577 : vector<16xf32>
      %add3A_579 = arith.addf %get3A_571, %mul3A_578 : vector<16xf32>
      %mul3A_580 = arith.constant 5.000000e-01 : f32
      %mul3A_581 = vector.broadcast %mul3A_580 : f32 to vector<16xf32>
      %mul3A_582 = arith.mulf %mul3A_581, %add3A_579 : vector<16xf32>
      %sub3A_583 = arith.constant -1.20662057 : f32
      %sub3A_584 = vector.broadcast %sub3A_583 : f32 to vector<16xf32>
      %sub3A_585 = arith.subf %sub3A_584, %mul3A_582 : vector<16xf32>
      %exp3A_586 = math.exp %sub3A_585 : vector<16xf32>
      %swap3A_587 = arith.constant 0 : i32
      %swap3A_588 = arith.index_cast %swap3A_587 : i32 to index
      %swap3A_589 = arith.index_cast %scan3A_438 : i32 to index
      %swap3A_590 = arith.constant 48 : index
      %swap3A_591 = tpu.vector_load %arg10[%swap3A_588, %swap3A_589, %swap3A_590] {strides = array<i32>} : memref<2x128x128xf32, #tpu.memory_space<vmem>>, vector<1x1x16xf32>,
      %swap3A_592 = vector.shape_cast %swap3A_591 : vector<1x1x16xf32> to vector<16xf32>
      %swap3A_593 = vector.shape_cast %exp3A_586 : vector<16xf32> to vector<1x1x16xf32>
      tpu.vector_store %arg10[%swap3A_588, %swap3A_589, %swap3A_590], %swap3A_593 {strides = array<i32>} : memref<2x128x128xf32, #tpu.memory_space<vmem>>, vector<1x1x16xf32>,
      %get3A_594 = arith.constant 0 : i32
      %get3A_595 = arith.index_cast %get3A_594 : i32 to index
      %get3A_596 = arith.index_cast %scan3A_438 : i32 to index
      %get3A_597 = arith.constant 64 : index
      %get3A_598 = tpu.vector_load %arg10[%get3A_595, %get3A_596, %get3A_597] {strides = array<i32>} : memref<2x128x128xf32, #tpu.memory_space<vmem>>, vector<1x1x16xf32>,
      %get3A_599 = vector.shape_cast %get3A_598 : vector<1x1x16xf32> to vector<16xf32>
      %get3A_600 = arith.constant 0 : i32
      %get3A_601 = arith.index_cast %get3A_600 : i32 to index
      %get3A_602 = arith.index_cast %scan3A_438 : i32 to index
      %get3A_603 = arith.constant 64 : index
      %get3A_604 = tpu.vector_load %arg8[%get3A_601, %get3A_602, %get3A_603] {strides = array<i32>} : memref<2x128x128xf32, #tpu.memory_space<vmem>>, vector<1x1x16xf32>,
      %get3A_605 = vector.shape_cast %get3A_604 : vector<1x1x16xf32> to vector<16xf32>
      %get3A_606 = arith.constant 0 : i32
      %get3A_607 = arith.index_cast %get3A_606 : i32 to index
      %get3A_608 = arith.index_cast %scan3A_438 : i32 to index
      %get3A_609 = arith.constant 64 : index
      %get3A_610 = tpu.vector_load %arg9[%get3A_607, %get3A_608, %get3A_609] {strides = array<i32>} : memref<2x128x128xf32, #tpu.memory_space<vmem>>, vector<1x1x16xf32>,
      %get3A_611 = vector.shape_cast %get3A_610 : vector<1x1x16xf32> to vector<16xf32>
      %sub3A_612 = arith.subf %get3A_599, %get3A_605 : vector<16xf32>
      %mul3A_613 = arith.mulf %sub3A_612, %sub3A_612 : vector<16xf32>
      %neg3A_614 = arith.constant 0.000000e+00 : f32
      %neg3A_615 = vector.broadcast %neg3A_614 : f32 to vector<16xf32>
      %neg3A_616 = arith.subf %neg3A_615, %get3A_611 : vector<16xf32>
      %exp3A_617 = math.exp %neg3A_616 : vector<16xf32>
      %mul3A_618 = arith.mulf %mul3A_613, %exp3A_617 : vector<16xf32>
      %add3A_619 = arith.addf %get3A_611, %mul3A_618 : vector<16xf32>
      %mul3A_620 = arith.constant 5.000000e-01 : f32
      %mul3A_621 = vector.broadcast %mul3A_620 : f32 to vector<16xf32>
      %mul3A_622 = arith.mulf %mul3A_621, %add3A_619 : vector<16xf32>
      %sub3A_623 = arith.constant -1.20662057 : f32
      %sub3A_624 = vector.broadcast %sub3A_623 : f32 to vector<16xf32>
      %sub3A_625 = arith.subf %sub3A_624, %mul3A_622 : vector<16xf32>
      %exp3A_626 = math.exp %sub3A_625 : vector<16xf32>
      %swap3A_627 = arith.constant 0 : i32
      %swap3A_628 = arith.index_cast %swap3A_627 : i32 to index
      %swap3A_629 = arith.index_cast %scan3A_438 : i32 to index
      %swap3A_630 = arith.constant 64 : index
      %swap3A_631 = tpu.vector_load %arg10[%swap3A_628, %swap3A_629, %swap3A_630] {strides = array<i32>} : memref<2x128x128xf32, #tpu.memory_space<vmem>>, vector<1x1x16xf32>,
      %swap3A_632 = vector.shape_cast %swap3A_631 : vector<1x1x16xf32> to vector<16xf32>
      %swap3A_633 = vector.shape_cast %exp3A_626 : vector<16xf32> to vector<1x1x16xf32>
      tpu.vector_store %arg10[%swap3A_628, %swap3A_629, %swap3A_630], %swap3A_633 {strides = array<i32>} : memref<2x128x128xf32, #tpu.memory_space<vmem>>, vector<1x1x16xf32>,
      %get3A_634 = arith.constant 0 : i32
      %get3A_635 = arith.index_cast %get3A_634 : i32 to index
      %get3A_636 = arith.index_cast %scan3A_438 : i32 to index
      %get3A_637 = arith.constant 80 : index
      %get3A_638 = tpu.vector_load %arg10[%get3A_635, %get3A_636, %get3A_637] {strides = array<i32>} : memref<2x128x128xf32, #tpu.memory_space<vmem>>, vector<1x1x16xf32>,
      %get3A_639 = vector.shape_cast %get3A_638 : vector<1x1x16xf32> to vector<16xf32>
      %get3A_640 = arith.constant 0 : i32
      %get3A_641 = arith.index_cast %get3A_640 : i32 to index
      %get3A_642 = arith.index_cast %scan3A_438 : i32 to index
      %get3A_643 = arith.constant 80 : index
      %get3A_644 = tpu.vector_load %arg8[%get3A_641, %get3A_642, %get3A_643] {strides = array<i32>} : memref<2x128x128xf32, #tpu.memory_space<vmem>>, vector<1x1x16xf32>,
      %get3A_645 = vector.shape_cast %get3A_644 : vector<1x1x16xf32> to vector<16xf32>
      %get3A_646 = arith.constant 0 : i32
      %get3A_647 = arith.index_cast %get3A_646 : i32 to index
      %get3A_648 = arith.index_cast %scan3A_438 : i32 to index
      %get3A_649 = arith.constant 80 : index
      %get3A_650 = tpu.vector_load %arg9[%get3A_647, %get3A_648, %get3A_649] {strides = array<i32>} : memref<2x128x128xf32, #tpu.memory_space<vmem>>, vector<1x1x16xf32>,
      %get3A_651 = vector.shape_cast %get3A_650 : vector<1x1x16xf32> to vector<16xf32>
      %sub3A_652 = arith.subf %get3A_639, %get3A_645 : vector<16xf32>
      %mul3A_653 = arith.mulf %sub3A_652, %sub3A_652 : vector<16xf32>
      %neg3A_654 = arith.constant 0.000000e+00 : f32
      %neg3A_655 = vector.broadcast %neg3A_654 : f32 to vector<16xf32>
      %neg3A_656 = arith.subf %neg3A_655, %get3A_651 : vector<16xf32>
      %exp3A_657 = math.exp %neg3A_656 : vector<16xf32>
      %mul3A_658 = arith.mulf %mul3A_653, %exp3A_657 : vector<16xf32>
      %add3A_659 = arith.addf %get3A_651, %mul3A_658 : vector<16xf32>
      %mul3A_660 = arith.constant 5.000000e-01 : f32
      %mul3A_661 = vector.broadcast %mul3A_660 : f32 to vector<16xf32>
      %mul3A_662 = arith.mulf %mul3A_661, %add3A_659 : vector<16xf32>
      %sub3A_663 = arith.constant -1.20662057 : f32
      %sub3A_664 = vector.broadcast %sub3A_663 : f32 to vector<16xf32>
      %sub3A_665 = arith.subf %sub3A_664, %mul3A_662 : vector<16xf32>
      %exp3A_666 = math.exp %sub3A_665 : vector<16xf32>
      %swap3A_667 = arith.constant 0 : i32
      %swap3A_668 = arith.index_cast %swap3A_667 : i32 to index
      %swap3A_669 = arith.index_cast %scan3A_438 : i32 to index
      %swap3A_670 = arith.constant 80 : index
      %swap3A_671 = tpu.vector_load %arg10[%swap3A_668, %swap3A_669, %swap3A_670] {strides = array<i32>} : memref<2x128x128xf32, #tpu.memory_space<vmem>>, vector<1x1x16xf32>,
      %swap3A_672 = vector.shape_cast %swap3A_671 : vector<1x1x16xf32> to vector<16xf32>
      %swap3A_673 = vector.shape_cast %exp3A_666 : vector<16xf32> to vector<1x1x16xf32>
      tpu.vector_store %arg10[%swap3A_668, %swap3A_669, %swap3A_670], %swap3A_673 {strides = array<i32>} : memref<2x128x128xf32, #tpu.memory_space<vmem>>, vector<1x1x16xf32>,
      %get3A_674 = arith.constant 0 : i32
      %get3A_675 = arith.index_cast %get3A_674 : i32 to index
      %get3A_676 = arith.index_cast %scan3A_438 : i32 to index
      %get3A_677 = arith.constant 96 : index
      %get3A_678 = tpu.vector_load %arg10[%get3A_675, %get3A_676, %get3A_677] {strides = array<i32>} : memref<2x128x128xf32, #tpu.memory_space<vmem>>, vector<1x1x16xf32>,
      %get3A_679 = vector.shape_cast %get3A_678 : vector<1x1x16xf32> to vector<16xf32>
      %get3A_680 = arith.constant 0 : i32
      %get3A_681 = arith.index_cast %get3A_680 : i32 to index
      %get3A_682 = arith.index_cast %scan3A_438 : i32 to index
      %get3A_683 = arith.constant 96 : index
      %get3A_684 = tpu.vector_load %arg8[%get3A_681, %get3A_682, %get3A_683] {strides = array<i32>} : memref<2x128x128xf32, #tpu.memory_space<vmem>>, vector<1x1x16xf32>,
      %get3A_685 = vector.shape_cast %get3A_684 : vector<1x1x16xf32> to vector<16xf32>
      %get3A_686 = arith.constant 0 : i32
      %get3A_687 = arith.index_cast %get3A_686 : i32 to index
      %get3A_688 = arith.index_cast %scan3A_438 : i32 to index
      %get3A_689 = arith.constant 96 : index
      %get3A_690 = tpu.vector_load %arg9[%get3A_687, %get3A_688, %get3A_689] {strides = array<i32>} : memref<2x128x128xf32, #tpu.memory_space<vmem>>, vector<1x1x16xf32>,
      %get3A_691 = vector.shape_cast %get3A_690 : vector<1x1x16xf32> to vector<16xf32>
      %sub3A_692 = arith.subf %get3A_679, %get3A_685 : vector<16xf32>
      %mul3A_693 = arith.mulf %sub3A_692, %sub3A_692 : vector<16xf32>
      %neg3A_694 = arith.constant 0.000000e+00 : f32
      %neg3A_695 = vector.broadcast %neg3A_694 : f32 to vector<16xf32>
      %neg3A_696 = arith.subf %neg3A_695, %get3A_691 : vector<16xf32>
      %exp3A_697 = math.exp %neg3A_696 : vector<16xf32>
      %mul3A_698 = arith.mulf %mul3A_693, %exp3A_697 : vector<16xf32>
      %add3A_699 = arith.addf %get3A_691, %mul3A_698 : vector<16xf32>
      %mul3A_700 = arith.constant 5.000000e-01 : f32
      %mul3A_701 = vector.broadcast %mul3A_700 : f32 to vector<16xf32>
      %mul3A_702 = arith.mulf %mul3A_701, %add3A_699 : vector<16xf32>
      %sub3A_703 = arith.constant -1.20662057 : f32
      %sub3A_704 = vector.broadcast %sub3A_703 : f32 to vector<16xf32>
      %sub3A_705 = arith.subf %sub3A_704, %mul3A_702 : vector<16xf32>
      %exp3A_706 = math.exp %sub3A_705 : vector<16xf32>
      %swap3A_707 = arith.constant 0 : i32
      %swap3A_708 = arith.index_cast %swap3A_707 : i32 to index
      %swap3A_709 = arith.index_cast %scan3A_438 : i32 to index
      %swap3A_710 = arith.constant 96 : index
      %swap3A_711 = tpu.vector_load %arg10[%swap3A_708, %swap3A_709, %swap3A_710] {strides = array<i32>} : memref<2x128x128xf32, #tpu.memory_space<vmem>>, vector<1x1x16xf32>,
      %swap3A_712 = vector.shape_cast %swap3A_711 : vector<1x1x16xf32> to vector<16xf32>
      %swap3A_713 = vector.shape_cast %exp3A_706 : vector<16xf32> to vector<1x1x16xf32>
      tpu.vector_store %arg10[%swap3A_708, %swap3A_709, %swap3A_710], %swap3A_713 {strides = array<i32>} : memref<2x128x128xf32, #tpu.memory_space<vmem>>, vector<1x1x16xf32>,
      %get3A_714 = arith.constant 0 : i32
      %get3A_715 = arith.index_cast %get3A_714 : i32 to index
      %get3A_716 = arith.index_cast %scan3A_438 : i32 to index
      %get3A_717 = arith.constant 112 : index
      %get3A_718 = tpu.vector_load %arg10[%get3A_715, %get3A_716, %get3A_717] {strides = array<i32>} : memref<2x128x128xf32, #tpu.memory_space<vmem>>, vector<1x1x16xf32>,
      %get3A_719 = vector.shape_cast %get3A_718 : vector<1x1x16xf32> to vector<16xf32>
      %get3A_720 = arith.constant 0 : i32
      %get3A_721 = arith.index_cast %get3A_720 : i32 to index
      %get3A_722 = arith.index_cast %scan3A_438 : i32 to index
      %get3A_723 = arith.constant 112 : index
      %get3A_724 = tpu.vector_load %arg8[%get3A_721, %get3A_722, %get3A_723] {strides = array<i32>} : memref<2x128x128xf32, #tpu.memory_space<vmem>>, vector<1x1x16xf32>,
      %get3A_725 = vector.shape_cast %get3A_724 : vector<1x1x16xf32> to vector<16xf32>
      %get3A_726 = arith.constant 0 : i32
      %get3A_727 = arith.index_cast %get3A_726 : i32 to index
      %get3A_728 = arith.index_cast %scan3A_438 : i32 to index
      %get3A_729 = arith.constant 112 : index
      %get3A_730 = tpu.vector_load %arg9[%get3A_727, %get3A_728, %get3A_729] {strides = array<i32>} : memref<2x128x128xf32, #tpu.memory_space<vmem>>, vector<1x1x16xf32>,
      %get3A_731 = vector.shape_cast %get3A_730 : vector<1x1x16xf32> to vector<16xf32>
      %sub3A_732 = arith.subf %get3A_719, %get3A_725 : vector<16xf32>
      %mul3A_733 = arith.mulf %sub3A_732, %sub3A_732 : vector<16xf32>
      %neg3A_734 = arith.constant 0.000000e+00 : f32
      %neg3A_735 = vector.broadcast %neg3A_734 : f32 to vector<16xf32>
      %neg3A_736 = arith.subf %neg3A_735, %get3A_731 : vector<16xf32>
      %exp3A_737 = math.exp %neg3A_736 : vector<16xf32>
      %mul3A_738 = arith.mulf %mul3A_733, %exp3A_737 : vector<16xf32>
      %add3A_739 = arith.addf %get3A_731, %mul3A_738 : vector<16xf32>
      %mul3A_740 = arith.constant 5.000000e-01 : f32
      %mul3A_741 = vector.broadcast %mul3A_740 : f32 to vector<16xf32>
      %mul3A_742 = arith.mulf %mul3A_741, %add3A_739 : vector<16xf32>
      %sub3A_743 = arith.constant -1.20662057 : f32
      %sub3A_744 = vector.broadcast %sub3A_743 : f32 to vector<16xf32>
      %sub3A_745 = arith.subf %sub3A_744, %mul3A_742 : vector<16xf32>
      %exp3A_746 = math.exp %sub3A_745 : vector<16xf32>
      %swap3A_747 = arith.constant 0 : i32
      %swap3A_748 = arith.index_cast %swap3A_747 : i32 to index
      %swap3A_749 = arith.index_cast %scan3A_438 : i32 to index
      %swap3A_750 = arith.constant 112 : index
      %swap3A_751 = tpu.vector_load %arg10[%swap3A_748, %swap3A_749, %swap3A_750] {strides = array<i32>} : memref<2x128x128xf32, #tpu.memory_space<vmem>>, vector<1x1x16xf32>,
      %swap3A_752 = vector.shape_cast %swap3A_751 : vector<1x1x16xf32> to vector<16xf32>
      %swap3A_753 = vector.shape_cast %exp3A_746 : vector<16xf32> to vector<1x1x16xf32>
      tpu.vector_store %arg10[%swap3A_748, %swap3A_749, %swap3A_750], %swap3A_753 {strides = array<i32>} : memref<2x128x128xf32, #tpu.memory_space<vmem>>, vector<1x1x16xf32>,
    }
    %scan3A_121 = arith.constant 128 : i32
    %add3A_122 = arith.constant 0 : i32
    %add3A_123 = arith.addi %mul3A_2, %add3A_122 : i32
    %dma_start3A_124 = arith.constant 0 : i32
    %dma_start3A_125 = arith.constant 0 : i32
    %dma_start3A_126 = arith.constant 0 : i32
    %dma_start3A_127 = tpu.memref_slice %arg10[%dma_start3A_124, %dma_start3A_125, %dma_start3A_126] : memref<2x128x128xf32, #tpu.memory_space<vmem>> -> memref<1x128x128xf32, #tpu.memory_space<vmem>>
    %dma_start3A_128 = tpu.memref_squeeze %dma_start3A_127 : memref<1x128x128xf32, #tpu.memory_space<vmem>> -> memref<128x128xf32, #tpu.memory_space<vmem>>
    %dma_start3A_129 = arith.constant 0 : i32
    %dma_start3A_130 = tpu.memref_slice %arg6[%add3A_123, %dma_start3A_129] : memref<16384x128xf32, #tpu.memory_space<hbm>> -> memref<128x128xf32, #tpu.memory_space<hbm>>
    %dma_start3A_131 = arith.constant 0 : i32
    %dma_start3A_132 = tpu.memref_slice %arg6[%add3A_123, %dma_start3A_131] : memref<16384x128xf32, #tpu.memory_space<hbm>> -> memref<128x128xf32, #tpu.memory_space<hbm>>
    %dma_start3A_133 = arith.constant 0 : i32
    %dma_start3A_134 = arith.constant 0 : i32
    %dma_start3A_135 = tpu.memref_slice %arg10[%dma_start3A_124, %dma_start3A_133, %dma_start3A_134] : memref<2x128x128xf32, #tpu.memory_space<vmem>> -> memref<1x128x128xf32, #tpu.memory_space<vmem>>
    %dma_start3A_136 = tpu.memref_squeeze %dma_start3A_135 : memref<1x128x128xf32, #tpu.memory_space<vmem>> -> memref<128x128xf32, #tpu.memory_space<vmem>>
    tpu.enqueue_dma source(%dma_start3A_136 : memref<128x128xf32, #tpu.memory_space<vmem>>) target(%dma_start3A_132 : memref<128x128xf32, #tpu.memory_space<hbm>>) target_semaphore(%arg13 : memref<!tpu.dma_semaphore, #tpu.memory_space<semaphore_mem>>)
    %dma_wait3A_137 = arith.constant 1 : i32
    %dma_wait3A_138 = arith.constant 1 : i32
    %dma_wait3A_139 = arith.constant 0 : i32
    %dma_wait3A_140 = arith.constant 0 : i32
    %dma_wait3A_141 = tpu.memref_slice %arg8[%dma_wait3A_138, %dma_wait3A_139, %dma_wait3A_140] : memref<2x128x128xf32, #tpu.memory_space<vmem>> -> memref<1x128x128xf32, #tpu.memory_space<vmem>>
    %dma_wait3A_142 = tpu.memref_squeeze %dma_wait3A_141 : memref<1x128x128xf32, #tpu.memory_space<vmem>> -> memref<128x128xf32, #tpu.memory_space<vmem>>
    %dma_wait3A_143 = arith.constant 0 : i32
    %dma_wait3A_144 = tpu.memref_slice %arg7[%dma_wait3A_137, %dma_wait3A_143] : memref<4x128xi32, #tpu.memory_space<vmem>> -> memref<1x128xi32, #tpu.memory_space<vmem>>
    %dma_wait3A_145 = tpu.memref_squeeze %dma_wait3A_144 : memref<1x128xi32, #tpu.memory_space<vmem>> -> memref<128xi32, #tpu.memory_space<vmem>>
    %dma_wait3A_146 = arith.constant 0 : i32
    %dma_wait3A_147 = arith.constant 0 : i32
    %dma_wait3A_148 = tpu.memref_slice %arg2[%dma_wait3A_146, %dma_wait3A_147] : memref<100000x128xf32, #tpu.memory_space<hbm>> -> memref<100000x128xf32, #tpu.memory_space<hbm>>
    tpu.wait_indirect_dma semaphore(%arg12 : memref<!tpu.dma_semaphore, #tpu.memory_space<semaphore_mem>>) src(%dma_wait3A_148 : memref<100000x128xf32, #tpu.memory_space<hbm>>) dst(%dma_wait3A_142 : memref<128x128xf32, #tpu.memory_space<vmem>>)
    %dma_wait3A_149 = arith.constant 1 : i32
    %dma_wait3A_150 = arith.constant 1 : i32
    %dma_wait3A_151 = arith.constant 0 : i32
    %dma_wait3A_152 = arith.constant 0 : i32
    %dma_wait3A_153 = tpu.memref_slice %arg9[%dma_wait3A_150, %dma_wait3A_151, %dma_wait3A_152] : memref<2x128x128xf32, #tpu.memory_space<vmem>> -> memref<1x128x128xf32, #tpu.memory_space<vmem>>
    %dma_wait3A_154 = tpu.memref_squeeze %dma_wait3A_153 : memref<1x128x128xf32, #tpu.memory_space<vmem>> -> memref<128x128xf32, #tpu.memory_space<vmem>>
    %dma_wait3A_155 = arith.constant 0 : i32
    %dma_wait3A_156 = tpu.memref_slice %arg7[%dma_wait3A_149, %dma_wait3A_155] : memref<4x128xi32, #tpu.memory_space<vmem>> -> memref<1x128xi32, #tpu.memory_space<vmem>>
    %dma_wait3A_157 = tpu.memref_squeeze %dma_wait3A_156 : memref<1x128xi32, #tpu.memory_space<vmem>> -> memref<128xi32, #tpu.memory_space<vmem>>
    %dma_wait3A_158 = arith.constant 0 : i32
    %dma_wait3A_159 = arith.constant 0 : i32
    %dma_wait3A_160 = tpu.memref_slice %arg3[%dma_wait3A_158, %dma_wait3A_159] : memref<100000x128xf32, #tpu.memory_space<hbm>> -> memref<100000x128xf32, #tpu.memory_space<hbm>>
    tpu.wait_indirect_dma semaphore(%arg12 : memref<!tpu.dma_semaphore, #tpu.memory_space<semaphore_mem>>) src(%dma_wait3A_160 : memref<100000x128xf32, #tpu.memory_space<hbm>>) dst(%dma_wait3A_154 : memref<128x128xf32, #tpu.memory_space<vmem>>)
    %dma_wait3A_161 = arith.constant 1 : i32
    %dma_wait3A_162 = arith.constant 0 : i32
    %dma_wait3A_163 = arith.constant 0 : i32
    %dma_wait3A_164 = tpu.memref_slice %arg10[%dma_wait3A_161, %dma_wait3A_162, %dma_wait3A_163] : memref<2x128x128xf32, #tpu.memory_space<vmem>> -> memref<1x128x128xf32, #tpu.memory_space<vmem>>
    %dma_wait3A_165 = tpu.memref_squeeze %dma_wait3A_164 : memref<1x128x128xf32, #tpu.memory_space<vmem>> -> memref<128x128xf32, #tpu.memory_space<vmem>>
    %dma_wait3A_166 = arith.constant 0 : i32
    %dma_wait3A_167 = tpu.memref_slice %arg4[%add3A_80, %dma_wait3A_166] : memref<16384x128xf32, #tpu.memory_space<hbm>> -> memref<128x128xf32, #tpu.memory_space<hbm>>
    %dma_wait3A_168 = arith.constant 0 : i32
    %dma_wait3A_169 = arith.constant 0 : i32
    %dma_wait3A_170 = tpu.memref_slice %arg10[%dma_wait3A_161, %dma_wait3A_168, %dma_wait3A_169] : memref<2x128x128xf32, #tpu.memory_space<vmem>> -> memref<1x128x128xf32, #tpu.memory_space<vmem>>
    %dma_wait3A_171 = tpu.memref_squeeze %dma_wait3A_170 : memref<1x128x128xf32, #tpu.memory_space<vmem>> -> memref<128x128xf32, #tpu.memory_space<vmem>>
    %dma_wait3A_172 = arith.constant 0 : i32
    %dma_wait3A_173 = tpu.memref_slice %arg4[%add3A_80, %dma_wait3A_172] : memref<16384x128xf32, #tpu.memory_space<hbm>> -> memref<128x128xf32, #tpu.memory_space<hbm>>
    tpu.wait_dma2 semaphore(%arg12 : memref<!tpu.dma_semaphore, #tpu.memory_space<semaphore_mem>>) src(%dma_wait3A_173 : memref<128x128xf32, #tpu.memory_space<hbm>>) dst(%dma_wait3A_171 : memref<128x128xf32, #tpu.memory_space<vmem>>)
    %dma_wait3A_174 = arith.constant 0 : i32
    %dma_wait3A_175 = arith.constant 0 : i32
    %dma_wait3A_176 = arith.constant 0 : i32
    %dma_wait3A_177 = tpu.memref_slice %arg10[%dma_wait3A_174, %dma_wait3A_175, %dma_wait3A_176] : memref<2x128x128xf32, #tpu.memory_space<vmem>> -> memref<1x128x128xf32, #tpu.memory_space<vmem>>
    %dma_wait3A_178 = tpu.memref_squeeze %dma_wait3A_177 : memref<1x128x128xf32, #tpu.memory_space<vmem>> -> memref<128x128xf32, #tpu.memory_space<vmem>>
    %dma_wait3A_179 = arith.constant 0 : i32
    %dma_wait3A_180 = tpu.memref_slice %arg6[%add3A_123, %dma_wait3A_179] : memref<16384x128xf32, #tpu.memory_space<hbm>> -> memref<128x128xf32, #tpu.memory_space<hbm>>
    %dma_wait3A_181 = arith.constant 0 : i32
    %dma_wait3A_182 = tpu.memref_slice %arg6[%add3A_123, %dma_wait3A_181] : memref<16384x128xf32, #tpu.memory_space<hbm>> -> memref<128x128xf32, #tpu.memory_space<hbm>>
    %dma_wait3A_183 = arith.constant 0 : i32
    %dma_wait3A_184 = arith.constant 0 : i32
    %dma_wait3A_185 = tpu.memref_slice %arg10[%dma_wait3A_174, %dma_wait3A_183, %dma_wait3A_184] : memref<2x128x128xf32, #tpu.memory_space<vmem>> -> memref<1x128x128xf32, #tpu.memory_space<vmem>>
    %dma_wait3A_186 = tpu.memref_squeeze %dma_wait3A_185 : memref<1x128x128xf32, #tpu.memory_space<vmem>> -> memref<128x128xf32, #tpu.memory_space<vmem>>
    tpu.wait_dma2 semaphore(%arg13 : memref<!tpu.dma_semaphore, #tpu.memory_space<semaphore_mem>>) src(%dma_wait3A_186 : memref<128x128xf32, #tpu.memory_space<vmem>>) dst(%dma_wait3A_182 : memref<128x128xf32, #tpu.memory_space<hbm>>)
    %add3A_187 = arith.constant 256 : i32
    %add3A_188 = arith.addi %mul3A_2, %add3A_187 : i32
    %dma_start3A_189 = arith.constant 2 : i32
    %dma_start3A_190 = arith.constant 0 : i32
    %dma_start3A_191 = arith.constant 0 : i32
    %dma_start3A_192 = arith.constant 0 : i32
    %dma_start3A_193 = tpu.memref_slice %arg8[%dma_start3A_190, %dma_start3A_191, %dma_start3A_192] : memref<2x128x128xf32, #tpu.memory_space<vmem>> -> memref<1x128x128xf32, #tpu.memory_space<vmem>>
    %dma_start3A_194 = tpu.memref_squeeze %dma_start3A_193 : memref<1x128x128xf32, #tpu.memory_space<vmem>> -> memref<128x128xf32, #tpu.memory_space<vmem>>
    %dma_start3A_195 = arith.constant 0 : i32
    %dma_start3A_196 = tpu.memref_slice %arg7[%dma_start3A_189, %dma_start3A_195] : memref<4x128xi32, #tpu.memory_space<vmem>> -> memref<1x128xi32, #tpu.memory_space<vmem>>
    %dma_start3A_197 = tpu.memref_squeeze %dma_start3A_196 : memref<1x128xi32, #tpu.memory_space<vmem>> -> memref<128xi32, #tpu.memory_space<vmem>>
    %dma_start3A_198 = arith.constant 0 : i32
    %dma_start3A_199 = arith.constant 0 : i32
    %dma_start3A_200 = tpu.memref_slice %arg2[%dma_start3A_198, %dma_start3A_199] : memref<100000x128xf32, #tpu.memory_space<hbm>> -> memref<100000x128xf32, #tpu.memory_space<hbm>>
    tpu.enqueue_indirect_dma source(%dma_start3A_200 : memref<100000x128xf32, #tpu.memory_space<hbm>>) target(%dma_start3A_194 : memref<128x128xf32, #tpu.memory_space<vmem>>) offsets(%dma_start3A_197 : memref<128xi32, #tpu.memory_space<vmem>>) semaphore(%arg11 : memref<!tpu.dma_semaphore, #tpu.memory_space<semaphore_mem>>)
    %dma_start3A_201 = arith.constant 2 : i32
    %dma_start3A_202 = arith.constant 0 : i32
    %dma_start3A_203 = arith.constant 0 : i32
    %dma_start3A_204 = arith.constant 0 : i32
    %dma_start3A_205 = tpu.memref_slice %arg9[%dma_start3A_202, %dma_start3A_203, %dma_start3A_204] : memref<2x128x128xf32, #tpu.memory_space<vmem>> -> memref<1x128x128xf32, #tpu.memory_space<vmem>>
    %dma_start3A_206 = tpu.memref_squeeze %dma_start3A_205 : memref<1x128x128xf32, #tpu.memory_space<vmem>> -> memref<128x128xf32, #tpu.memory_space<vmem>>
    %dma_start3A_207 = arith.constant 0 : i32
    %dma_start3A_208 = tpu.memref_slice %arg7[%dma_start3A_201, %dma_start3A_207] : memref<4x128xi32, #tpu.memory_space<vmem>> -> memref<1x128xi32, #tpu.memory_space<vmem>>
    %dma_start3A_209 = tpu.memref_squeeze %dma_start3A_208 : memref<1x128xi32, #tpu.memory_space<vmem>> -> memref<128xi32, #tpu.memory_space<vmem>>
    %dma_start3A_210 = arith.constant 0 : i32
    %dma_start3A_211 = arith.constant 0 : i32
    %dma_start3A_212 = tpu.memref_slice %arg3[%dma_start3A_210, %dma_start3A_211] : memref<100000x128xf32, #tpu.memory_space<hbm>> -> memref<100000x128xf32, #tpu.memory_space<hbm>>
    tpu.enqueue_indirect_dma source(%dma_start3A_212 : memref<100000x128xf32, #tpu.memory_space<hbm>>) target(%dma_start3A_206 : memref<128x128xf32, #tpu.memory_space<vmem>>) offsets(%dma_start3A_209 : memref<128xi32, #tpu.memory_space<vmem>>) semaphore(%arg11 : memref<!tpu.dma_semaphore, #tpu.memory_space<semaphore_mem>>)
    %dma_start3A_213 = arith.constant 0 : i32
    %dma_start3A_214 = arith.constant 0 : i32
    %dma_start3A_215 = arith.constant 0 : i32
    %dma_start3A_216 = tpu.memref_slice %arg10[%dma_start3A_213, %dma_start3A_214, %dma_start3A_215] : memref<2x128x128xf32, #tpu.memory_space<vmem>> -> memref<1x128x128xf32, #tpu.memory_space<vmem>>
    %dma_start3A_217 = tpu.memref_squeeze %dma_start3A_216 : memref<1x128x128xf32, #tpu.memory_space<vmem>> -> memref<128x128xf32, #tpu.memory_space<vmem>>
    %dma_start3A_218 = arith.constant 0 : i32
    %dma_start3A_219 = tpu.memref_slice %arg4[%add3A_188, %dma_start3A_218] : memref<16384x128xf32, #tpu.memory_space<hbm>> -> memref<128x128xf32, #tpu.memory_space<hbm>>
    %dma_start3A_220 = arith.constant 0 : i32
    %dma_start3A_221 = arith.constant 0 : i32
    %dma_start3A_222 = tpu.memref_slice %arg10[%dma_start3A_213, %dma_start3A_220, %dma_start3A_221] : memref<2x128x128xf32, #tpu.memory_space<vmem>> -> memref<1x128x128xf32, #tpu.memory_space<vmem>>
    %dma_start3A_223 = tpu.memref_squeeze %dma_start3A_222 : memref<1x128x128xf32, #tpu.memory_space<vmem>> -> memref<128x128xf32, #tpu.memory_space<vmem>>
    %dma_start3A_224 = arith.constant 0 : i32
    %dma_start3A_225 = tpu.memref_slice %arg4[%add3A_188, %dma_start3A_224] : memref<16384x128xf32, #tpu.memory_space<hbm>> -> memref<128x128xf32, #tpu.memory_space<hbm>>
    tpu.enqueue_dma source(%dma_start3A_225 : memref<128x128xf32, #tpu.memory_space<hbm>>) target(%dma_start3A_223 : memref<128x128xf32, #tpu.memory_space<vmem>>) target_semaphore(%arg11 : memref<!tpu.dma_semaphore, #tpu.memory_space<semaphore_mem>>)
    %scan3A_226 = arith.constant 0 : i32
    %scan3A_227 = arith.constant 128 : i32
    %scan3A_228 = arith.addi %scan3A_226, %scan3A_227 : i32
    %scan3A_229 = arith.constant 1 : i32
    scf.for %scan3A_438 = %scan3A_226 to %scan3A_228 step %scan3A_229  : i32 {
      %get3A = arith.constant 1 : i32
      %get3A_439 = arith.index_cast %get3A : i32 to index
      %get3A_440 = arith.index_cast %scan3A_438 : i32 to index
      %get3A_441 = arith.constant 0 : index
      %get3A_442 = tpu.vector_load %arg10[%get3A_439, %get3A_440, %get3A_441] {strides = array<i32>} : memref<2x128x128xf32, #tpu.memory_space<vmem>>, vector<1x1x16xf32>,
      %get3A_443 = vector.shape_cast %get3A_442 : vector<1x1x16xf32> to vector<16xf32>
      %get3A_444 = arith.constant 1 : i32
      %get3A_445 = arith.index_cast %get3A_444 : i32 to index
      %get3A_446 = arith.index_cast %scan3A_438 : i32 to index
      %get3A_447 = arith.constant 0 : index
      %get3A_448 = tpu.vector_load %arg8[%get3A_445, %get3A_446, %get3A_447] {strides = array<i32>} : memref<2x128x128xf32, #tpu.memory_space<vmem>>, vector<1x1x16xf32>,
      %get3A_449 = vector.shape_cast %get3A_448 : vector<1x1x16xf32> to vector<16xf32>
      %get3A_450 = arith.constant 1 : i32
      %get3A_451 = arith.index_cast %get3A_450 : i32 to index
      %get3A_452 = arith.index_cast %scan3A_438 : i32 to index
      %get3A_453 = arith.constant 0 : index
      %get3A_454 = tpu.vector_load %arg9[%get3A_451, %get3A_452, %get3A_453] {strides = array<i32>} : memref<2x128x128xf32, #tpu.memory_space<vmem>>, vector<1x1x16xf32>,
      %get3A_455 = vector.shape_cast %get3A_454 : vector<1x1x16xf32> to vector<16xf32>
      %sub3A = arith.subf %get3A_443, %get3A_449 : vector<16xf32>
      %mul3A_456 = arith.mulf %sub3A, %sub3A : vector<16xf32>
      %neg3A = arith.constant 0.000000e+00 : f32
      %neg3A_457 = vector.broadcast %neg3A : f32 to vector<16xf32>
      %neg3A_458 = arith.subf %neg3A_457, %get3A_455 : vector<16xf32>
      %exp3A = math.exp %neg3A_458 : vector<16xf32>
      %mul3A_459 = arith.mulf %mul3A_456, %exp3A : vector<16xf32>
      %add3A_460 = arith.addf %get3A_455, %mul3A_459 : vector<16xf32>
      %mul3A_461 = arith.constant 5.000000e-01 : f32
      %mul3A_462 = vector.broadcast %mul3A_461 : f32 to vector<16xf32>
      %mul3A_463 = arith.mulf %mul3A_462, %add3A_460 : vector<16xf32>
      %sub3A_464 = arith.constant -1.20662057 : f32
      %sub3A_465 = vector.broadcast %sub3A_464 : f32 to vector<16xf32>
      %sub3A_466 = arith.subf %sub3A_465, %mul3A_463 : vector<16xf32>
      %exp3A_467 = math.exp %sub3A_466 : vector<16xf32>
      %swap3A = arith.constant 1 : i32
      %swap3A_468 = arith.index_cast %swap3A : i32 to index
      %swap3A_469 = arith.index_cast %scan3A_438 : i32 to index
      %swap3A_470 = arith.constant 0 : index
      %swap3A_471 = tpu.vector_load %arg10[%swap3A_468, %swap3A_469, %swap3A_470] {strides = array<i32>} : memref<2x128x128xf32, #tpu.memory_space<vmem>>, vector<1x1x16xf32>,
      %swap3A_472 = vector.shape_cast %swap3A_471 : vector<1x1x16xf32> to vector<16xf32>
      %swap3A_473 = vector.shape_cast %exp3A_467 : vector<16xf32> to vector<1x1x16xf32>
      tpu.vector_store %arg10[%swap3A_468, %swap3A_469, %swap3A_470], %swap3A_473 {strides = array<i32>} : memref<2x128x128xf32, #tpu.memory_space<vmem>>, vector<1x1x16xf32>,
      %get3A_474 = arith.constant 1 : i32
      %get3A_475 = arith.index_cast %get3A_474 : i32 to index
      %get3A_476 = arith.index_cast %scan3A_438 : i32 to index
      %get3A_477 = arith.constant 16 : index
      %get3A_478 = tpu.vector_load %arg10[%get3A_475, %get3A_476, %get3A_477] {strides = array<i32>} : memref<2x128x128xf32, #tpu.memory_space<vmem>>, vector<1x1x16xf32>,
      %get3A_479 = vector.shape_cast %get3A_478 : vector<1x1x16xf32> to vector<16xf32>
      %get3A_480 = arith.constant 1 : i32
      %get3A_481 = arith.index_cast %get3A_480 : i32 to index
      %get3A_482 = arith.index_cast %scan3A_438 : i32 to index
      %get3A_483 = arith.constant 16 : index
      %get3A_484 = tpu.vector_load %arg8[%get3A_481, %get3A_482, %get3A_483] {strides = array<i32>} : memref<2x128x128xf32, #tpu.memory_space<vmem>>, vector<1x1x16xf32>,
      %get3A_485 = vector.shape_cast %get3A_484 : vector<1x1x16xf32> to vector<16xf32>
      %get3A_486 = arith.constant 1 : i32
      %get3A_487 = arith.index_cast %get3A_486 : i32 to index
      %get3A_488 = arith.index_cast %scan3A_438 : i32 to index
      %get3A_489 = arith.constant 16 : index
      %get3A_490 = tpu.vector_load %arg9[%get3A_487, %get3A_488, %get3A_489] {strides = array<i32>} : memref<2x128x128xf32, #tpu.memory_space<vmem>>, vector<1x1x16xf32>,
      %get3A_491 = vector.shape_cast %get3A_490 : vector<1x1x16xf32> to vector<16xf32>
      %sub3A_492 = arith.subf %get3A_479, %get3A_485 : vector<16xf32>
      %mul3A_493 = arith.mulf %sub3A_492, %sub3A_492 : vector<16xf32>
      %neg3A_494 = arith.constant 0.000000e+00 : f32
      %neg3A_495 = vector.broadcast %neg3A_494 : f32 to vector<16xf32>
      %neg3A_496 = arith.subf %neg3A_495, %get3A_491 : vector<16xf32>
      %exp3A_497 = math.exp %neg3A_496 : vector<16xf32>
      %mul3A_498 = arith.mulf %mul3A_493, %exp3A_497 : vector<16xf32>
      %add3A_499 = arith.addf %get3A_491, %mul3A_498 : vector<16xf32>
      %mul3A_500 = arith.constant 5.000000e-01 : f32
      %mul3A_501 = vector.broadcast %mul3A_500 : f32 to vector<16xf32>
      %mul3A_502 = arith.mulf %mul3A_501, %add3A_499 : vector<16xf32>
      %sub3A_503 = arith.constant -1.20662057 : f32
      %sub3A_504 = vector.broadcast %sub3A_503 : f32 to vector<16xf32>
      %sub3A_505 = arith.subf %sub3A_504, %mul3A_502 : vector<16xf32>
      %exp3A_506 = math.exp %sub3A_505 : vector<16xf32>
      %swap3A_507 = arith.constant 1 : i32
      %swap3A_508 = arith.index_cast %swap3A_507 : i32 to index
      %swap3A_509 = arith.index_cast %scan3A_438 : i32 to index
      %swap3A_510 = arith.constant 16 : index
      %swap3A_511 = tpu.vector_load %arg10[%swap3A_508, %swap3A_509, %swap3A_510] {strides = array<i32>} : memref<2x128x128xf32, #tpu.memory_space<vmem>>, vector<1x1x16xf32>,
      %swap3A_512 = vector.shape_cast %swap3A_511 : vector<1x1x16xf32> to vector<16xf32>
      %swap3A_513 = vector.shape_cast %exp3A_506 : vector<16xf32> to vector<1x1x16xf32>
      tpu.vector_store %arg10[%swap3A_508, %swap3A_509, %swap3A_510], %swap3A_513 {strides = array<i32>} : memref<2x128x128xf32, #tpu.memory_space<vmem>>, vector<1x1x16xf32>,
      %get3A_514 = arith.constant 1 : i32
      %get3A_515 = arith.index_cast %get3A_514 : i32 to index
      %get3A_516 = arith.index_cast %scan3A_438 : i32 to index
      %get3A_517 = arith.constant 32 : index
      %get3A_518 = tpu.vector_load %arg10[%get3A_515, %get3A_516, %get3A_517] {strides = array<i32>} : memref<2x128x128xf32, #tpu.memory_space<vmem>>, vector<1x1x16xf32>,
      %get3A_519 = vector.shape_cast %get3A_518 : vector<1x1x16xf32> to vector<16xf32>
      %get3A_520 = arith.constant 1 : i32
      %get3A_521 = arith.index_cast %get3A_520 : i32 to index
      %get3A_522 = arith.index_cast %scan3A_438 : i32 to index
      %get3A_523 = arith.constant 32 : index
      %get3A_524 = tpu.vector_load %arg8[%get3A_521, %get3A_522, %get3A_523] {strides = array<i32>} : memref<2x128x128xf32, #tpu.memory_space<vmem>>, vector<1x1x16xf32>,
      %get3A_525 = vector.shape_cast %get3A_524 : vector<1x1x16xf32> to vector<16xf32>
      %get3A_526 = arith.constant 1 : i32
      %get3A_527 = arith.index_cast %get3A_526 : i32 to index
      %get3A_528 = arith.index_cast %scan3A_438 : i32 to index
      %get3A_529 = arith.constant 32 : index
      %get3A_530 = tpu.vector_load %arg9[%get3A_527, %get3A_528, %get3A_529] {strides = array<i32>} : memref<2x128x128xf32, #tpu.memory_space<vmem>>, vector<1x1x16xf32>,
      %get3A_531 = vector.shape_cast %get3A_530 : vector<1x1x16xf32> to vector<16xf32>
      %sub3A_532 = arith.subf %get3A_519, %get3A_525 : vector<16xf32>
      %mul3A_533 = arith.mulf %sub3A_532, %sub3A_532 : vector<16xf32>
      %neg3A_534 = arith.constant 0.000000e+00 : f32
      %neg3A_535 = vector.broadcast %neg3A_534 : f32 to vector<16xf32>
      %neg3A_536 = arith.subf %neg3A_535, %get3A_531 : vector<16xf32>
      %exp3A_537 = math.exp %neg3A_536 : vector<16xf32>
      %mul3A_538 = arith.mulf %mul3A_533, %exp3A_537 : vector<16xf32>
      %add3A_539 = arith.addf %get3A_531, %mul3A_538 : vector<16xf32>
      %mul3A_540 = arith.constant 5.000000e-01 : f32
      %mul3A_541 = vector.broadcast %mul3A_540 : f32 to vector<16xf32>
      %mul3A_542 = arith.mulf %mul3A_541, %add3A_539 : vector<16xf32>
      %sub3A_543 = arith.constant -1.20662057 : f32
      %sub3A_544 = vector.broadcast %sub3A_543 : f32 to vector<16xf32>
      %sub3A_545 = arith.subf %sub3A_544, %mul3A_542 : vector<16xf32>
      %exp3A_546 = math.exp %sub3A_545 : vector<16xf32>
      %swap3A_547 = arith.constant 1 : i32
      %swap3A_548 = arith.index_cast %swap3A_547 : i32 to index
      %swap3A_549 = arith.index_cast %scan3A_438 : i32 to index
      %swap3A_550 = arith.constant 32 : index
      %swap3A_551 = tpu.vector_load %arg10[%swap3A_548, %swap3A_549, %swap3A_550] {strides = array<i32>} : memref<2x128x128xf32, #tpu.memory_space<vmem>>, vector<1x1x16xf32>,
      %swap3A_552 = vector.shape_cast %swap3A_551 : vector<1x1x16xf32> to vector<16xf32>
      %swap3A_553 = vector.shape_cast %exp3A_546 : vector<16xf32> to vector<1x1x16xf32>
      tpu.vector_store %arg10[%swap3A_548, %swap3A_549, %swap3A_550], %swap3A_553 {strides = array<i32>} : memref<2x128x128xf32, #tpu.memory_space<vmem>>, vector<1x1x16xf32>,
      %get3A_554 = arith.constant 1 : i32
      %get3A_555 = arith.index_cast %get3A_554 : i32 to index
      %get3A_556 = arith.index_cast %scan3A_438 : i32 to index
      %get3A_557 = arith.constant 48 : index
      %get3A_558 = tpu.vector_load %arg10[%get3A_555, %get3A_556, %get3A_557] {strides = array<i32>} : memref<2x128x128xf32, #tpu.memory_space<vmem>>, vector<1x1x16xf32>,
      %get3A_559 = vector.shape_cast %get3A_558 : vector<1x1x16xf32> to vector<16xf32>
      %get3A_560 = arith.constant 1 : i32
      %get3A_561 = arith.index_cast %get3A_560 : i32 to index
      %get3A_562 = arith.index_cast %scan3A_438 : i32 to index
      %get3A_563 = arith.constant 48 : index
      %get3A_564 = tpu.vector_load %arg8[%get3A_561, %get3A_562, %get3A_563] {strides = array<i32>} : memref<2x128x128xf32, #tpu.memory_space<vmem>>, vector<1x1x16xf32>,
      %get3A_565 = vector.shape_cast %get3A_564 : vector<1x1x16xf32> to vector<16xf32>
      %get3A_566 = arith.constant 1 : i32
      %get3A_567 = arith.index_cast %get3A_566 : i32 to index
      %get3A_568 = arith.index_cast %scan3A_438 : i32 to index
      %get3A_569 = arith.constant 48 : index
      %get3A_570 = tpu.vector_load %arg9[%get3A_567, %get3A_568, %get3A_569] {strides = array<i32>} : memref<2x128x128xf32, #tpu.memory_space<vmem>>, vector<1x1x16xf32>,
      %get3A_571 = vector.shape_cast %get3A_570 : vector<1x1x16xf32> to vector<16xf32>
      %sub3A_572 = arith.subf %get3A_559, %get3A_565 : vector<16xf32>
      %mul3A_573 = arith.mulf %sub3A_572, %sub3A_572 : vector<16xf32>
      %neg3A_574 = arith.constant 0.000000e+00 : f32
      %neg3A_575 = vector.broadcast %neg3A_574 : f32 to vector<16xf32>
      %neg3A_576 = arith.subf %neg3A_575, %get3A_571 : vector<16xf32>
      %exp3A_577 = math.exp %neg3A_576 : vector<16xf32>
      %mul3A_578 = arith.mulf %mul3A_573, %exp3A_577 : vector<16xf32>
      %add3A_579 = arith.addf %get3A_571, %mul3A_578 : vector<16xf32>
      %mul3A_580 = arith.constant 5.000000e-01 : f32
      %mul3A_581 = vector.broadcast %mul3A_580 : f32 to vector<16xf32>
      %mul3A_582 = arith.mulf %mul3A_581, %add3A_579 : vector<16xf32>
      %sub3A_583 = arith.constant -1.20662057 : f32
      %sub3A_584 = vector.broadcast %sub3A_583 : f32 to vector<16xf32>
      %sub3A_585 = arith.subf %sub3A_584, %mul3A_582 : vector<16xf32>
      %exp3A_586 = math.exp %sub3A_585 : vector<16xf32>
      %swap3A_587 = arith.constant 1 : i32
      %swap3A_588 = arith.index_cast %swap3A_587 : i32 to index
      %swap3A_589 = arith.index_cast %scan3A_438 : i32 to index
      %swap3A_590 = arith.constant 48 : index
      %swap3A_591 = tpu.vector_load %arg10[%swap3A_588, %swap3A_589, %swap3A_590] {strides = array<i32>} : memref<2x128x128xf32, #tpu.memory_space<vmem>>, vector<1x1x16xf32>,
      %swap3A_592 = vector.shape_cast %swap3A_591 : vector<1x1x16xf32> to vector<16xf32>
      %swap3A_593 = vector.shape_cast %exp3A_586 : vector<16xf32> to vector<1x1x16xf32>
      tpu.vector_store %arg10[%swap3A_588, %swap3A_589, %swap3A_590], %swap3A_593 {strides = array<i32>} : memref<2x128x128xf32, #tpu.memory_space<vmem>>, vector<1x1x16xf32>,
      %get3A_594 = arith.constant 1 : i32
      %get3A_595 = arith.index_cast %get3A_594 : i32 to index
      %get3A_596 = arith.index_cast %scan3A_438 : i32 to index
      %get3A_597 = arith.constant 64 : index
      %get3A_598 = tpu.vector_load %arg10[%get3A_595, %get3A_596, %get3A_597] {strides = array<i32>} : memref<2x128x128xf32, #tpu.memory_space<vmem>>, vector<1x1x16xf32>,
      %get3A_599 = vector.shape_cast %get3A_598 : vector<1x1x16xf32> to vector<16xf32>
      %get3A_600 = arith.constant 1 : i32
      %get3A_601 = arith.index_cast %get3A_600 : i32 to index
      %get3A_602 = arith.index_cast %scan3A_438 : i32 to index
      %get3A_603 = arith.constant 64 : index
      %get3A_604 = tpu.vector_load %arg8[%get3A_601, %get3A_602, %get3A_603] {strides = array<i32>} : memref<2x128x128xf32, #tpu.memory_space<vmem>>, vector<1x1x16xf32>,
      %get3A_605 = vector.shape_cast %get3A_604 : vector<1x1x16xf32> to vector<16xf32>
      %get3A_606 = arith.constant 1 : i32
      %get3A_607 = arith.index_cast %get3A_606 : i32 to index
      %get3A_608 = arith.index_cast %scan3A_438 : i32 to index
      %get3A_609 = arith.constant 64 : index
      %get3A_610 = tpu.vector_load %arg9[%get3A_607, %get3A_608, %get3A_609] {strides = array<i32>} : memref<2x128x128xf32, #tpu.memory_space<vmem>>, vector<1x1x16xf32>,
      %get3A_611 = vector.shape_cast %get3A_610 : vector<1x1x16xf32> to vector<16xf32>
      %sub3A_612 = arith.subf %get3A_599, %get3A_605 : vector<16xf32>
      %mul3A_613 = arith.mulf %sub3A_612, %sub3A_612 : vector<16xf32>
      %neg3A_614 = arith.constant 0.000000e+00 : f32
      %neg3A_615 = vector.broadcast %neg3A_614 : f32 to vector<16xf32>
      %neg3A_616 = arith.subf %neg3A_615, %get3A_611 : vector<16xf32>
      %exp3A_617 = math.exp %neg3A_616 : vector<16xf32>
      %mul3A_618 = arith.mulf %mul3A_613, %exp3A_617 : vector<16xf32>
      %add3A_619 = arith.addf %get3A_611, %mul3A_618 : vector<16xf32>
      %mul3A_620 = arith.constant 5.000000e-01 : f32
      %mul3A_621 = vector.broadcast %mul3A_620 : f32 to vector<16xf32>
      %mul3A_622 = arith.mulf %mul3A_621, %add3A_619 : vector<16xf32>
      %sub3A_623 = arith.constant -1.20662057 : f32
      %sub3A_624 = vector.broadcast %sub3A_623 : f32 to vector<16xf32>
      %sub3A_625 = arith.subf %sub3A_624, %mul3A_622 : vector<16xf32>
      %exp3A_626 = math.exp %sub3A_625 : vector<16xf32>
      %swap3A_627 = arith.constant 1 : i32
      %swap3A_628 = arith.index_cast %swap3A_627 : i32 to index
      %swap3A_629 = arith.index_cast %scan3A_438 : i32 to index
      %swap3A_630 = arith.constant 64 : index
      %swap3A_631 = tpu.vector_load %arg10[%swap3A_628, %swap3A_629, %swap3A_630] {strides = array<i32>} : memref<2x128x128xf32, #tpu.memory_space<vmem>>, vector<1x1x16xf32>,
      %swap3A_632 = vector.shape_cast %swap3A_631 : vector<1x1x16xf32> to vector<16xf32>
      %swap3A_633 = vector.shape_cast %exp3A_626 : vector<16xf32> to vector<1x1x16xf32>
      tpu.vector_store %arg10[%swap3A_628, %swap3A_629, %swap3A_630], %swap3A_633 {strides = array<i32>} : memref<2x128x128xf32, #tpu.memory_space<vmem>>, vector<1x1x16xf32>,
      %get3A_634 = arith.constant 1 : i32
      %get3A_635 = arith.index_cast %get3A_634 : i32 to index
      %get3A_636 = arith.index_cast %scan3A_438 : i32 to index
      %get3A_637 = arith.constant 80 : index
      %get3A_638 = tpu.vector_load %arg10[%get3A_635, %get3A_636, %get3A_637] {strides = array<i32>} : memref<2x128x128xf32, #tpu.memory_space<vmem>>, vector<1x1x16xf32>,
      %get3A_639 = vector.shape_cast %get3A_638 : vector<1x1x16xf32> to vector<16xf32>
      %get3A_640 = arith.constant 1 : i32
      %get3A_641 = arith.index_cast %get3A_640 : i32 to index
      %get3A_642 = arith.index_cast %scan3A_438 : i32 to index
      %get3A_643 = arith.constant 80 : index
      %get3A_644 = tpu.vector_load %arg8[%get3A_641, %get3A_642, %get3A_643] {strides = array<i32>} : memref<2x128x128xf32, #tpu.memory_space<vmem>>, vector<1x1x16xf32>,
      %get3A_645 = vector.shape_cast %get3A_644 : vector<1x1x16xf32> to vector<16xf32>
      %get3A_646 = arith.constant 1 : i32
      %get3A_647 = arith.index_cast %get3A_646 : i32 to index
      %get3A_648 = arith.index_cast %scan3A_438 : i32 to index
      %get3A_649 = arith.constant 80 : index
      %get3A_650 = tpu.vector_load %arg9[%get3A_647, %get3A_648, %get3A_649] {strides = array<i32>} : memref<2x128x128xf32, #tpu.memory_space<vmem>>, vector<1x1x16xf32>,
      %get3A_651 = vector.shape_cast %get3A_650 : vector<1x1x16xf32> to vector<16xf32>
      %sub3A_652 = arith.subf %get3A_639, %get3A_645 : vector<16xf32>
      %mul3A_653 = arith.mulf %sub3A_652, %sub3A_652 : vector<16xf32>
      %neg3A_654 = arith.constant 0.000000e+00 : f32
      %neg3A_655 = vector.broadcast %neg3A_654 : f32 to vector<16xf32>
      %neg3A_656 = arith.subf %neg3A_655, %get3A_651 : vector<16xf32>
      %exp3A_657 = math.exp %neg3A_656 : vector<16xf32>
      %mul3A_658 = arith.mulf %mul3A_653, %exp3A_657 : vector<16xf32>
      %add3A_659 = arith.addf %get3A_651, %mul3A_658 : vector<16xf32>
      %mul3A_660 = arith.constant 5.000000e-01 : f32
      %mul3A_661 = vector.broadcast %mul3A_660 : f32 to vector<16xf32>
      %mul3A_662 = arith.mulf %mul3A_661, %add3A_659 : vector<16xf32>
      %sub3A_663 = arith.constant -1.20662057 : f32
      %sub3A_664 = vector.broadcast %sub3A_663 : f32 to vector<16xf32>
      %sub3A_665 = arith.subf %sub3A_664, %mul3A_662 : vector<16xf32>
      %exp3A_666 = math.exp %sub3A_665 : vector<16xf32>
      %swap3A_667 = arith.constant 1 : i32
      %swap3A_668 = arith.index_cast %swap3A_667 : i32 to index
      %swap3A_669 = arith.index_cast %scan3A_438 : i32 to index
      %swap3A_670 = arith.constant 80 : index
      %swap3A_671 = tpu.vector_load %arg10[%swap3A_668, %swap3A_669, %swap3A_670] {strides = array<i32>} : memref<2x128x128xf32, #tpu.memory_space<vmem>>, vector<1x1x16xf32>,
      %swap3A_672 = vector.shape_cast %swap3A_671 : vector<1x1x16xf32> to vector<16xf32>
      %swap3A_673 = vector.shape_cast %exp3A_666 : vector<16xf32> to vector<1x1x16xf32>
      tpu.vector_store %arg10[%swap3A_668, %swap3A_669, %swap3A_670], %swap3A_673 {strides = array<i32>} : memref<2x128x128xf32, #tpu.memory_space<vmem>>, vector<1x1x16xf32>,
      %get3A_674 = arith.constant 1 : i32
      %get3A_675 = arith.index_cast %get3A_674 : i32 to index
      %get3A_676 = arith.index_cast %scan3A_438 : i32 to index
      %get3A_677 = arith.constant 96 : index
      %get3A_678 = tpu.vector_load %arg10[%get3A_675, %get3A_676, %get3A_677] {strides = array<i32>} : memref<2x128x128xf32, #tpu.memory_space<vmem>>, vector<1x1x16xf32>,
      %get3A_679 = vector.shape_cast %get3A_678 : vector<1x1x16xf32> to vector<16xf32>
      %get3A_680 = arith.constant 1 : i32
      %get3A_681 = arith.index_cast %get3A_680 : i32 to index
      %get3A_682 = arith.index_cast %scan3A_438 : i32 to index
      %get3A_683 = arith.constant 96 : index
      %get3A_684 = tpu.vector_load %arg8[%get3A_681, %get3A_682, %get3A_683] {strides = array<i32>} : memref<2x128x128xf32, #tpu.memory_space<vmem>>, vector<1x1x16xf32>,
      %get3A_685 = vector.shape_cast %get3A_684 : vector<1x1x16xf32> to vector<16xf32>
      %get3A_686 = arith.constant 1 : i32
      %get3A_687 = arith.index_cast %get3A_686 : i32 to index
      %get3A_688 = arith.index_cast %scan3A_438 : i32 to index
      %get3A_689 = arith.constant 96 : index
      %get3A_690 = tpu.vector_load %arg9[%get3A_687, %get3A_688, %get3A_689] {strides = array<i32>} : memref<2x128x128xf32, #tpu.memory_space<vmem>>, vector<1x1x16xf32>,
      %get3A_691 = vector.shape_cast %get3A_690 : vector<1x1x16xf32> to vector<16xf32>
      %sub3A_692 = arith.subf %get3A_679, %get3A_685 : vector<16xf32>
      %mul3A_693 = arith.mulf %sub3A_692, %sub3A_692 : vector<16xf32>
      %neg3A_694 = arith.constant 0.000000e+00 : f32
      %neg3A_695 = vector.broadcast %neg3A_694 : f32 to vector<16xf32>
      %neg3A_696 = arith.subf %neg3A_695, %get3A_691 : vector<16xf32>
      %exp3A_697 = math.exp %neg3A_696 : vector<16xf32>
      %mul3A_698 = arith.mulf %mul3A_693, %exp3A_697 : vector<16xf32>
      %add3A_699 = arith.addf %get3A_691, %mul3A_698 : vector<16xf32>
      %mul3A_700 = arith.constant 5.000000e-01 : f32
      %mul3A_701 = vector.broadcast %mul3A_700 : f32 to vector<16xf32>
      %mul3A_702 = arith.mulf %mul3A_701, %add3A_699 : vector<16xf32>
      %sub3A_703 = arith.constant -1.20662057 : f32
      %sub3A_704 = vector.broadcast %sub3A_703 : f32 to vector<16xf32>
      %sub3A_705 = arith.subf %sub3A_704, %mul3A_702 : vector<16xf32>
      %exp3A_706 = math.exp %sub3A_705 : vector<16xf32>
      %swap3A_707 = arith.constant 1 : i32
      %swap3A_708 = arith.index_cast %swap3A_707 : i32 to index
      %swap3A_709 = arith.index_cast %scan3A_438 : i32 to index
      %swap3A_710 = arith.constant 96 : index
      %swap3A_711 = tpu.vector_load %arg10[%swap3A_708, %swap3A_709, %swap3A_710] {strides = array<i32>} : memref<2x128x128xf32, #tpu.memory_space<vmem>>, vector<1x1x16xf32>,
      %swap3A_712 = vector.shape_cast %swap3A_711 : vector<1x1x16xf32> to vector<16xf32>
      %swap3A_713 = vector.shape_cast %exp3A_706 : vector<16xf32> to vector<1x1x16xf32>
      tpu.vector_store %arg10[%swap3A_708, %swap3A_709, %swap3A_710], %swap3A_713 {strides = array<i32>} : memref<2x128x128xf32, #tpu.memory_space<vmem>>, vector<1x1x16xf32>,
      %get3A_714 = arith.constant 1 : i32
      %get3A_715 = arith.index_cast %get3A_714 : i32 to index
      %get3A_716 = arith.index_cast %scan3A_438 : i32 to index
      %get3A_717 = arith.constant 112 : index
      %get3A_718 = tpu.vector_load %arg10[%get3A_715, %get3A_716, %get3A_717] {strides = array<i32>} : memref<2x128x128xf32, #tpu.memory_space<vmem>>, vector<1x1x16xf32>,
      %get3A_719 = vector.shape_cast %get3A_718 : vector<1x1x16xf32> to vector<16xf32>
      %get3A_720 = arith.constant 1 : i32
      %get3A_721 = arith.index_cast %get3A_720 : i32 to index
      %get3A_722 = arith.index_cast %scan3A_438 : i32 to index
      %get3A_723 = arith.constant 112 : index
      %get3A_724 = tpu.vector_load %arg8[%get3A_721, %get3A_722, %get3A_723] {strides = array<i32>} : memref<2x128x128xf32, #tpu.memory_space<vmem>>, vector<1x1x16xf32>,
      %get3A_725 = vector.shape_cast %get3A_724 : vector<1x1x16xf32> to vector<16xf32>
      %get3A_726 = arith.constant 1 : i32
      %get3A_727 = arith.index_cast %get3A_726 : i32 to index
      %get3A_728 = arith.index_cast %scan3A_438 : i32 to index
      %get3A_729 = arith.constant 112 : index
      %get3A_730 = tpu.vector_load %arg9[%get3A_727, %get3A_728, %get3A_729] {strides = array<i32>} : memref<2x128x128xf32, #tpu.memory_space<vmem>>, vector<1x1x16xf32>,
      %get3A_731 = vector.shape_cast %get3A_730 : vector<1x1x16xf32> to vector<16xf32>
      %sub3A_732 = arith.subf %get3A_719, %get3A_725 : vector<16xf32>
      %mul3A_733 = arith.mulf %sub3A_732, %sub3A_732 : vector<16xf32>
      %neg3A_734 = arith.constant 0.000000e+00 : f32
      %neg3A_735 = vector.broadcast %neg3A_734 : f32 to vector<16xf32>
      %neg3A_736 = arith.subf %neg3A_735, %get3A_731 : vector<16xf32>
      %exp3A_737 = math.exp %neg3A_736 : vector<16xf32>
      %mul3A_738 = arith.mulf %mul3A_733, %exp3A_737 : vector<16xf32>
      %add3A_739 = arith.addf %get3A_731, %mul3A_738 : vector<16xf32>
      %mul3A_740 = arith.constant 5.000000e-01 : f32
      %mul3A_741 = vector.broadcast %mul3A_740 : f32 to vector<16xf32>
      %mul3A_742 = arith.mulf %mul3A_741, %add3A_739 : vector<16xf32>
      %sub3A_743 = arith.constant -1.20662057 : f32
      %sub3A_744 = vector.broadcast %sub3A_743 : f32 to vector<16xf32>
      %sub3A_745 = arith.subf %sub3A_744, %mul3A_742 : vector<16xf32>
      %exp3A_746 = math.exp %sub3A_745 : vector<16xf32>
      %swap3A_747 = arith.constant 1 : i32
      %swap3A_748 = arith.index_cast %swap3A_747 : i32 to index
      %swap3A_749 = arith.index_cast %scan3A_438 : i32 to index
      %swap3A_750 = arith.constant 112 : index
      %swap3A_751 = tpu.vector_load %arg10[%swap3A_748, %swap3A_749, %swap3A_750] {strides = array<i32>} : memref<2x128x128xf32, #tpu.memory_space<vmem>>, vector<1x1x16xf32>,
      %swap3A_752 = vector.shape_cast %swap3A_751 : vector<1x1x16xf32> to vector<16xf32>
      %swap3A_753 = vector.shape_cast %exp3A_746 : vector<16xf32> to vector<1x1x16xf32>
      tpu.vector_store %arg10[%swap3A_748, %swap3A_749, %swap3A_750], %swap3A_753 {strides = array<i32>} : memref<2x128x128xf32, #tpu.memory_space<vmem>>, vector<1x1x16xf32>,
    }
    %scan3A_230 = arith.constant 128 : i32
    %add3A_231 = arith.constant 128 : i32
    %add3A_232 = arith.addi %mul3A_2, %add3A_231 : i32
    %dma_start3A_233 = arith.constant 1 : i32
    %dma_start3A_234 = arith.constant 0 : i32
    %dma_start3A_235 = arith.constant 0 : i32
    %dma_start3A_236 = tpu.memref_slice %arg10[%dma_start3A_233, %dma_start3A_234, %dma_start3A_235] : memref<2x128x128xf32, #tpu.memory_space<vmem>> -> memref<1x128x128xf32, #tpu.memory_space<vmem>>
    %dma_start3A_237 = tpu.memref_squeeze %dma_start3A_236 : memref<1x128x128xf32, #tpu.memory_space<vmem>> -> memref<128x128xf32, #tpu.memory_space<vmem>>
    %dma_start3A_238 = arith.constant 0 : i32
    %dma_start3A_239 = tpu.memref_slice %arg6[%add3A_232, %dma_start3A_238] : memref<16384x128xf32, #tpu.memory_space<hbm>> -> memref<128x128xf32, #tpu.memory_space<hbm>>
    %dma_start3A_240 = arith.constant 0 : i32
    %dma_start3A_241 = tpu.memref_slice %arg6[%add3A_232, %dma_start3A_240] : memref<16384x128xf32, #tpu.memory_space<hbm>> -> memref<128x128xf32, #tpu.memory_space<hbm>>
    %dma_start3A_242 = arith.constant 0 : i32
    %dma_start3A_243 = arith.constant 0 : i32
    %dma_start3A_244 = tpu.memref_slice %arg10[%dma_start3A_233, %dma_start3A_242, %dma_start3A_243] : memref<2x128x128xf32, #tpu.memory_space<vmem>> -> memref<1x128x128xf32, #tpu.memory_space<vmem>>
    %dma_start3A_245 = tpu.memref_squeeze %dma_start3A_244 : memref<1x128x128xf32, #tpu.memory_space<vmem>> -> memref<128x128xf32, #tpu.memory_space<vmem>>
    tpu.enqueue_dma source(%dma_start3A_245 : memref<128x128xf32, #tpu.memory_space<vmem>>) target(%dma_start3A_241 : memref<128x128xf32, #tpu.memory_space<hbm>>) target_semaphore(%arg14 : memref<!tpu.dma_semaphore, #tpu.memory_space<semaphore_mem>>)
    %dma_wait3A_246 = arith.constant 2 : i32
    %dma_wait3A_247 = arith.constant 0 : i32
    %dma_wait3A_248 = arith.constant 0 : i32
    %dma_wait3A_249 = arith.constant 0 : i32
    %dma_wait3A_250 = tpu.memref_slice %arg8[%dma_wait3A_247, %dma_wait3A_248, %dma_wait3A_249] : memref<2x128x128xf32, #tpu.memory_space<vmem>> -> memref<1x128x128xf32, #tpu.memory_space<vmem>>
    %dma_wait3A_251 = tpu.memref_squeeze %dma_wait3A_250 : memref<1x128x128xf32, #tpu.memory_space<vmem>> -> memref<128x128xf32, #tpu.memory_space<vmem>>
    %dma_wait3A_252 = arith.constant 0 : i32
    %dma_wait3A_253 = tpu.memref_slice %arg7[%dma_wait3A_246, %dma_wait3A_252] : memref<4x128xi32, #tpu.memory_space<vmem>> -> memref<1x128xi32, #tpu.memory_space<vmem>>
    %dma_wait3A_254 = tpu.memref_squeeze %dma_wait3A_253 : memref<1x128xi32, #tpu.memory_space<vmem>> -> memref<128xi32, #tpu.memory_space<vmem>>
    %dma_wait3A_255 = arith.constant 0 : i32
    %dma_wait3A_256 = arith.constant 0 : i32
    %dma_wait3A_257 = tpu.memref_slice %arg2[%dma_wait3A_255, %dma_wait3A_256] : memref<100000x128xf32, #tpu.memory_space<hbm>> -> memref<100000x128xf32, #tpu.memory_space<hbm>>
    tpu.wait_indirect_dma semaphore(%arg11 : memref<!tpu.dma_semaphore, #tpu.memory_space<semaphore_mem>>) src(%dma_wait3A_257 : memref<100000x128xf32, #tpu.memory_space<hbm>>) dst(%dma_wait3A_251 : memref<128x128xf32, #tpu.memory_space<vmem>>)
    %dma_wait3A_258 = arith.constant 2 : i32
    %dma_wait3A_259 = arith.constant 0 : i32
    %dma_wait3A_260 = arith.constant 0 : i32
    %dma_wait3A_261 = arith.constant 0 : i32
    %dma_wait3A_262 = tpu.memref_slice %arg9[%dma_wait3A_259, %dma_wait3A_260, %dma_wait3A_261] : memref<2x128x128xf32, #tpu.memory_space<vmem>> -> memref<1x128x128xf32, #tpu.memory_space<vmem>>
    %dma_wait3A_263 = tpu.memref_squeeze %dma_wait3A_262 : memref<1x128x128xf32, #tpu.memory_space<vmem>> -> memref<128x128xf32, #tpu.memory_space<vmem>>
    %dma_wait3A_264 = arith.constant 0 : i32
    %dma_wait3A_265 = tpu.memref_slice %arg7[%dma_wait3A_258, %dma_wait3A_264] : memref<4x128xi32, #tpu.memory_space<vmem>> -> memref<1x128xi32, #tpu.memory_space<vmem>>
    %dma_wait3A_266 = tpu.memref_squeeze %dma_wait3A_265 : memref<1x128xi32, #tpu.memory_space<vmem>> -> memref<128xi32, #tpu.memory_space<vmem>>
    %dma_wait3A_267 = arith.constant 0 : i32
    %dma_wait3A_268 = arith.constant 0 : i32
    %dma_wait3A_269 = tpu.memref_slice %arg3[%dma_wait3A_267, %dma_wait3A_268] : memref<100000x128xf32, #tpu.memory_space<hbm>> -> memref<100000x128xf32, #tpu.memory_space<hbm>>
    tpu.wait_indirect_dma semaphore(%arg11 : memref<!tpu.dma_semaphore, #tpu.memory_space<semaphore_mem>>) src(%dma_wait3A_269 : memref<100000x128xf32, #tpu.memory_space<hbm>>) dst(%dma_wait3A_263 : memref<128x128xf32, #tpu.memory_space<vmem>>)
    %dma_wait3A_270 = arith.constant 0 : i32
    %dma_wait3A_271 = arith.constant 0 : i32
    %dma_wait3A_272 = arith.constant 0 : i32
    %dma_wait3A_273 = tpu.memref_slice %arg10[%dma_wait3A_270, %dma_wait3A_271, %dma_wait3A_272] : memref<2x128x128xf32, #tpu.memory_space<vmem>> -> memref<1x128x128xf32, #tpu.memory_space<vmem>>
    %dma_wait3A_274 = tpu.memref_squeeze %dma_wait3A_273 : memref<1x128x128xf32, #tpu.memory_space<vmem>> -> memref<128x128xf32, #tpu.memory_space<vmem>>
    %dma_wait3A_275 = arith.constant 0 : i32
    %dma_wait3A_276 = tpu.memref_slice %arg4[%add3A_188, %dma_wait3A_275] : memref<16384x128xf32, #tpu.memory_space<hbm>> -> memref<128x128xf32, #tpu.memory_space<hbm>>
    %dma_wait3A_277 = arith.constant 0 : i32
    %dma_wait3A_278 = arith.constant 0 : i32
    %dma_wait3A_279 = tpu.memref_slice %arg10[%dma_wait3A_270, %dma_wait3A_277, %dma_wait3A_278] : memref<2x128x128xf32, #tpu.memory_space<vmem>> -> memref<1x128x128xf32, #tpu.memory_space<vmem>>
    %dma_wait3A_280 = tpu.memref_squeeze %dma_wait3A_279 : memref<1x128x128xf32, #tpu.memory_space<vmem>> -> memref<128x128xf32, #tpu.memory_space<vmem>>
    %dma_wait3A_281 = arith.constant 0 : i32
    %dma_wait3A_282 = tpu.memref_slice %arg4[%add3A_188, %dma_wait3A_281] : memref<16384x128xf32, #tpu.memory_space<hbm>> -> memref<128x128xf32, #tpu.memory_space<hbm>>
    tpu.wait_dma2 semaphore(%arg11 : memref<!tpu.dma_semaphore, #tpu.memory_space<semaphore_mem>>) src(%dma_wait3A_282 : memref<128x128xf32, #tpu.memory_space<hbm>>) dst(%dma_wait3A_280 : memref<128x128xf32, #tpu.memory_space<vmem>>)
    %dma_wait3A_283 = arith.constant 1 : i32
    %dma_wait3A_284 = arith.constant 0 : i32
    %dma_wait3A_285 = arith.constant 0 : i32
    %dma_wait3A_286 = tpu.memref_slice %arg10[%dma_wait3A_283, %dma_wait3A_284, %dma_wait3A_285] : memref<2x128x128xf32, #tpu.memory_space<vmem>> -> memref<1x128x128xf32, #tpu.memory_space<vmem>>
    %dma_wait3A_287 = tpu.memref_squeeze %dma_wait3A_286 : memref<1x128x128xf32, #tpu.memory_space<vmem>> -> memref<128x128xf32, #tpu.memory_space<vmem>>
    %dma_wait3A_288 = arith.constant 0 : i32
    %dma_wait3A_289 = tpu.memref_slice %arg6[%add3A_232, %dma_wait3A_288] : memref<16384x128xf32, #tpu.memory_space<hbm>> -> memref<128x128xf32, #tpu.memory_space<hbm>>
    %dma_wait3A_290 = arith.constant 0 : i32
    %dma_wait3A_291 = tpu.memref_slice %arg6[%add3A_232, %dma_wait3A_290] : memref<16384x128xf32, #tpu.memory_space<hbm>> -> memref<128x128xf32, #tpu.memory_space<hbm>>
    %dma_wait3A_292 = arith.constant 0 : i32
    %dma_wait3A_293 = arith.constant 0 : i32
    %dma_wait3A_294 = tpu.memref_slice %arg10[%dma_wait3A_283, %dma_wait3A_292, %dma_wait3A_293] : memref<2x128x128xf32, #tpu.memory_space<vmem>> -> memref<1x128x128xf32, #tpu.memory_space<vmem>>
    %dma_wait3A_295 = tpu.memref_squeeze %dma_wait3A_294 : memref<1x128x128xf32, #tpu.memory_space<vmem>> -> memref<128x128xf32, #tpu.memory_space<vmem>>
    tpu.wait_dma2 semaphore(%arg14 : memref<!tpu.dma_semaphore, #tpu.memory_space<semaphore_mem>>) src(%dma_wait3A_295 : memref<128x128xf32, #tpu.memory_space<vmem>>) dst(%dma_wait3A_291 : memref<128x128xf32, #tpu.memory_space<hbm>>)
    %add3A_296 = arith.constant 384 : i32
    %add3A_297 = arith.addi %mul3A_2, %add3A_296 : i32
    %dma_start3A_298 = arith.constant 3 : i32
    %dma_start3A_299 = arith.constant 1 : i32
    %dma_start3A_300 = arith.constant 0 : i32
    %dma_start3A_301 = arith.constant 0 : i32
    %dma_start3A_302 = tpu.memref_slice %arg8[%dma_start3A_299, %dma_start3A_300, %dma_start3A_301] : memref<2x128x128xf32, #tpu.memory_space<vmem>> -> memref<1x128x128xf32, #tpu.memory_space<vmem>>
    %dma_start3A_303 = tpu.memref_squeeze %dma_start3A_302 : memref<1x128x128xf32, #tpu.memory_space<vmem>> -> memref<128x128xf32, #tpu.memory_space<vmem>>
    %dma_start3A_304 = arith.constant 0 : i32
    %dma_start3A_305 = tpu.memref_slice %arg7[%dma_start3A_298, %dma_start3A_304] : memref<4x128xi32, #tpu.memory_space<vmem>> -> memref<1x128xi32, #tpu.memory_space<vmem>>
    %dma_start3A_306 = tpu.memref_squeeze %dma_start3A_305 : memref<1x128xi32, #tpu.memory_space<vmem>> -> memref<128xi32, #tpu.memory_space<vmem>>
    %dma_start3A_307 = arith.constant 0 : i32
    %dma_start3A_308 = arith.constant 0 : i32
    %dma_start3A_309 = tpu.memref_slice %arg2[%dma_start3A_307, %dma_start3A_308] : memref<100000x128xf32, #tpu.memory_space<hbm>> -> memref<100000x128xf32, #tpu.memory_space<hbm>>
    tpu.enqueue_indirect_dma source(%dma_start3A_309 : memref<100000x128xf32, #tpu.memory_space<hbm>>) target(%dma_start3A_303 : memref<128x128xf32, #tpu.memory_space<vmem>>) offsets(%dma_start3A_306 : memref<128xi32, #tpu.memory_space<vmem>>) semaphore(%arg12 : memref<!tpu.dma_semaphore, #tpu.memory_space<semaphore_mem>>)
    %dma_start3A_310 = arith.constant 3 : i32
    %dma_start3A_311 = arith.constant 1 : i32
    %dma_start3A_312 = arith.constant 0 : i32
    %dma_start3A_313 = arith.constant 0 : i32
    %dma_start3A_314 = tpu.memref_slice %arg9[%dma_start3A_311, %dma_start3A_312, %dma_start3A_313] : memref<2x128x128xf32, #tpu.memory_space<vmem>> -> memref<1x128x128xf32, #tpu.memory_space<vmem>>
    %dma_start3A_315 = tpu.memref_squeeze %dma_start3A_314 : memref<1x128x128xf32, #tpu.memory_space<vmem>> -> memref<128x128xf32, #tpu.memory_space<vmem>>
    %dma_start3A_316 = arith.constant 0 : i32
    %dma_start3A_317 = tpu.memref_slice %arg7[%dma_start3A_310, %dma_start3A_316] : memref<4x128xi32, #tpu.memory_space<vmem>> -> memref<1x128xi32, #tpu.memory_space<vmem>>
    %dma_start3A_318 = tpu.memref_squeeze %dma_start3A_317 : memref<1x128xi32, #tpu.memory_space<vmem>> -> memref<128xi32, #tpu.memory_space<vmem>>
    %dma_start3A_319 = arith.constant 0 : i32
    %dma_start3A_320 = arith.constant 0 : i32
    %dma_start3A_321 = tpu.memref_slice %arg3[%dma_start3A_319, %dma_start3A_320] : memref<100000x128xf32, #tpu.memory_space<hbm>> -> memref<100000x128xf32, #tpu.memory_space<hbm>>
    tpu.enqueue_indirect_dma source(%dma_start3A_321 : memref<100000x128xf32, #tpu.memory_space<hbm>>) target(%dma_start3A_315 : memref<128x128xf32, #tpu.memory_space<vmem>>) offsets(%dma_start3A_318 : memref<128xi32, #tpu.memory_space<vmem>>) semaphore(%arg12 : memref<!tpu.dma_semaphore, #tpu.memory_space<semaphore_mem>>)
    %dma_start3A_322 = arith.constant 1 : i32
    %dma_start3A_323 = arith.constant 0 : i32
    %dma_start3A_324 = arith.constant 0 : i32
    %dma_start3A_325 = tpu.memref_slice %arg10[%dma_start3A_322, %dma_start3A_323, %dma_start3A_324] : memref<2x128x128xf32, #tpu.memory_space<vmem>> -> memref<1x128x128xf32, #tpu.memory_space<vmem>>
    %dma_start3A_326 = tpu.memref_squeeze %dma_start3A_325 : memref<1x128x128xf32, #tpu.memory_space<vmem>> -> memref<128x128xf32, #tpu.memory_space<vmem>>
    %dma_start3A_327 = arith.constant 0 : i32
    %dma_start3A_328 = tpu.memref_slice %arg4[%add3A_297, %dma_start3A_327] : memref<16384x128xf32, #tpu.memory_space<hbm>> -> memref<128x128xf32, #tpu.memory_space<hbm>>
    %dma_start3A_329 = arith.constant 0 : i32
    %dma_start3A_330 = arith.constant 0 : i32
    %dma_start3A_331 = tpu.memref_slice %arg10[%dma_start3A_322, %dma_start3A_329, %dma_start3A_330] : memref<2x128x128xf32, #tpu.memory_space<vmem>> -> memref<1x128x128xf32, #tpu.memory_space<vmem>>
    %dma_start3A_332 = tpu.memref_squeeze %dma_start3A_331 : memref<1x128x128xf32, #tpu.memory_space<vmem>> -> memref<128x128xf32, #tpu.memory_space<vmem>>
    %dma_start3A_333 = arith.constant 0 : i32
    %dma_start3A_334 = tpu.memref_slice %arg4[%add3A_297, %dma_start3A_333] : memref<16384x128xf32, #tpu.memory_space<hbm>> -> memref<128x128xf32, #tpu.memory_space<hbm>>
    tpu.enqueue_dma source(%dma_start3A_334 : memref<128x128xf32, #tpu.memory_space<hbm>>) target(%dma_start3A_332 : memref<128x128xf32, #tpu.memory_space<vmem>>) target_semaphore(%arg12 : memref<!tpu.dma_semaphore, #tpu.memory_space<semaphore_mem>>)
    %scan3A_335 = arith.constant 0 : i32
    %scan3A_336 = arith.constant 128 : i32
    %scan3A_337 = arith.addi %scan3A_335, %scan3A_336 : i32
    %scan3A_338 = arith.constant 1 : i32
    scf.for %scan3A_438 = %scan3A_335 to %scan3A_337 step %scan3A_338  : i32 {
      %get3A = arith.constant 0 : i32
      %get3A_439 = arith.index_cast %get3A : i32 to index
      %get3A_440 = arith.index_cast %scan3A_438 : i32 to index
      %get3A_441 = arith.constant 0 : index
      %get3A_442 = tpu.vector_load %arg10[%get3A_439, %get3A_440, %get3A_441] {strides = array<i32>} : memref<2x128x128xf32, #tpu.memory_space<vmem>>, vector<1x1x16xf32>,
      %get3A_443 = vector.shape_cast %get3A_442 : vector<1x1x16xf32> to vector<16xf32>
      %get3A_444 = arith.constant 0 : i32
      %get3A_445 = arith.index_cast %get3A_444 : i32 to index
      %get3A_446 = arith.index_cast %scan3A_438 : i32 to index
      %get3A_447 = arith.constant 0 : index
      %get3A_448 = tpu.vector_load %arg8[%get3A_445, %get3A_446, %get3A_447] {strides = array<i32>} : memref<2x128x128xf32, #tpu.memory_space<vmem>>, vector<1x1x16xf32>,
      %get3A_449 = vector.shape_cast %get3A_448 : vector<1x1x16xf32> to vector<16xf32>
      %get3A_450 = arith.constant 0 : i32
      %get3A_451 = arith.index_cast %get3A_450 : i32 to index
      %get3A_452 = arith.index_cast %scan3A_438 : i32 to index
      %get3A_453 = arith.constant 0 : index
      %get3A_454 = tpu.vector_load %arg9[%get3A_451, %get3A_452, %get3A_453] {strides = array<i32>} : memref<2x128x128xf32, #tpu.memory_space<vmem>>, vector<1x1x16xf32>,
      %get3A_455 = vector.shape_cast %get3A_454 : vector<1x1x16xf32> to vector<16xf32>
      %sub3A = arith.subf %get3A_443, %get3A_449 : vector<16xf32>
      %mul3A_456 = arith.mulf %sub3A, %sub3A : vector<16xf32>
      %neg3A = arith.constant 0.000000e+00 : f32
      %neg3A_457 = vector.broadcast %neg3A : f32 to vector<16xf32>
      %neg3A_458 = arith.subf %neg3A_457, %get3A_455 : vector<16xf32>
      %exp3A = math.exp %neg3A_458 : vector<16xf32>
      %mul3A_459 = arith.mulf %mul3A_456, %exp3A : vector<16xf32>
      %add3A_460 = arith.addf %get3A_455, %mul3A_459 : vector<16xf32>
      %mul3A_461 = arith.constant 5.000000e-01 : f32
      %mul3A_462 = vector.broadcast %mul3A_461 : f32 to vector<16xf32>
      %mul3A_463 = arith.mulf %mul3A_462, %add3A_460 : vector<16xf32>
      %sub3A_464 = arith.constant -1.20662057 : f32
      %sub3A_465 = vector.broadcast %sub3A_464 : f32 to vector<16xf32>
      %sub3A_466 = arith.subf %sub3A_465, %mul3A_463 : vector<16xf32>
      %exp3A_467 = math.exp %sub3A_466 : vector<16xf32>
      %swap3A = arith.constant 0 : i32
      %swap3A_468 = arith.index_cast %swap3A : i32 to index
      %swap3A_469 = arith.index_cast %scan3A_438 : i32 to index
      %swap3A_470 = arith.constant 0 : index
      %swap3A_471 = tpu.vector_load %arg10[%swap3A_468, %swap3A_469, %swap3A_470] {strides = array<i32>} : memref<2x128x128xf32, #tpu.memory_space<vmem>>, vector<1x1x16xf32>,
      %swap3A_472 = vector.shape_cast %swap3A_471 : vector<1x1x16xf32> to vector<16xf32>
      %swap3A_473 = vector.shape_cast %exp3A_467 : vector<16xf32> to vector<1x1x16xf32>
      tpu.vector_store %arg10[%swap3A_468, %swap3A_469, %swap3A_470], %swap3A_473 {strides = array<i32>} : memref<2x128x128xf32, #tpu.memory_space<vmem>>, vector<1x1x16xf32>,
      %get3A_474 = arith.constant 0 : i32
      %get3A_475 = arith.index_cast %get3A_474 : i32 to index
      %get3A_476 = arith.index_cast %scan3A_438 : i32 to index
      %get3A_477 = arith.constant 16 : index
      %get3A_478 = tpu.vector_load %arg10[%get3A_475, %get3A_476, %get3A_477] {strides = array<i32>} : memref<2x128x128xf32, #tpu.memory_space<vmem>>, vector<1x1x16xf32>,
      %get3A_479 = vector.shape_cast %get3A_478 : vector<1x1x16xf32> to vector<16xf32>
      %get3A_480 = arith.constant 0 : i32
      %get3A_481 = arith.index_cast %get3A_480 : i32 to index
      %get3A_482 = arith.index_cast %scan3A_438 : i32 to index
      %get3A_483 = arith.constant 16 : index
      %get3A_484 = tpu.vector_load %arg8[%get3A_481, %get3A_482, %get3A_483] {strides = array<i32>} : memref<2x128x128xf32, #tpu.memory_space<vmem>>, vector<1x1x16xf32>,
      %get3A_485 = vector.shape_cast %get3A_484 : vector<1x1x16xf32> to vector<16xf32>
      %get3A_486 = arith.constant 0 : i32
      %get3A_487 = arith.index_cast %get3A_486 : i32 to index
      %get3A_488 = arith.index_cast %scan3A_438 : i32 to index
      %get3A_489 = arith.constant 16 : index
      %get3A_490 = tpu.vector_load %arg9[%get3A_487, %get3A_488, %get3A_489] {strides = array<i32>} : memref<2x128x128xf32, #tpu.memory_space<vmem>>, vector<1x1x16xf32>,
      %get3A_491 = vector.shape_cast %get3A_490 : vector<1x1x16xf32> to vector<16xf32>
      %sub3A_492 = arith.subf %get3A_479, %get3A_485 : vector<16xf32>
      %mul3A_493 = arith.mulf %sub3A_492, %sub3A_492 : vector<16xf32>
      %neg3A_494 = arith.constant 0.000000e+00 : f32
      %neg3A_495 = vector.broadcast %neg3A_494 : f32 to vector<16xf32>
      %neg3A_496 = arith.subf %neg3A_495, %get3A_491 : vector<16xf32>
      %exp3A_497 = math.exp %neg3A_496 : vector<16xf32>
      %mul3A_498 = arith.mulf %mul3A_493, %exp3A_497 : vector<16xf32>
      %add3A_499 = arith.addf %get3A_491, %mul3A_498 : vector<16xf32>
      %mul3A_500 = arith.constant 5.000000e-01 : f32
      %mul3A_501 = vector.broadcast %mul3A_500 : f32 to vector<16xf32>
      %mul3A_502 = arith.mulf %mul3A_501, %add3A_499 : vector<16xf32>
      %sub3A_503 = arith.constant -1.20662057 : f32
      %sub3A_504 = vector.broadcast %sub3A_503 : f32 to vector<16xf32>
      %sub3A_505 = arith.subf %sub3A_504, %mul3A_502 : vector<16xf32>
      %exp3A_506 = math.exp %sub3A_505 : vector<16xf32>
      %swap3A_507 = arith.constant 0 : i32
      %swap3A_508 = arith.index_cast %swap3A_507 : i32 to index
      %swap3A_509 = arith.index_cast %scan3A_438 : i32 to index
      %swap3A_510 = arith.constant 16 : index
      %swap3A_511 = tpu.vector_load %arg10[%swap3A_508, %swap3A_509, %swap3A_510] {strides = array<i32>} : memref<2x128x128xf32, #tpu.memory_space<vmem>>, vector<1x1x16xf32>,
      %swap3A_512 = vector.shape_cast %swap3A_511 : vector<1x1x16xf32> to vector<16xf32>
      %swap3A_513 = vector.shape_cast %exp3A_506 : vector<16xf32> to vector<1x1x16xf32>
      tpu.vector_store %arg10[%swap3A_508, %swap3A_509, %swap3A_510], %swap3A_513 {strides = array<i32>} : memref<2x128x128xf32, #tpu.memory_space<vmem>>, vector<1x1x16xf32>,
      %get3A_514 = arith.constant 0 : i32
      %get3A_515 = arith.index_cast %get3A_514 : i32 to index
      %get3A_516 = arith.index_cast %scan3A_438 : i32 to index
      %get3A_517 = arith.constant 32 : index
      %get3A_518 = tpu.vector_load %arg10[%get3A_515, %get3A_516, %get3A_517] {strides = array<i32>} : memref<2x128x128xf32, #tpu.memory_space<vmem>>, vector<1x1x16xf32>,
      %get3A_519 = vector.shape_cast %get3A_518 : vector<1x1x16xf32> to vector<16xf32>
      %get3A_520 = arith.constant 0 : i32
      %get3A_521 = arith.index_cast %get3A_520 : i32 to index
      %get3A_522 = arith.index_cast %scan3A_438 : i32 to index
      %get3A_523 = arith.constant 32 : index
      %get3A_524 = tpu.vector_load %arg8[%get3A_521, %get3A_522, %get3A_523] {strides = array<i32>} : memref<2x128x128xf32, #tpu.memory_space<vmem>>, vector<1x1x16xf32>,
      %get3A_525 = vector.shape_cast %get3A_524 : vector<1x1x16xf32> to vector<16xf32>
      %get3A_526 = arith.constant 0 : i32
      %get3A_527 = arith.index_cast %get3A_526 : i32 to index
      %get3A_528 = arith.index_cast %scan3A_438 : i32 to index
      %get3A_529 = arith.constant 32 : index
      %get3A_530 = tpu.vector_load %arg9[%get3A_527, %get3A_528, %get3A_529] {strides = array<i32>} : memref<2x128x128xf32, #tpu.memory_space<vmem>>, vector<1x1x16xf32>,
      %get3A_531 = vector.shape_cast %get3A_530 : vector<1x1x16xf32> to vector<16xf32>
      %sub3A_532 = arith.subf %get3A_519, %get3A_525 : vector<16xf32>
      %mul3A_533 = arith.mulf %sub3A_532, %sub3A_532 : vector<16xf32>
      %neg3A_534 = arith.constant 0.000000e+00 : f32
      %neg3A_535 = vector.broadcast %neg3A_534 : f32 to vector<16xf32>
      %neg3A_536 = arith.subf %neg3A_535, %get3A_531 : vector<16xf32>
      %exp3A_537 = math.exp %neg3A_536 : vector<16xf32>
      %mul3A_538 = arith.mulf %mul3A_533, %exp3A_537 : vector<16xf32>
      %add3A_539 = arith.addf %get3A_531, %mul3A_538 : vector<16xf32>
      %mul3A_540 = arith.constant 5.000000e-01 : f32
      %mul3A_541 = vector.broadcast %mul3A_540 : f32 to vector<16xf32>
      %mul3A_542 = arith.mulf %mul3A_541, %add3A_539 : vector<16xf32>
      %sub3A_543 = arith.constant -1.20662057 : f32
      %sub3A_544 = vector.broadcast %sub3A_543 : f32 to vector<16xf32>
      %sub3A_545 = arith.subf %sub3A_544, %mul3A_542 : vector<16xf32>
      %exp3A_546 = math.exp %sub3A_545 : vector<16xf32>
      %swap3A_547 = arith.constant 0 : i32
      %swap3A_548 = arith.index_cast %swap3A_547 : i32 to index
      %swap3A_549 = arith.index_cast %scan3A_438 : i32 to index
      %swap3A_550 = arith.constant 32 : index
      %swap3A_551 = tpu.vector_load %arg10[%swap3A_548, %swap3A_549, %swap3A_550] {strides = array<i32>} : memref<2x128x128xf32, #tpu.memory_space<vmem>>, vector<1x1x16xf32>,
      %swap3A_552 = vector.shape_cast %swap3A_551 : vector<1x1x16xf32> to vector<16xf32>
      %swap3A_553 = vector.shape_cast %exp3A_546 : vector<16xf32> to vector<1x1x16xf32>
      tpu.vector_store %arg10[%swap3A_548, %swap3A_549, %swap3A_550], %swap3A_553 {strides = array<i32>} : memref<2x128x128xf32, #tpu.memory_space<vmem>>, vector<1x1x16xf32>,
      %get3A_554 = arith.constant 0 : i32
      %get3A_555 = arith.index_cast %get3A_554 : i32 to index
      %get3A_556 = arith.index_cast %scan3A_438 : i32 to index
      %get3A_557 = arith.constant 48 : index
      %get3A_558 = tpu.vector_load %arg10[%get3A_555, %get3A_556, %get3A_557] {strides = array<i32>} : memref<2x128x128xf32, #tpu.memory_space<vmem>>, vector<1x1x16xf32>,
      %get3A_559 = vector.shape_cast %get3A_558 : vector<1x1x16xf32> to vector<16xf32>
      %get3A_560 = arith.constant 0 : i32
      %get3A_561 = arith.index_cast %get3A_560 : i32 to index
      %get3A_562 = arith.index_cast %scan3A_438 : i32 to index
      %get3A_563 = arith.constant 48 : index
      %get3A_564 = tpu.vector_load %arg8[%get3A_561, %get3A_562, %get3A_563] {strides = array<i32>} : memref<2x128x128xf32, #tpu.memory_space<vmem>>, vector<1x1x16xf32>,
      %get3A_565 = vector.shape_cast %get3A_564 : vector<1x1x16xf32> to vector<16xf32>
      %get3A_566 = arith.constant 0 : i32
      %get3A_567 = arith.index_cast %get3A_566 : i32 to index
      %get3A_568 = arith.index_cast %scan3A_438 : i32 to index
      %get3A_569 = arith.constant 48 : index
      %get3A_570 = tpu.vector_load %arg9[%get3A_567, %get3A_568, %get3A_569] {strides = array<i32>} : memref<2x128x128xf32, #tpu.memory_space<vmem>>, vector<1x1x16xf32>,
      %get3A_571 = vector.shape_cast %get3A_570 : vector<1x1x16xf32> to vector<16xf32>
      %sub3A_572 = arith.subf %get3A_559, %get3A_565 : vector<16xf32>
      %mul3A_573 = arith.mulf %sub3A_572, %sub3A_572 : vector<16xf32>
      %neg3A_574 = arith.constant 0.000000e+00 : f32
      %neg3A_575 = vector.broadcast %neg3A_574 : f32 to vector<16xf32>
      %neg3A_576 = arith.subf %neg3A_575, %get3A_571 : vector<16xf32>
      %exp3A_577 = math.exp %neg3A_576 : vector<16xf32>
      %mul3A_578 = arith.mulf %mul3A_573, %exp3A_577 : vector<16xf32>
      %add3A_579 = arith.addf %get3A_571, %mul3A_578 : vector<16xf32>
      %mul3A_580 = arith.constant 5.000000e-01 : f32
      %mul3A_581 = vector.broadcast %mul3A_580 : f32 to vector<16xf32>
      %mul3A_582 = arith.mulf %mul3A_581, %add3A_579 : vector<16xf32>
      %sub3A_583 = arith.constant -1.20662057 : f32
      %sub3A_584 = vector.broadcast %sub3A_583 : f32 to vector<16xf32>
      %sub3A_585 = arith.subf %sub3A_584, %mul3A_582 : vector<16xf32>
      %exp3A_586 = math.exp %sub3A_585 : vector<16xf32>
      %swap3A_587 = arith.constant 0 : i32
      %swap3A_588 = arith.index_cast %swap3A_587 : i32 to index
      %swap3A_589 = arith.index_cast %scan3A_438 : i32 to index
      %swap3A_590 = arith.constant 48 : index
      %swap3A_591 = tpu.vector_load %arg10[%swap3A_588, %swap3A_589, %swap3A_590] {strides = array<i32>} : memref<2x128x128xf32, #tpu.memory_space<vmem>>, vector<1x1x16xf32>,
      %swap3A_592 = vector.shape_cast %swap3A_591 : vector<1x1x16xf32> to vector<16xf32>
      %swap3A_593 = vector.shape_cast %exp3A_586 : vector<16xf32> to vector<1x1x16xf32>
      tpu.vector_store %arg10[%swap3A_588, %swap3A_589, %swap3A_590], %swap3A_593 {strides = array<i32>} : memref<2x128x128xf32, #tpu.memory_space<vmem>>, vector<1x1x16xf32>,
      %get3A_594 = arith.constant 0 : i32
      %get3A_595 = arith.index_cast %get3A_594 : i32 to index
      %get3A_596 = arith.index_cast %scan3A_438 : i32 to index
      %get3A_597 = arith.constant 64 : index
      %get3A_598 = tpu.vector_load %arg10[%get3A_595, %get3A_596, %get3A_597] {strides = array<i32>} : memref<2x128x128xf32, #tpu.memory_space<vmem>>, vector<1x1x16xf32>,
      %get3A_599 = vector.shape_cast %get3A_598 : vector<1x1x16xf32> to vector<16xf32>
      %get3A_600 = arith.constant 0 : i32
      %get3A_601 = arith.index_cast %get3A_600 : i32 to index
      %get3A_602 = arith.index_cast %scan3A_438 : i32 to index
      %get3A_603 = arith.constant 64 : index
      %get3A_604 = tpu.vector_load %arg8[%get3A_601, %get3A_602, %get3A_603] {strides = array<i32>} : memref<2x128x128xf32, #tpu.memory_space<vmem>>, vector<1x1x16xf32>,
      %get3A_605 = vector.shape_cast %get3A_604 : vector<1x1x16xf32> to vector<16xf32>
      %get3A_606 = arith.constant 0 : i32
      %get3A_607 = arith.index_cast %get3A_606 : i32 to index
      %get3A_608 = arith.index_cast %scan3A_438 : i32 to index
      %get3A_609 = arith.constant 64 : index
      %get3A_610 = tpu.vector_load %arg9[%get3A_607, %get3A_608, %get3A_609] {strides = array<i32>} : memref<2x128x128xf32, #tpu.memory_space<vmem>>, vector<1x1x16xf32>,
      %get3A_611 = vector.shape_cast %get3A_610 : vector<1x1x16xf32> to vector<16xf32>
      %sub3A_612 = arith.subf %get3A_599, %get3A_605 : vector<16xf32>
      %mul3A_613 = arith.mulf %sub3A_612, %sub3A_612 : vector<16xf32>
      %neg3A_614 = arith.constant 0.000000e+00 : f32
      %neg3A_615 = vector.broadcast %neg3A_614 : f32 to vector<16xf32>
      %neg3A_616 = arith.subf %neg3A_615, %get3A_611 : vector<16xf32>
      %exp3A_617 = math.exp %neg3A_616 : vector<16xf32>
      %mul3A_618 = arith.mulf %mul3A_613, %exp3A_617 : vector<16xf32>
      %add3A_619 = arith.addf %get3A_611, %mul3A_618 : vector<16xf32>
      %mul3A_620 = arith.constant 5.000000e-01 : f32
      %mul3A_621 = vector.broadcast %mul3A_620 : f32 to vector<16xf32>
      %mul3A_622 = arith.mulf %mul3A_621, %add3A_619 : vector<16xf32>
      %sub3A_623 = arith.constant -1.20662057 : f32
      %sub3A_624 = vector.broadcast %sub3A_623 : f32 to vector<16xf32>
      %sub3A_625 = arith.subf %sub3A_624, %mul3A_622 : vector<16xf32>
      %exp3A_626 = math.exp %sub3A_625 : vector<16xf32>
      %swap3A_627 = arith.constant 0 : i32
      %swap3A_628 = arith.index_cast %swap3A_627 : i32 to index
      %swap3A_629 = arith.index_cast %scan3A_438 : i32 to index
      %swap3A_630 = arith.constant 64 : index
      %swap3A_631 = tpu.vector_load %arg10[%swap3A_628, %swap3A_629, %swap3A_630] {strides = array<i32>} : memref<2x128x128xf32, #tpu.memory_space<vmem>>, vector<1x1x16xf32>,
      %swap3A_632 = vector.shape_cast %swap3A_631 : vector<1x1x16xf32> to vector<16xf32>
      %swap3A_633 = vector.shape_cast %exp3A_626 : vector<16xf32> to vector<1x1x16xf32>
      tpu.vector_store %arg10[%swap3A_628, %swap3A_629, %swap3A_630], %swap3A_633 {strides = array<i32>} : memref<2x128x128xf32, #tpu.memory_space<vmem>>, vector<1x1x16xf32>,
      %get3A_634 = arith.constant 0 : i32
      %get3A_635 = arith.index_cast %get3A_634 : i32 to index
      %get3A_636 = arith.index_cast %scan3A_438 : i32 to index
      %get3A_637 = arith.constant 80 : index
      %get3A_638 = tpu.vector_load %arg10[%get3A_635, %get3A_636, %get3A_637] {strides = array<i32>} : memref<2x128x128xf32, #tpu.memory_space<vmem>>, vector<1x1x16xf32>,
      %get3A_639 = vector.shape_cast %get3A_638 : vector<1x1x16xf32> to vector<16xf32>
      %get3A_640 = arith.constant 0 : i32
      %get3A_641 = arith.index_cast %get3A_640 : i32 to index
      %get3A_642 = arith.index_cast %scan3A_438 : i32 to index
      %get3A_643 = arith.constant 80 : index
      %get3A_644 = tpu.vector_load %arg8[%get3A_641, %get3A_642, %get3A_643] {strides = array<i32>} : memref<2x128x128xf32, #tpu.memory_space<vmem>>, vector<1x1x16xf32>,
      %get3A_645 = vector.shape_cast %get3A_644 : vector<1x1x16xf32> to vector<16xf32>
      %get3A_646 = arith.constant 0 : i32
      %get3A_647 = arith.index_cast %get3A_646 : i32 to index
      %get3A_648 = arith.index_cast %scan3A_438 : i32 to index
      %get3A_649 = arith.constant 80 : index
      %get3A_650 = tpu.vector_load %arg9[%get3A_647, %get3A_648, %get3A_649] {strides = array<i32>} : memref<2x128x128xf32, #tpu.memory_space<vmem>>, vector<1x1x16xf32>,
      %get3A_651 = vector.shape_cast %get3A_650 : vector<1x1x16xf32> to vector<16xf32>
      %sub3A_652 = arith.subf %get3A_639, %get3A_645 : vector<16xf32>
      %mul3A_653 = arith.mulf %sub3A_652, %sub3A_652 : vector<16xf32>
      %neg3A_654 = arith.constant 0.000000e+00 : f32
      %neg3A_655 = vector.broadcast %neg3A_654 : f32 to vector<16xf32>
      %neg3A_656 = arith.subf %neg3A_655, %get3A_651 : vector<16xf32>
      %exp3A_657 = math.exp %neg3A_656 : vector<16xf32>
      %mul3A_658 = arith.mulf %mul3A_653, %exp3A_657 : vector<16xf32>
      %add3A_659 = arith.addf %get3A_651, %mul3A_658 : vector<16xf32>
      %mul3A_660 = arith.constant 5.000000e-01 : f32
      %mul3A_661 = vector.broadcast %mul3A_660 : f32 to vector<16xf32>
      %mul3A_662 = arith.mulf %mul3A_661, %add3A_659 : vector<16xf32>
      %sub3A_663 = arith.constant -1.20662057 : f32
      %sub3A_664 = vector.broadcast %sub3A_663 : f32 to vector<16xf32>
      %sub3A_665 = arith.subf %sub3A_664, %mul3A_662 : vector<16xf32>
      %exp3A_666 = math.exp %sub3A_665 : vector<16xf32>
      %swap3A_667 = arith.constant 0 : i32
      %swap3A_668 = arith.index_cast %swap3A_667 : i32 to index
      %swap3A_669 = arith.index_cast %scan3A_438 : i32 to index
      %swap3A_670 = arith.constant 80 : index
      %swap3A_671 = tpu.vector_load %arg10[%swap3A_668, %swap3A_669, %swap3A_670] {strides = array<i32>} : memref<2x128x128xf32, #tpu.memory_space<vmem>>, vector<1x1x16xf32>,
      %swap3A_672 = vector.shape_cast %swap3A_671 : vector<1x1x16xf32> to vector<16xf32>
      %swap3A_673 = vector.shape_cast %exp3A_666 : vector<16xf32> to vector<1x1x16xf32>
      tpu.vector_store %arg10[%swap3A_668, %swap3A_669, %swap3A_670], %swap3A_673 {strides = array<i32>} : memref<2x128x128xf32, #tpu.memory_space<vmem>>, vector<1x1x16xf32>,
      %get3A_674 = arith.constant 0 : i32
      %get3A_675 = arith.index_cast %get3A_674 : i32 to index
      %get3A_676 = arith.index_cast %scan3A_438 : i32 to index
      %get3A_677 = arith.constant 96 : index
      %get3A_678 = tpu.vector_load %arg10[%get3A_675, %get3A_676, %get3A_677] {strides = array<i32>} : memref<2x128x128xf32, #tpu.memory_space<vmem>>, vector<1x1x16xf32>,
      %get3A_679 = vector.shape_cast %get3A_678 : vector<1x1x16xf32> to vector<16xf32>
      %get3A_680 = arith.constant 0 : i32
      %get3A_681 = arith.index_cast %get3A_680 : i32 to index
      %get3A_682 = arith.index_cast %scan3A_438 : i32 to index
      %get3A_683 = arith.constant 96 : index
      %get3A_684 = tpu.vector_load %arg8[%get3A_681, %get3A_682, %get3A_683] {strides = array<i32>} : memref<2x128x128xf32, #tpu.memory_space<vmem>>, vector<1x1x16xf32>,
      %get3A_685 = vector.shape_cast %get3A_684 : vector<1x1x16xf32> to vector<16xf32>
      %get3A_686 = arith.constant 0 : i32
      %get3A_687 = arith.index_cast %get3A_686 : i32 to index
      %get3A_688 = arith.index_cast %scan3A_438 : i32 to index
      %get3A_689 = arith.constant 96 : index
      %get3A_690 = tpu.vector_load %arg9[%get3A_687, %get3A_688, %get3A_689] {strides = array<i32>} : memref<2x128x128xf32, #tpu.memory_space<vmem>>, vector<1x1x16xf32>,
      %get3A_691 = vector.shape_cast %get3A_690 : vector<1x1x16xf32> to vector<16xf32>
      %sub3A_692 = arith.subf %get3A_679, %get3A_685 : vector<16xf32>
      %mul3A_693 = arith.mulf %sub3A_692, %sub3A_692 : vector<16xf32>
      %neg3A_694 = arith.constant 0.000000e+00 : f32
      %neg3A_695 = vector.broadcast %neg3A_694 : f32 to vector<16xf32>
      %neg3A_696 = arith.subf %neg3A_695, %get3A_691 : vector<16xf32>
      %exp3A_697 = math.exp %neg3A_696 : vector<16xf32>
      %mul3A_698 = arith.mulf %mul3A_693, %exp3A_697 : vector<16xf32>
      %add3A_699 = arith.addf %get3A_691, %mul3A_698 : vector<16xf32>
      %mul3A_700 = arith.constant 5.000000e-01 : f32
      %mul3A_701 = vector.broadcast %mul3A_700 : f32 to vector<16xf32>
      %mul3A_702 = arith.mulf %mul3A_701, %add3A_699 : vector<16xf32>
      %sub3A_703 = arith.constant -1.20662057 : f32
      %sub3A_704 = vector.broadcast %sub3A_703 : f32 to vector<16xf32>
      %sub3A_705 = arith.subf %sub3A_704, %mul3A_702 : vector<16xf32>
      %exp3A_706 = math.exp %sub3A_705 : vector<16xf32>
      %swap3A_707 = arith.constant 0 : i32
      %swap3A_708 = arith.index_cast %swap3A_707 : i32 to index
      %swap3A_709 = arith.index_cast %scan3A_438 : i32 to index
      %swap3A_710 = arith.constant 96 : index
      %swap3A_711 = tpu.vector_load %arg10[%swap3A_708, %swap3A_709, %swap3A_710] {strides = array<i32>} : memref<2x128x128xf32, #tpu.memory_space<vmem>>, vector<1x1x16xf32>,
      %swap3A_712 = vector.shape_cast %swap3A_711 : vector<1x1x16xf32> to vector<16xf32>
      %swap3A_713 = vector.shape_cast %exp3A_706 : vector<16xf32> to vector<1x1x16xf32>
      tpu.vector_store %arg10[%swap3A_708, %swap3A_709, %swap3A_710], %swap3A_713 {strides = array<i32>} : memref<2x128x128xf32, #tpu.memory_space<vmem>>, vector<1x1x16xf32>,
      %get3A_714 = arith.constant 0 : i32
      %get3A_715 = arith.index_cast %get3A_714 : i32 to index
      %get3A_716 = arith.index_cast %scan3A_438 : i32 to index
      %get3A_717 = arith.constant 112 : index
      %get3A_718 = tpu.vector_load %arg10[%get3A_715, %get3A_716, %get3A_717] {strides = array<i32>} : memref<2x128x128xf32, #tpu.memory_space<vmem>>, vector<1x1x16xf32>,
      %get3A_719 = vector.shape_cast %get3A_718 : vector<1x1x16xf32> to vector<16xf32>
      %get3A_720 = arith.constant 0 : i32
      %get3A_721 = arith.index_cast %get3A_720 : i32 to index
      %get3A_722 = arith.index_cast %scan3A_438 : i32 to index
      %get3A_723 = arith.constant 112 : index
      %get3A_724 = tpu.vector_load %arg8[%get3A_721, %get3A_722, %get3A_723] {strides = array<i32>} : memref<2x128x128xf32, #tpu.memory_space<vmem>>, vector<1x1x16xf32>,
      %get3A_725 = vector.shape_cast %get3A_724 : vector<1x1x16xf32> to vector<16xf32>
      %get3A_726 = arith.constant 0 : i32
      %get3A_727 = arith.index_cast %get3A_726 : i32 to index
      %get3A_728 = arith.index_cast %scan3A_438 : i32 to index
      %get3A_729 = arith.constant 112 : index
      %get3A_730 = tpu.vector_load %arg9[%get3A_727, %get3A_728, %get3A_729] {strides = array<i32>} : memref<2x128x128xf32, #tpu.memory_space<vmem>>, vector<1x1x16xf32>,
      %get3A_731 = vector.shape_cast %get3A_730 : vector<1x1x16xf32> to vector<16xf32>
      %sub3A_732 = arith.subf %get3A_719, %get3A_725 : vector<16xf32>
      %mul3A_733 = arith.mulf %sub3A_732, %sub3A_732 : vector<16xf32>
      %neg3A_734 = arith.constant 0.000000e+00 : f32
      %neg3A_735 = vector.broadcast %neg3A_734 : f32 to vector<16xf32>
      %neg3A_736 = arith.subf %neg3A_735, %get3A_731 : vector<16xf32>
      %exp3A_737 = math.exp %neg3A_736 : vector<16xf32>
      %mul3A_738 = arith.mulf %mul3A_733, %exp3A_737 : vector<16xf32>
      %add3A_739 = arith.addf %get3A_731, %mul3A_738 : vector<16xf32>
      %mul3A_740 = arith.constant 5.000000e-01 : f32
      %mul3A_741 = vector.broadcast %mul3A_740 : f32 to vector<16xf32>
      %mul3A_742 = arith.mulf %mul3A_741, %add3A_739 : vector<16xf32>
      %sub3A_743 = arith.constant -1.20662057 : f32
      %sub3A_744 = vector.broadcast %sub3A_743 : f32 to vector<16xf32>
      %sub3A_745 = arith.subf %sub3A_744, %mul3A_742 : vector<16xf32>
      %exp3A_746 = math.exp %sub3A_745 : vector<16xf32>
      %swap3A_747 = arith.constant 0 : i32
      %swap3A_748 = arith.index_cast %swap3A_747 : i32 to index
      %swap3A_749 = arith.index_cast %scan3A_438 : i32 to index
      %swap3A_750 = arith.constant 112 : index
      %swap3A_751 = tpu.vector_load %arg10[%swap3A_748, %swap3A_749, %swap3A_750] {strides = array<i32>} : memref<2x128x128xf32, #tpu.memory_space<vmem>>, vector<1x1x16xf32>,
      %swap3A_752 = vector.shape_cast %swap3A_751 : vector<1x1x16xf32> to vector<16xf32>
      %swap3A_753 = vector.shape_cast %exp3A_746 : vector<16xf32> to vector<1x1x16xf32>
      tpu.vector_store %arg10[%swap3A_748, %swap3A_749, %swap3A_750], %swap3A_753 {strides = array<i32>} : memref<2x128x128xf32, #tpu.memory_space<vmem>>, vector<1x1x16xf32>,
    }
    %scan3A_339 = arith.constant 128 : i32
    %add3A_340 = arith.constant 256 : i32
    %add3A_341 = arith.addi %mul3A_2, %add3A_340 : i32
    %dma_start3A_342 = arith.constant 0 : i32
    %dma_start3A_343 = arith.constant 0 : i32
    %dma_start3A_344 = arith.constant 0 : i32
    %dma_start3A_345 = tpu.memref_slice %arg10[%dma_start3A_342, %dma_start3A_343, %dma_start3A_344] : memref<2x128x128xf32, #tpu.memory_space<vmem>> -> memref<1x128x128xf32, #tpu.memory_space<vmem>>
    %dma_start3A_346 = tpu.memref_squeeze %dma_start3A_345 : memref<1x128x128xf32, #tpu.memory_space<vmem>> -> memref<128x128xf32, #tpu.memory_space<vmem>>
    %dma_start3A_347 = arith.constant 0 : i32
    %dma_start3A_348 = tpu.memref_slice %arg6[%add3A_341, %dma_start3A_347] : memref<16384x128xf32, #tpu.memory_space<hbm>> -> memref<128x128xf32, #tpu.memory_space<hbm>>
    %dma_start3A_349 = arith.constant 0 : i32
    %dma_start3A_350 = tpu.memref_slice %arg6[%add3A_341, %dma_start3A_349] : memref<16384x128xf32, #tpu.memory_space<hbm>> -> memref<128x128xf32, #tpu.memory_space<hbm>>
    %dma_start3A_351 = arith.constant 0 : i32
    %dma_start3A_352 = arith.constant 0 : i32
    %dma_start3A_353 = tpu.memref_slice %arg10[%dma_start3A_342, %dma_start3A_351, %dma_start3A_352] : memref<2x128x128xf32, #tpu.memory_space<vmem>> -> memref<1x128x128xf32, #tpu.memory_space<vmem>>
    %dma_start3A_354 = tpu.memref_squeeze %dma_start3A_353 : memref<1x128x128xf32, #tpu.memory_space<vmem>> -> memref<128x128xf32, #tpu.memory_space<vmem>>
    tpu.enqueue_dma source(%dma_start3A_354 : memref<128x128xf32, #tpu.memory_space<vmem>>) target(%dma_start3A_350 : memref<128x128xf32, #tpu.memory_space<hbm>>) target_semaphore(%arg13 : memref<!tpu.dma_semaphore, #tpu.memory_space<semaphore_mem>>)
    %dma_wait3A_355 = arith.constant 3 : i32
    %dma_wait3A_356 = arith.constant 1 : i32
    %dma_wait3A_357 = arith.constant 0 : i32
    %dma_wait3A_358 = arith.constant 0 : i32
    %dma_wait3A_359 = tpu.memref_slice %arg8[%dma_wait3A_356, %dma_wait3A_357, %dma_wait3A_358] : memref<2x128x128xf32, #tpu.memory_space<vmem>> -> memref<1x128x128xf32, #tpu.memory_space<vmem>>
    %dma_wait3A_360 = tpu.memref_squeeze %dma_wait3A_359 : memref<1x128x128xf32, #tpu.memory_space<vmem>> -> memref<128x128xf32, #tpu.memory_space<vmem>>
    %dma_wait3A_361 = arith.constant 0 : i32
    %dma_wait3A_362 = tpu.memref_slice %arg7[%dma_wait3A_355, %dma_wait3A_361] : memref<4x128xi32, #tpu.memory_space<vmem>> -> memref<1x128xi32, #tpu.memory_space<vmem>>
    %dma_wait3A_363 = tpu.memref_squeeze %dma_wait3A_362 : memref<1x128xi32, #tpu.memory_space<vmem>> -> memref<128xi32, #tpu.memory_space<vmem>>
    %dma_wait3A_364 = arith.constant 0 : i32
    %dma_wait3A_365 = arith.constant 0 : i32
    %dma_wait3A_366 = tpu.memref_slice %arg2[%dma_wait3A_364, %dma_wait3A_365] : memref<100000x128xf32, #tpu.memory_space<hbm>> -> memref<100000x128xf32, #tpu.memory_space<hbm>>
    tpu.wait_indirect_dma semaphore(%arg12 : memref<!tpu.dma_semaphore, #tpu.memory_space<semaphore_mem>>) src(%dma_wait3A_366 : memref<100000x128xf32, #tpu.memory_space<hbm>>) dst(%dma_wait3A_360 : memref<128x128xf32, #tpu.memory_space<vmem>>)
    %dma_wait3A_367 = arith.constant 3 : i32
    %dma_wait3A_368 = arith.constant 1 : i32
    %dma_wait3A_369 = arith.constant 0 : i32
    %dma_wait3A_370 = arith.constant 0 : i32
    %dma_wait3A_371 = tpu.memref_slice %arg9[%dma_wait3A_368, %dma_wait3A_369, %dma_wait3A_370] : memref<2x128x128xf32, #tpu.memory_space<vmem>> -> memref<1x128x128xf32, #tpu.memory_space<vmem>>
    %dma_wait3A_372 = tpu.memref_squeeze %dma_wait3A_371 : memref<1x128x128xf32, #tpu.memory_space<vmem>> -> memref<128x128xf32, #tpu.memory_space<vmem>>
    %dma_wait3A_373 = arith.constant 0 : i32
    %dma_wait3A_374 = tpu.memref_slice %arg7[%dma_wait3A_367, %dma_wait3A_373] : memref<4x128xi32, #tpu.memory_space<vmem>> -> memref<1x128xi32, #tpu.memory_space<vmem>>
    %dma_wait3A_375 = tpu.memref_squeeze %dma_wait3A_374 : memref<1x128xi32, #tpu.memory_space<vmem>> -> memref<128xi32, #tpu.memory_space<vmem>>
    %dma_wait3A_376 = arith.constant 0 : i32
    %dma_wait3A_377 = arith.constant 0 : i32
    %dma_wait3A_378 = tpu.memref_slice %arg3[%dma_wait3A_376, %dma_wait3A_377] : memref<100000x128xf32, #tpu.memory_space<hbm>> -> memref<100000x128xf32, #tpu.memory_space<hbm>>
    tpu.wait_indirect_dma semaphore(%arg12 : memref<!tpu.dma_semaphore, #tpu.memory_space<semaphore_mem>>) src(%dma_wait3A_378 : memref<100000x128xf32, #tpu.memory_space<hbm>>) dst(%dma_wait3A_372 : memref<128x128xf32, #tpu.memory_space<vmem>>)
    %dma_wait3A_379 = arith.constant 1 : i32
    %dma_wait3A_380 = arith.constant 0 : i32
    %dma_wait3A_381 = arith.constant 0 : i32
    %dma_wait3A_382 = tpu.memref_slice %arg10[%dma_wait3A_379, %dma_wait3A_380, %dma_wait3A_381] : memref<2x128x128xf32, #tpu.memory_space<vmem>> -> memref<1x128x128xf32, #tpu.memory_space<vmem>>
    %dma_wait3A_383 = tpu.memref_squeeze %dma_wait3A_382 : memref<1x128x128xf32, #tpu.memory_space<vmem>> -> memref<128x128xf32, #tpu.memory_space<vmem>>
    %dma_wait3A_384 = arith.constant 0 : i32
    %dma_wait3A_385 = tpu.memref_slice %arg4[%add3A_297, %dma_wait3A_384] : memref<16384x128xf32, #tpu.memory_space<hbm>> -> memref<128x128xf32, #tpu.memory_space<hbm>>
    %dma_wait3A_386 = arith.constant 0 : i32
    %dma_wait3A_387 = arith.constant 0 : i32
    %dma_wait3A_388 = tpu.memref_slice %arg10[%dma_wait3A_379, %dma_wait3A_386, %dma_wait3A_387] : memref<2x128x128xf32, #tpu.memory_space<vmem>> -> memref<1x128x128xf32, #tpu.memory_space<vmem>>
    %dma_wait3A_389 = tpu.memref_squeeze %dma_wait3A_388 : memref<1x128x128xf32, #tpu.memory_space<vmem>> -> memref<128x128xf32, #tpu.memory_space<vmem>>
    %dma_wait3A_390 = arith.constant 0 : i32
    %dma_wait3A_391 = tpu.memref_slice %arg4[%add3A_297, %dma_wait3A_390] : memref<16384x128xf32, #tpu.memory_space<hbm>> -> memref<128x128xf32, #tpu.memory_space<hbm>>
    tpu.wait_dma2 semaphore(%arg12 : memref<!tpu.dma_semaphore, #tpu.memory_space<semaphore_mem>>) src(%dma_wait3A_391 : memref<128x128xf32, #tpu.memory_space<hbm>>) dst(%dma_wait3A_389 : memref<128x128xf32, #tpu.memory_space<vmem>>)
    %dma_wait3A_392 = arith.constant 0 : i32
    %dma_wait3A_393 = arith.constant 0 : i32
    %dma_wait3A_394 = arith.constant 0 : i32
    %dma_wait3A_395 = tpu.memref_slice %arg10[%dma_wait3A_392, %dma_wait3A_393, %dma_wait3A_394] : memref<2x128x128xf32, #tpu.memory_space<vmem>> -> memref<1x128x128xf32, #tpu.memory_space<vmem>>
    %dma_wait3A_396 = tpu.memref_squeeze %dma_wait3A_395 : memref<1x128x128xf32, #tpu.memory_space<vmem>> -> memref<128x128xf32, #tpu.memory_space<vmem>>
    %dma_wait3A_397 = arith.constant 0 : i32
    %dma_wait3A_398 = tpu.memref_slice %arg6[%add3A_341, %dma_wait3A_397] : memref<16384x128xf32, #tpu.memory_space<hbm>> -> memref<128x128xf32, #tpu.memory_space<hbm>>
    %dma_wait3A_399 = arith.constant 0 : i32
    %dma_wait3A_400 = tpu.memref_slice %arg6[%add3A_341, %dma_wait3A_399] : memref<16384x128xf32, #tpu.memory_space<hbm>> -> memref<128x128xf32, #tpu.memory_space<hbm>>
    %dma_wait3A_401 = arith.constant 0 : i32
    %dma_wait3A_402 = arith.constant 0 : i32
    %dma_wait3A_403 = tpu.memref_slice %arg10[%dma_wait3A_392, %dma_wait3A_401, %dma_wait3A_402] : memref<2x128x128xf32, #tpu.memory_space<vmem>> -> memref<1x128x128xf32, #tpu.memory_space<vmem>>
    %dma_wait3A_404 = tpu.memref_squeeze %dma_wait3A_403 : memref<1x128x128xf32, #tpu.memory_space<vmem>> -> memref<128x128xf32, #tpu.memory_space<vmem>>
    tpu.wait_dma2 semaphore(%arg13 : memref<!tpu.dma_semaphore, #tpu.memory_space<semaphore_mem>>) src(%dma_wait3A_404 : memref<128x128xf32, #tpu.memory_space<vmem>>) dst(%dma_wait3A_400 : memref<128x128xf32, #tpu.memory_space<hbm>>)
    %scan3A_405 = arith.constant 0 : i32
    %scan3A_406 = arith.constant 128 : i32
    %scan3A_407 = arith.addi %scan3A_405, %scan3A_406 : i32
    %scan3A_408 = arith.constant 1 : i32
    scf.for %scan3A_438 = %scan3A_405 to %scan3A_407 step %scan3A_408  : i32 {
      %get3A = arith.constant 1 : i32
      %get3A_439 = arith.index_cast %get3A : i32 to index
      %get3A_440 = arith.index_cast %scan3A_438 : i32 to index
      %get3A_441 = arith.constant 0 : index
      %get3A_442 = tpu.vector_load %arg10[%get3A_439, %get3A_440, %get3A_441] {strides = array<i32>} : memref<2x128x128xf32, #tpu.memory_space<vmem>>, vector<1x1x16xf32>,
      %get3A_443 = vector.shape_cast %get3A_442 : vector<1x1x16xf32> to vector<16xf32>
      %get3A_444 = arith.constant 1 : i32
      %get3A_445 = arith.index_cast %get3A_444 : i32 to index
      %get3A_446 = arith.index_cast %scan3A_438 : i32 to index
      %get3A_447 = arith.constant 0 : index
      %get3A_448 = tpu.vector_load %arg8[%get3A_445, %get3A_446, %get3A_447] {strides = array<i32>} : memref<2x128x128xf32, #tpu.memory_space<vmem>>, vector<1x1x16xf32>,
      %get3A_449 = vector.shape_cast %get3A_448 : vector<1x1x16xf32> to vector<16xf32>
      %get3A_450 = arith.constant 1 : i32
      %get3A_451 = arith.index_cast %get3A_450 : i32 to index
      %get3A_452 = arith.index_cast %scan3A_438 : i32 to index
      %get3A_453 = arith.constant 0 : index
      %get3A_454 = tpu.vector_load %arg9[%get3A_451, %get3A_452, %get3A_453] {strides = array<i32>} : memref<2x128x128xf32, #tpu.memory_space<vmem>>, vector<1x1x16xf32>,
      %get3A_455 = vector.shape_cast %get3A_454 : vector<1x1x16xf32> to vector<16xf32>
      %sub3A = arith.subf %get3A_443, %get3A_449 : vector<16xf32>
      %mul3A_456 = arith.mulf %sub3A, %sub3A : vector<16xf32>
      %neg3A = arith.constant 0.000000e+00 : f32
      %neg3A_457 = vector.broadcast %neg3A : f32 to vector<16xf32>
      %neg3A_458 = arith.subf %neg3A_457, %get3A_455 : vector<16xf32>
      %exp3A = math.exp %neg3A_458 : vector<16xf32>
      %mul3A_459 = arith.mulf %mul3A_456, %exp3A : vector<16xf32>
      %add3A_460 = arith.addf %get3A_455, %mul3A_459 : vector<16xf32>
      %mul3A_461 = arith.constant 5.000000e-01 : f32
      %mul3A_462 = vector.broadcast %mul3A_461 : f32 to vector<16xf32>
      %mul3A_463 = arith.mulf %mul3A_462, %add3A_460 : vector<16xf32>
      %sub3A_464 = arith.constant -1.20662057 : f32
      %sub3A_465 = vector.broadcast %sub3A_464 : f32 to vector<16xf32>
      %sub3A_466 = arith.subf %sub3A_465, %mul3A_463 : vector<16xf32>
      %exp3A_467 = math.exp %sub3A_466 : vector<16xf32>
      %swap3A = arith.constant 1 : i32
      %swap3A_468 = arith.index_cast %swap3A : i32 to index
      %swap3A_469 = arith.index_cast %scan3A_438 : i32 to index
      %swap3A_470 = arith.constant 0 : index
      %swap3A_471 = tpu.vector_load %arg10[%swap3A_468, %swap3A_469, %swap3A_470] {strides = array<i32>} : memref<2x128x128xf32, #tpu.memory_space<vmem>>, vector<1x1x16xf32>,
      %swap3A_472 = vector.shape_cast %swap3A_471 : vector<1x1x16xf32> to vector<16xf32>
      %swap3A_473 = vector.shape_cast %exp3A_467 : vector<16xf32> to vector<1x1x16xf32>
      tpu.vector_store %arg10[%swap3A_468, %swap3A_469, %swap3A_470], %swap3A_473 {strides = array<i32>} : memref<2x128x128xf32, #tpu.memory_space<vmem>>, vector<1x1x16xf32>,
      %get3A_474 = arith.constant 1 : i32
      %get3A_475 = arith.index_cast %get3A_474 : i32 to index
      %get3A_476 = arith.index_cast %scan3A_438 : i32 to index
      %get3A_477 = arith.constant 16 : index
      %get3A_478 = tpu.vector_load %arg10[%get3A_475, %get3A_476, %get3A_477] {strides = array<i32>} : memref<2x128x128xf32, #tpu.memory_space<vmem>>, vector<1x1x16xf32>,
      %get3A_479 = vector.shape_cast %get3A_478 : vector<1x1x16xf32> to vector<16xf32>
      %get3A_480 = arith.constant 1 : i32
      %get3A_481 = arith.index_cast %get3A_480 : i32 to index
      %get3A_482 = arith.index_cast %scan3A_438 : i32 to index
      %get3A_483 = arith.constant 16 : index
      %get3A_484 = tpu.vector_load %arg8[%get3A_481, %get3A_482, %get3A_483] {strides = array<i32>} : memref<2x128x128xf32, #tpu.memory_space<vmem>>, vector<1x1x16xf32>,
      %get3A_485 = vector.shape_cast %get3A_484 : vector<1x1x16xf32> to vector<16xf32>
      %get3A_486 = arith.constant 1 : i32
      %get3A_487 = arith.index_cast %get3A_486 : i32 to index
      %get3A_488 = arith.index_cast %scan3A_438 : i32 to index
      %get3A_489 = arith.constant 16 : index
      %get3A_490 = tpu.vector_load %arg9[%get3A_487, %get3A_488, %get3A_489] {strides = array<i32>} : memref<2x128x128xf32, #tpu.memory_space<vmem>>, vector<1x1x16xf32>,
      %get3A_491 = vector.shape_cast %get3A_490 : vector<1x1x16xf32> to vector<16xf32>
      %sub3A_492 = arith.subf %get3A_479, %get3A_485 : vector<16xf32>
      %mul3A_493 = arith.mulf %sub3A_492, %sub3A_492 : vector<16xf32>
      %neg3A_494 = arith.constant 0.000000e+00 : f32
      %neg3A_495 = vector.broadcast %neg3A_494 : f32 to vector<16xf32>
      %neg3A_496 = arith.subf %neg3A_495, %get3A_491 : vector<16xf32>
      %exp3A_497 = math.exp %neg3A_496 : vector<16xf32>
      %mul3A_498 = arith.mulf %mul3A_493, %exp3A_497 : vector<16xf32>
      %add3A_499 = arith.addf %get3A_491, %mul3A_498 : vector<16xf32>
      %mul3A_500 = arith.constant 5.000000e-01 : f32
      %mul3A_501 = vector.broadcast %mul3A_500 : f32 to vector<16xf32>
      %mul3A_502 = arith.mulf %mul3A_501, %add3A_499 : vector<16xf32>
      %sub3A_503 = arith.constant -1.20662057 : f32
      %sub3A_504 = vector.broadcast %sub3A_503 : f32 to vector<16xf32>
      %sub3A_505 = arith.subf %sub3A_504, %mul3A_502 : vector<16xf32>
      %exp3A_506 = math.exp %sub3A_505 : vector<16xf32>
      %swap3A_507 = arith.constant 1 : i32
      %swap3A_508 = arith.index_cast %swap3A_507 : i32 to index
      %swap3A_509 = arith.index_cast %scan3A_438 : i32 to index
      %swap3A_510 = arith.constant 16 : index
      %swap3A_511 = tpu.vector_load %arg10[%swap3A_508, %swap3A_509, %swap3A_510] {strides = array<i32>} : memref<2x128x128xf32, #tpu.memory_space<vmem>>, vector<1x1x16xf32>,
      %swap3A_512 = vector.shape_cast %swap3A_511 : vector<1x1x16xf32> to vector<16xf32>
      %swap3A_513 = vector.shape_cast %exp3A_506 : vector<16xf32> to vector<1x1x16xf32>
      tpu.vector_store %arg10[%swap3A_508, %swap3A_509, %swap3A_510], %swap3A_513 {strides = array<i32>} : memref<2x128x128xf32, #tpu.memory_space<vmem>>, vector<1x1x16xf32>,
      %get3A_514 = arith.constant 1 : i32
      %get3A_515 = arith.index_cast %get3A_514 : i32 to index
      %get3A_516 = arith.index_cast %scan3A_438 : i32 to index
      %get3A_517 = arith.constant 32 : index
      %get3A_518 = tpu.vector_load %arg10[%get3A_515, %get3A_516, %get3A_517] {strides = array<i32>} : memref<2x128x128xf32, #tpu.memory_space<vmem>>, vector<1x1x16xf32>,
      %get3A_519 = vector.shape_cast %get3A_518 : vector<1x1x16xf32> to vector<16xf32>
      %get3A_520 = arith.constant 1 : i32
      %get3A_521 = arith.index_cast %get3A_520 : i32 to index
      %get3A_522 = arith.index_cast %scan3A_438 : i32 to index
      %get3A_523 = arith.constant 32 : index
      %get3A_524 = tpu.vector_load %arg8[%get3A_521, %get3A_522, %get3A_523] {strides = array<i32>} : memref<2x128x128xf32, #tpu.memory_space<vmem>>, vector<1x1x16xf32>,
      %get3A_525 = vector.shape_cast %get3A_524 : vector<1x1x16xf32> to vector<16xf32>
      %get3A_526 = arith.constant 1 : i32
      %get3A_527 = arith.index_cast %get3A_526 : i32 to index
      %get3A_528 = arith.index_cast %scan3A_438 : i32 to index
      %get3A_529 = arith.constant 32 : index
      %get3A_530 = tpu.vector_load %arg9[%get3A_527, %get3A_528, %get3A_529] {strides = array<i32>} : memref<2x128x128xf32, #tpu.memory_space<vmem>>, vector<1x1x16xf32>,
      %get3A_531 = vector.shape_cast %get3A_530 : vector<1x1x16xf32> to vector<16xf32>
      %sub3A_532 = arith.subf %get3A_519, %get3A_525 : vector<16xf32>
      %mul3A_533 = arith.mulf %sub3A_532, %sub3A_532 : vector<16xf32>
      %neg3A_534 = arith.constant 0.000000e+00 : f32
      %neg3A_535 = vector.broadcast %neg3A_534 : f32 to vector<16xf32>
      %neg3A_536 = arith.subf %neg3A_535, %get3A_531 : vector<16xf32>
      %exp3A_537 = math.exp %neg3A_536 : vector<16xf32>
      %mul3A_538 = arith.mulf %mul3A_533, %exp3A_537 : vector<16xf32>
      %add3A_539 = arith.addf %get3A_531, %mul3A_538 : vector<16xf32>
      %mul3A_540 = arith.constant 5.000000e-01 : f32
      %mul3A_541 = vector.broadcast %mul3A_540 : f32 to vector<16xf32>
      %mul3A_542 = arith.mulf %mul3A_541, %add3A_539 : vector<16xf32>
      %sub3A_543 = arith.constant -1.20662057 : f32
      %sub3A_544 = vector.broadcast %sub3A_543 : f32 to vector<16xf32>
      %sub3A_545 = arith.subf %sub3A_544, %mul3A_542 : vector<16xf32>
      %exp3A_546 = math.exp %sub3A_545 : vector<16xf32>
      %swap3A_547 = arith.constant 1 : i32
      %swap3A_548 = arith.index_cast %swap3A_547 : i32 to index
      %swap3A_549 = arith.index_cast %scan3A_438 : i32 to index
      %swap3A_550 = arith.constant 32 : index
      %swap3A_551 = tpu.vector_load %arg10[%swap3A_548, %swap3A_549, %swap3A_550] {strides = array<i32>} : memref<2x128x128xf32, #tpu.memory_space<vmem>>, vector<1x1x16xf32>,
      %swap3A_552 = vector.shape_cast %swap3A_551 : vector<1x1x16xf32> to vector<16xf32>
      %swap3A_553 = vector.shape_cast %exp3A_546 : vector<16xf32> to vector<1x1x16xf32>
      tpu.vector_store %arg10[%swap3A_548, %swap3A_549, %swap3A_550], %swap3A_553 {strides = array<i32>} : memref<2x128x128xf32, #tpu.memory_space<vmem>>, vector<1x1x16xf32>,
      %get3A_554 = arith.constant 1 : i32
      %get3A_555 = arith.index_cast %get3A_554 : i32 to index
      %get3A_556 = arith.index_cast %scan3A_438 : i32 to index
      %get3A_557 = arith.constant 48 : index
      %get3A_558 = tpu.vector_load %arg10[%get3A_555, %get3A_556, %get3A_557] {strides = array<i32>} : memref<2x128x128xf32, #tpu.memory_space<vmem>>, vector<1x1x16xf32>,
      %get3A_559 = vector.shape_cast %get3A_558 : vector<1x1x16xf32> to vector<16xf32>
      %get3A_560 = arith.constant 1 : i32
      %get3A_561 = arith.index_cast %get3A_560 : i32 to index
      %get3A_562 = arith.index_cast %scan3A_438 : i32 to index
      %get3A_563 = arith.constant 48 : index
      %get3A_564 = tpu.vector_load %arg8[%get3A_561, %get3A_562, %get3A_563] {strides = array<i32>} : memref<2x128x128xf32, #tpu.memory_space<vmem>>, vector<1x1x16xf32>,
      %get3A_565 = vector.shape_cast %get3A_564 : vector<1x1x16xf32> to vector<16xf32>
      %get3A_566 = arith.constant 1 : i32
      %get3A_567 = arith.index_cast %get3A_566 : i32 to index
      %get3A_568 = arith.index_cast %scan3A_438 : i32 to index
      %get3A_569 = arith.constant 48 : index
      %get3A_570 = tpu.vector_load %arg9[%get3A_567, %get3A_568, %get3A_569] {strides = array<i32>} : memref<2x128x128xf32, #tpu.memory_space<vmem>>, vector<1x1x16xf32>,
      %get3A_571 = vector.shape_cast %get3A_570 : vector<1x1x16xf32> to vector<16xf32>
      %sub3A_572 = arith.subf %get3A_559, %get3A_565 : vector<16xf32>
      %mul3A_573 = arith.mulf %sub3A_572, %sub3A_572 : vector<16xf32>
      %neg3A_574 = arith.constant 0.000000e+00 : f32
      %neg3A_575 = vector.broadcast %neg3A_574 : f32 to vector<16xf32>
      %neg3A_576 = arith.subf %neg3A_575, %get3A_571 : vector<16xf32>
      %exp3A_577 = math.exp %neg3A_576 : vector<16xf32>
      %mul3A_578 = arith.mulf %mul3A_573, %exp3A_577 : vector<16xf32>
      %add3A_579 = arith.addf %get3A_571, %mul3A_578 : vector<16xf32>
      %mul3A_580 = arith.constant 5.000000e-01 : f32
      %mul3A_581 = vector.broadcast %mul3A_580 : f32 to vector<16xf32>
      %mul3A_582 = arith.mulf %mul3A_581, %add3A_579 : vector<16xf32>
      %sub3A_583 = arith.constant -1.20662057 : f32
      %sub3A_584 = vector.broadcast %sub3A_583 : f32 to vector<16xf32>
      %sub3A_585 = arith.subf %sub3A_584, %mul3A_582 : vector<16xf32>
      %exp3A_586 = math.exp %sub3A_585 : vector<16xf32>
      %swap3A_587 = arith.constant 1 : i32
      %swap3A_588 = arith.index_cast %swap3A_587 : i32 to index
      %swap3A_589 = arith.index_cast %scan3A_438 : i32 to index
      %swap3A_590 = arith.constant 48 : index
      %swap3A_591 = tpu.vector_load %arg10[%swap3A_588, %swap3A_589, %swap3A_590] {strides = array<i32>} : memref<2x128x128xf32, #tpu.memory_space<vmem>>, vector<1x1x16xf32>,
      %swap3A_592 = vector.shape_cast %swap3A_591 : vector<1x1x16xf32> to vector<16xf32>
      %swap3A_593 = vector.shape_cast %exp3A_586 : vector<16xf32> to vector<1x1x16xf32>
      tpu.vector_store %arg10[%swap3A_588, %swap3A_589, %swap3A_590], %swap3A_593 {strides = array<i32>} : memref<2x128x128xf32, #tpu.memory_space<vmem>>, vector<1x1x16xf32>,
      %get3A_594 = arith.constant 1 : i32
      %get3A_595 = arith.index_cast %get3A_594 : i32 to index
      %get3A_596 = arith.index_cast %scan3A_438 : i32 to index
      %get3A_597 = arith.constant 64 : index
      %get3A_598 = tpu.vector_load %arg10[%get3A_595, %get3A_596, %get3A_597] {strides = array<i32>} : memref<2x128x128xf32, #tpu.memory_space<vmem>>, vector<1x1x16xf32>,
      %get3A_599 = vector.shape_cast %get3A_598 : vector<1x1x16xf32> to vector<16xf32>
      %get3A_600 = arith.constant 1 : i32
      %get3A_601 = arith.index_cast %get3A_600 : i32 to index
      %get3A_602 = arith.index_cast %scan3A_438 : i32 to index
      %get3A_603 = arith.constant 64 : index
      %get3A_604 = tpu.vector_load %arg8[%get3A_601, %get3A_602, %get3A_603] {strides = array<i32>} : memref<2x128x128xf32, #tpu.memory_space<vmem>>, vector<1x1x16xf32>,
      %get3A_605 = vector.shape_cast %get3A_604 : vector<1x1x16xf32> to vector<16xf32>
      %get3A_606 = arith.constant 1 : i32
      %get3A_607 = arith.index_cast %get3A_606 : i32 to index
      %get3A_608 = arith.index_cast %scan3A_438 : i32 to index
      %get3A_609 = arith.constant 64 : index
      %get3A_610 = tpu.vector_load %arg9[%get3A_607, %get3A_608, %get3A_609] {strides = array<i32>} : memref<2x128x128xf32, #tpu.memory_space<vmem>>, vector<1x1x16xf32>,
      %get3A_611 = vector.shape_cast %get3A_610 : vector<1x1x16xf32> to vector<16xf32>
      %sub3A_612 = arith.subf %get3A_599, %get3A_605 : vector<16xf32>
      %mul3A_613 = arith.mulf %sub3A_612, %sub3A_612 : vector<16xf32>
      %neg3A_614 = arith.constant 0.000000e+00 : f32
      %neg3A_615 = vector.broadcast %neg3A_614 : f32 to vector<16xf32>
      %neg3A_616 = arith.subf %neg3A_615, %get3A_611 : vector<16xf32>
      %exp3A_617 = math.exp %neg3A_616 : vector<16xf32>
      %mul3A_618 = arith.mulf %mul3A_613, %exp3A_617 : vector<16xf32>
      %add3A_619 = arith.addf %get3A_611, %mul3A_618 : vector<16xf32>
      %mul3A_620 = arith.constant 5.000000e-01 : f32
      %mul3A_621 = vector.broadcast %mul3A_620 : f32 to vector<16xf32>
      %mul3A_622 = arith.mulf %mul3A_621, %add3A_619 : vector<16xf32>
      %sub3A_623 = arith.constant -1.20662057 : f32
      %sub3A_624 = vector.broadcast %sub3A_623 : f32 to vector<16xf32>
      %sub3A_625 = arith.subf %sub3A_624, %mul3A_622 : vector<16xf32>
      %exp3A_626 = math.exp %sub3A_625 : vector<16xf32>
      %swap3A_627 = arith.constant 1 : i32
      %swap3A_628 = arith.index_cast %swap3A_627 : i32 to index
      %swap3A_629 = arith.index_cast %scan3A_438 : i32 to index
      %swap3A_630 = arith.constant 64 : index
      %swap3A_631 = tpu.vector_load %arg10[%swap3A_628, %swap3A_629, %swap3A_630] {strides = array<i32>} : memref<2x128x128xf32, #tpu.memory_space<vmem>>, vector<1x1x16xf32>,
      %swap3A_632 = vector.shape_cast %swap3A_631 : vector<1x1x16xf32> to vector<16xf32>
      %swap3A_633 = vector.shape_cast %exp3A_626 : vector<16xf32> to vector<1x1x16xf32>
      tpu.vector_store %arg10[%swap3A_628, %swap3A_629, %swap3A_630], %swap3A_633 {strides = array<i32>} : memref<2x128x128xf32, #tpu.memory_space<vmem>>, vector<1x1x16xf32>,
      %get3A_634 = arith.constant 1 : i32
      %get3A_635 = arith.index_cast %get3A_634 : i32 to index
      %get3A_636 = arith.index_cast %scan3A_438 : i32 to index
      %get3A_637 = arith.constant 80 : index
      %get3A_638 = tpu.vector_load %arg10[%get3A_635, %get3A_636, %get3A_637] {strides = array<i32>} : memref<2x128x128xf32, #tpu.memory_space<vmem>>, vector<1x1x16xf32>,
      %get3A_639 = vector.shape_cast %get3A_638 : vector<1x1x16xf32> to vector<16xf32>
      %get3A_640 = arith.constant 1 : i32
      %get3A_641 = arith.index_cast %get3A_640 : i32 to index
      %get3A_642 = arith.index_cast %scan3A_438 : i32 to index
      %get3A_643 = arith.constant 80 : index
      %get3A_644 = tpu.vector_load %arg8[%get3A_641, %get3A_642, %get3A_643] {strides = array<i32>} : memref<2x128x128xf32, #tpu.memory_space<vmem>>, vector<1x1x16xf32>,
      %get3A_645 = vector.shape_cast %get3A_644 : vector<1x1x16xf32> to vector<16xf32>
      %get3A_646 = arith.constant 1 : i32
      %get3A_647 = arith.index_cast %get3A_646 : i32 to index
      %get3A_648 = arith.index_cast %scan3A_438 : i32 to index
      %get3A_649 = arith.constant 80 : index
      %get3A_650 = tpu.vector_load %arg9[%get3A_647, %get3A_648, %get3A_649] {strides = array<i32>} : memref<2x128x128xf32, #tpu.memory_space<vmem>>, vector<1x1x16xf32>,
      %get3A_651 = vector.shape_cast %get3A_650 : vector<1x1x16xf32> to vector<16xf32>
      %sub3A_652 = arith.subf %get3A_639, %get3A_645 : vector<16xf32>
      %mul3A_653 = arith.mulf %sub3A_652, %sub3A_652 : vector<16xf32>
      %neg3A_654 = arith.constant 0.000000e+00 : f32
      %neg3A_655 = vector.broadcast %neg3A_654 : f32 to vector<16xf32>
      %neg3A_656 = arith.subf %neg3A_655, %get3A_651 : vector<16xf32>
      %exp3A_657 = math.exp %neg3A_656 : vector<16xf32>
      %mul3A_658 = arith.mulf %mul3A_653, %exp3A_657 : vector<16xf32>
      %add3A_659 = arith.addf %get3A_651, %mul3A_658 : vector<16xf32>
      %mul3A_660 = arith.constant 5.000000e-01 : f32
      %mul3A_661 = vector.broadcast %mul3A_660 : f32 to vector<16xf32>
      %mul3A_662 = arith.mulf %mul3A_661, %add3A_659 : vector<16xf32>
      %sub3A_663 = arith.constant -1.20662057 : f32
      %sub3A_664 = vector.broadcast %sub3A_663 : f32 to vector<16xf32>
      %sub3A_665 = arith.subf %sub3A_664, %mul3A_662 : vector<16xf32>
      %exp3A_666 = math.exp %sub3A_665 : vector<16xf32>
      %swap3A_667 = arith.constant 1 : i32
      %swap3A_668 = arith.index_cast %swap3A_667 : i32 to index
      %swap3A_669 = arith.index_cast %scan3A_438 : i32 to index
      %swap3A_670 = arith.constant 80 : index
      %swap3A_671 = tpu.vector_load %arg10[%swap3A_668, %swap3A_669, %swap3A_670] {strides = array<i32>} : memref<2x128x128xf32, #tpu.memory_space<vmem>>, vector<1x1x16xf32>,
      %swap3A_672 = vector.shape_cast %swap3A_671 : vector<1x1x16xf32> to vector<16xf32>
      %swap3A_673 = vector.shape_cast %exp3A_666 : vector<16xf32> to vector<1x1x16xf32>
      tpu.vector_store %arg10[%swap3A_668, %swap3A_669, %swap3A_670], %swap3A_673 {strides = array<i32>} : memref<2x128x128xf32, #tpu.memory_space<vmem>>, vector<1x1x16xf32>,
      %get3A_674 = arith.constant 1 : i32
      %get3A_675 = arith.index_cast %get3A_674 : i32 to index
      %get3A_676 = arith.index_cast %scan3A_438 : i32 to index
      %get3A_677 = arith.constant 96 : index
      %get3A_678 = tpu.vector_load %arg10[%get3A_675, %get3A_676, %get3A_677] {strides = array<i32>} : memref<2x128x128xf32, #tpu.memory_space<vmem>>, vector<1x1x16xf32>,
      %get3A_679 = vector.shape_cast %get3A_678 : vector<1x1x16xf32> to vector<16xf32>
      %get3A_680 = arith.constant 1 : i32
      %get3A_681 = arith.index_cast %get3A_680 : i32 to index
      %get3A_682 = arith.index_cast %scan3A_438 : i32 to index
      %get3A_683 = arith.constant 96 : index
      %get3A_684 = tpu.vector_load %arg8[%get3A_681, %get3A_682, %get3A_683] {strides = array<i32>} : memref<2x128x128xf32, #tpu.memory_space<vmem>>, vector<1x1x16xf32>,
      %get3A_685 = vector.shape_cast %get3A_684 : vector<1x1x16xf32> to vector<16xf32>
      %get3A_686 = arith.constant 1 : i32
      %get3A_687 = arith.index_cast %get3A_686 : i32 to index
      %get3A_688 = arith.index_cast %scan3A_438 : i32 to index
      %get3A_689 = arith.constant 96 : index
      %get3A_690 = tpu.vector_load %arg9[%get3A_687, %get3A_688, %get3A_689] {strides = array<i32>} : memref<2x128x128xf32, #tpu.memory_space<vmem>>, vector<1x1x16xf32>,
      %get3A_691 = vector.shape_cast %get3A_690 : vector<1x1x16xf32> to vector<16xf32>
      %sub3A_692 = arith.subf %get3A_679, %get3A_685 : vector<16xf32>
      %mul3A_693 = arith.mulf %sub3A_692, %sub3A_692 : vector<16xf32>
      %neg3A_694 = arith.constant 0.000000e+00 : f32
      %neg3A_695 = vector.broadcast %neg3A_694 : f32 to vector<16xf32>
      %neg3A_696 = arith.subf %neg3A_695, %get3A_691 : vector<16xf32>
      %exp3A_697 = math.exp %neg3A_696 : vector<16xf32>
      %mul3A_698 = arith.mulf %mul3A_693, %exp3A_697 : vector<16xf32>
      %add3A_699 = arith.addf %get3A_691, %mul3A_698 : vector<16xf32>
      %mul3A_700 = arith.constant 5.000000e-01 : f32
      %mul3A_701 = vector.broadcast %mul3A_700 : f32 to vector<16xf32>
      %mul3A_702 = arith.mulf %mul3A_701, %add3A_699 : vector<16xf32>
      %sub3A_703 = arith.constant -1.20662057 : f32
      %sub3A_704 = vector.broadcast %sub3A_703 : f32 to vector<16xf32>
      %sub3A_705 = arith.subf %sub3A_704, %mul3A_702 : vector<16xf32>
      %exp3A_706 = math.exp %sub3A_705 : vector<16xf32>
      %swap3A_707 = arith.constant 1 : i32
      %swap3A_708 = arith.index_cast %swap3A_707 : i32 to index
      %swap3A_709 = arith.index_cast %scan3A_438 : i32 to index
      %swap3A_710 = arith.constant 96 : index
      %swap3A_711 = tpu.vector_load %arg10[%swap3A_708, %swap3A_709, %swap3A_710] {strides = array<i32>} : memref<2x128x128xf32, #tpu.memory_space<vmem>>, vector<1x1x16xf32>,
      %swap3A_712 = vector.shape_cast %swap3A_711 : vector<1x1x16xf32> to vector<16xf32>
      %swap3A_713 = vector.shape_cast %exp3A_706 : vector<16xf32> to vector<1x1x16xf32>
      tpu.vector_store %arg10[%swap3A_708, %swap3A_709, %swap3A_710], %swap3A_713 {strides = array<i32>} : memref<2x128x128xf32, #tpu.memory_space<vmem>>, vector<1x1x16xf32>,
      %get3A_714 = arith.constant 1 : i32
      %get3A_715 = arith.index_cast %get3A_714 : i32 to index
      %get3A_716 = arith.index_cast %scan3A_438 : i32 to index
      %get3A_717 = arith.constant 112 : index
      %get3A_718 = tpu.vector_load %arg10[%get3A_715, %get3A_716, %get3A_717] {strides = array<i32>} : memref<2x128x128xf32, #tpu.memory_space<vmem>>, vector<1x1x16xf32>,
      %get3A_719 = vector.shape_cast %get3A_718 : vector<1x1x16xf32> to vector<16xf32>
      %get3A_720 = arith.constant 1 : i32
      %get3A_721 = arith.index_cast %get3A_720 : i32 to index
      %get3A_722 = arith.index_cast %scan3A_438 : i32 to index
      %get3A_723 = arith.constant 112 : index
      %get3A_724 = tpu.vector_load %arg8[%get3A_721, %get3A_722, %get3A_723] {strides = array<i32>} : memref<2x128x128xf32, #tpu.memory_space<vmem>>, vector<1x1x16xf32>,
      %get3A_725 = vector.shape_cast %get3A_724 : vector<1x1x16xf32> to vector<16xf32>
      %get3A_726 = arith.constant 1 : i32
      %get3A_727 = arith.index_cast %get3A_726 : i32 to index
      %get3A_728 = arith.index_cast %scan3A_438 : i32 to index
      %get3A_729 = arith.constant 112 : index
      %get3A_730 = tpu.vector_load %arg9[%get3A_727, %get3A_728, %get3A_729] {strides = array<i32>} : memref<2x128x128xf32, #tpu.memory_space<vmem>>, vector<1x1x16xf32>,
      %get3A_731 = vector.shape_cast %get3A_730 : vector<1x1x16xf32> to vector<16xf32>
      %sub3A_732 = arith.subf %get3A_719, %get3A_725 : vector<16xf32>
      %mul3A_733 = arith.mulf %sub3A_732, %sub3A_732 : vector<16xf32>
      %neg3A_734 = arith.constant 0.000000e+00 : f32
      %neg3A_735 = vector.broadcast %neg3A_734 : f32 to vector<16xf32>
      %neg3A_736 = arith.subf %neg3A_735, %get3A_731 : vector<16xf32>
      %exp3A_737 = math.exp %neg3A_736 : vector<16xf32>
      %mul3A_738 = arith.mulf %mul3A_733, %exp3A_737 : vector<16xf32>
      %add3A_739 = arith.addf %get3A_731, %mul3A_738 : vector<16xf32>
      %mul3A_740 = arith.constant 5.000000e-01 : f32
      %mul3A_741 = vector.broadcast %mul3A_740 : f32 to vector<16xf32>
      %mul3A_742 = arith.mulf %mul3A_741, %add3A_739 : vector<16xf32>
      %sub3A_743 = arith.constant -1.20662057 : f32
      %sub3A_744 = vector.broadcast %sub3A_743 : f32 to vector<16xf32>
      %sub3A_745 = arith.subf %sub3A_744, %mul3A_742 : vector<16xf32>
      %exp3A_746 = math.exp %sub3A_745 : vector<16xf32>
      %swap3A_747 = arith.constant 1 : i32
      %swap3A_748 = arith.index_cast %swap3A_747 : i32 to index
      %swap3A_749 = arith.index_cast %scan3A_438 : i32 to index
      %swap3A_750 = arith.constant 112 : index
      %swap3A_751 = tpu.vector_load %arg10[%swap3A_748, %swap3A_749, %swap3A_750] {strides = array<i32>} : memref<2x128x128xf32, #tpu.memory_space<vmem>>, vector<1x1x16xf32>,
      %swap3A_752 = vector.shape_cast %swap3A_751 : vector<1x1x16xf32> to vector<16xf32>
      %swap3A_753 = vector.shape_cast %exp3A_746 : vector<16xf32> to vector<1x1x16xf32>
      tpu.vector_store %arg10[%swap3A_748, %swap3A_749, %swap3A_750], %swap3A_753 {strides = array<i32>} : memref<2x128x128xf32, #tpu.memory_space<vmem>>, vector<1x1x16xf32>,
    }
    %scan3A_409 = arith.constant 128 : i32
    %add3A_410 = arith.constant 384 : i32
    %add3A_411 = arith.addi %mul3A_2, %add3A_410 : i32
    %dma_start3A_412 = arith.constant 1 : i32
    %dma_start3A_413 = arith.constant 0 : i32
    %dma_start3A_414 = arith.constant 0 : i32
    %dma_start3A_415 = tpu.memref_slice %arg10[%dma_start3A_412, %dma_start3A_413, %dma_start3A_414] : memref<2x128x128xf32, #tpu.memory_space<vmem>> -> memref<1x128x128xf32, #tpu.memory_space<vmem>>
    %dma_start3A_416 = tpu.memref_squeeze %dma_start3A_415 : memref<1x128x128xf32, #tpu.memory_space<vmem>> -> memref<128x128xf32, #tpu.memory_space<vmem>>
    %dma_start3A_417 = arith.constant 0 : i32
    %dma_start3A_418 = tpu.memref_slice %arg6[%add3A_411, %dma_start3A_417] : memref<16384x128xf32, #tpu.memory_space<hbm>> -> memref<128x128xf32, #tpu.memory_space<hbm>>
    %dma_start3A_419 = arith.constant 0 : i32
    %dma_start3A_420 = tpu.memref_slice %arg6[%add3A_411, %dma_start3A_419] : memref<16384x128xf32, #tpu.memory_space<hbm>> -> memref<128x128xf32, #tpu.memory_space<hbm>>
    %dma_start3A_421 = arith.constant 0 : i32
    %dma_start3A_422 = arith.constant 0 : i32
    %dma_start3A_423 = tpu.memref_slice %arg10[%dma_start3A_412, %dma_start3A_421, %dma_start3A_422] : memref<2x128x128xf32, #tpu.memory_space<vmem>> -> memref<1x128x128xf32, #tpu.memory_space<vmem>>
    %dma_start3A_424 = tpu.memref_squeeze %dma_start3A_423 : memref<1x128x128xf32, #tpu.memory_space<vmem>> -> memref<128x128xf32, #tpu.memory_space<vmem>>
    tpu.enqueue_dma source(%dma_start3A_424 : memref<128x128xf32, #tpu.memory_space<vmem>>) target(%dma_start3A_420 : memref<128x128xf32, #tpu.memory_space<hbm>>) target_semaphore(%arg14 : memref<!tpu.dma_semaphore, #tpu.memory_space<semaphore_mem>>)
    %dma_wait3A_425 = arith.constant 1 : i32
    %dma_wait3A_426 = arith.constant 0 : i32
    %dma_wait3A_427 = arith.constant 0 : i32
    %dma_wait3A_428 = tpu.memref_slice %arg10[%dma_wait3A_425, %dma_wait3A_426, %dma_wait3A_427] : memref<2x128x128xf32, #tpu.memory_space<vmem>> -> memref<1x128x128xf32, #tpu.memory_space<vmem>>
    %dma_wait3A_429 = tpu.memref_squeeze %dma_wait3A_428 : memref<1x128x128xf32, #tpu.memory_space<vmem>> -> memref<128x128xf32, #tpu.memory_space<vmem>>
    %dma_wait3A_430 = arith.constant 0 : i32
    %dma_wait3A_431 = tpu.memref_slice %arg6[%add3A_411, %dma_wait3A_430] : memref<16384x128xf32, #tpu.memory_space<hbm>> -> memref<128x128xf32, #tpu.memory_space<hbm>>
    %dma_wait3A_432 = arith.constant 0 : i32
    %dma_wait3A_433 = tpu.memref_slice %arg6[%add3A_411, %dma_wait3A_432] : memref<16384x128xf32, #tpu.memory_space<hbm>> -> memref<128x128xf32, #tpu.memory_space<hbm>>
    %dma_wait3A_434 = arith.constant 0 : i32
    %dma_wait3A_435 = arith.constant 0 : i32
    %dma_wait3A_436 = tpu.memref_slice %arg10[%dma_wait3A_425, %dma_wait3A_434, %dma_wait3A_435] : memref<2x128x128xf32, #tpu.memory_space<vmem>> -> memref<1x128x128xf32, #tpu.memory_space<vmem>>
    %dma_wait3A_437 = tpu.memref_squeeze %dma_wait3A_436 : memref<1x128x128xf32, #tpu.memory_space<vmem>> -> memref<128x128xf32, #tpu.memory_space<vmem>>
    tpu.wait_dma2 semaphore(%arg14 : memref<!tpu.dma_semaphore, #tpu.memory_space<semaphore_mem>>) src(%dma_wait3A_437 : memref<128x128xf32, #tpu.memory_space<vmem>>) dst(%dma_wait3A_433 : memref<128x128xf32, #tpu.memory_space<hbm>>)
    return
  }
}

module attributes {stable_mosaic.version = 14 : i64} {
  func.func @body(%arg0: i32, %arg1: memref<2048x128xf32, #tpu.memory_space<vmem>>, %arg2: memref<2048x128xf32, #tpu.memory_space<vmem>>, %arg3: memref<1x128xf32, #tpu.memory_space<vmem>>, %arg4: memref<1x128xf32, #tpu.memory_space<vmem>>, %arg5: memref<1x128xf32, #tpu.memory_space<vmem>>, %arg6: memref<2048x128xf32, #tpu.memory_space<vmem>>) attributes {dimension_semantics = [#tpu.dimension_semantics<arbitrary>], iteration_bounds = array<i64: 8>, scalar_prefetch = 0 : i64, scratch_operands = 0 : i64, tpu.core_type = #tpu.core_type<tc>, window_params = [{transform_indices = @transform_0, window_bounds = array<i64: 2048, 128>}, {transform_indices = @transform_1, window_bounds = array<i64: 2048, 128>}, {pipeline_mode = #tpu.pipeline_mode<synchronous>, transform_indices = @transform_2, window_bounds = array<i64: 1, 128>}, {pipeline_mode = #tpu.pipeline_mode<synchronous>, transform_indices = @transform_3, window_bounds = array<i64: 1, 128>}, {pipeline_mode = #tpu.pipeline_mode<synchronous>, transform_indices = @transform_4, window_bounds = array<i64: 1, 128>}, {transform_indices = @transform_5, window_bounds = array<i64: 2048, 128>}]} {
    %get3A = arith.constant 0 : index
    %get3A_0 = arith.constant 0 : index
    %get3A_1 = vector.load %arg3[%get3A, %get3A_0] : memref<1x128xf32, #tpu.memory_space<vmem>>, vector<1x128xf32>
    %get3A_2 = arith.constant 0 : index
    %get3A_3 = arith.constant 0 : index
    %get3A_4 = vector.load %arg4[%get3A_2, %get3A_3] : memref<1x128xf32, #tpu.memory_space<vmem>>, vector<1x128xf32>
    %get3A_5 = arith.constant 0 : index
    %get3A_6 = arith.constant 0 : index
    %get3A_7 = vector.load %arg5[%get3A_5, %get3A_6] : memref<1x128xf32, #tpu.memory_space<vmem>>, vector<1x128xf32>
    %neg3A = arith.constant 0.000000e+00 : f32
    %neg3A_8 = vector.broadcast %neg3A : f32 to vector<1x128xf32>
    %neg3A_9 = arith.subf %neg3A_8, %get3A_4 : vector<1x128xf32>
    %exp3A = math.exp %neg3A_9 : vector<1x128xf32>
    %mul3A = arith.constant -5.000000e-01 : f32
    %mul3A_10 = vector.broadcast %mul3A : f32 to vector<1x128xf32>
    %mul3A_11 = arith.mulf %mul3A_10, %exp3A : vector<1x128xf32>
    %mul3A_12 = arith.constant 5.000000e-01 : f32
    %mul3A_13 = vector.broadcast %mul3A_12 : f32 to vector<1x128xf32>
    %mul3A_14 = arith.mulf %mul3A_13, %get3A_4 : vector<1x128xf32>
    %sub3A = arith.constant -2.81605864 : f32
    %sub3A_15 = vector.broadcast %sub3A : f32 to vector<1x128xf32>
    %sub3A_16 = arith.subf %sub3A_15, %mul3A_14 : vector<1x128xf32>
    %neg3A_17 = arith.constant 0.000000e+00 : f32
    %neg3A_18 = vector.broadcast %neg3A_17 : f32 to vector<1x128xf32>
    %neg3A_19 = arith.subf %neg3A_18, %get3A_7 : vector<1x128xf32>
    %exp3A_20 = math.exp %neg3A_19 : vector<1x128xf32>
    %mul3A_21 = arith.constant -5.000000e-01 : f32
    %mul3A_22 = vector.broadcast %mul3A_21 : f32 to vector<1x128xf32>
    %mul3A_23 = arith.mulf %mul3A_22, %exp3A_20 : vector<1x128xf32>
    %mul3A_24 = arith.constant 5.000000e-01 : f32
    %mul3A_25 = vector.broadcast %mul3A_24 : f32 to vector<1x128xf32>
    %mul3A_26 = arith.mulf %mul3A_25, %get3A_7 : vector<1x128xf32>
    %sub3A_27 = arith.constant -3.22152352 : f32
    %sub3A_28 = vector.broadcast %sub3A_27 : f32 to vector<1x128xf32>
    %sub3A_29 = arith.subf %sub3A_28, %mul3A_26 : vector<1x128xf32>
    %get3A_30 = arith.constant 0 : index
    %get3A_31 = arith.constant 0 : index
    %get3A_32 = vector.load %arg1[%get3A_30, %get3A_31] : memref<2048x128xf32, #tpu.memory_space<vmem>>, vector<2048x128xf32>
    %sub3A_33 = vector.broadcast %get3A_1 : vector<1x128xf32> to vector<2048x128xf32>
    %sub3A_34 = arith.subf %get3A_32, %sub3A_33 : vector<2048x128xf32>
    %integer_pow3A = arith.mulf %sub3A_34, %sub3A_34 : vector<2048x128xf32>
    %mul3A_35 = vector.broadcast %mul3A_11 : vector<1x128xf32> to vector<2048x128xf32>
    %mul3A_36 = arith.mulf %mul3A_35, %integer_pow3A : vector<2048x128xf32>
    %add3A = vector.broadcast %sub3A_16 : vector<1x128xf32> to vector<2048x128xf32>
    %add3A_37 = arith.addf %mul3A_36, %add3A : vector<2048x128xf32>
    %exp3A_38 = math.exp %add3A_37 : vector<2048x128xf32>
    %mul3A_39 = vector.broadcast %mul3A_23 : vector<1x128xf32> to vector<2048x128xf32>
    %mul3A_40 = arith.mulf %mul3A_39, %integer_pow3A : vector<2048x128xf32>
    %add3A_41 = vector.broadcast %sub3A_29 : vector<1x128xf32> to vector<2048x128xf32>
    %add3A_42 = arith.addf %mul3A_40, %add3A_41 : vector<2048x128xf32>
    %exp3A_43 = math.exp %add3A_42 : vector<2048x128xf32>
    %get3A_44 = arith.constant 0 : index
    %get3A_45 = arith.constant 0 : index
    %get3A_46 = vector.load %arg2[%get3A_44, %get3A_45] : memref<2048x128xf32, #tpu.memory_space<vmem>>, vector<2048x128xf32>
    %add3A_47 = arith.addf %exp3A_38, %get3A_46 : vector<2048x128xf32>
    %add3A_48 = arith.addf %add3A_47, %exp3A_43 : vector<2048x128xf32>
    %log3A = math.log %add3A_48 : vector<2048x128xf32>
    %swap3A = arith.constant 0 : index
    %swap3A_49 = arith.constant 0 : index
    %swap3A_50 = vector.load %arg6[%swap3A, %swap3A_49] : memref<2048x128xf32, #tpu.memory_space<vmem>>, vector<2048x128xf32>
    tpu.vector_store %arg6[%swap3A, %swap3A_49], %log3A {strides = array<i32>} : memref<2048x128xf32, #tpu.memory_space<vmem>>, vector<2048x128xf32>,
    return
  }
  func.func @transform_0(%arg0: i32) -> (i32, i32) {
    %c0_i32 = arith.constant 0 : i32
    %c0_i32_0 = arith.constant 0 : i32
    return %arg0, %c0_i32 : i32, i32
  }
  func.func @transform_1(%arg0: i32) -> (i32, i32) {
    %c0_i32 = arith.constant 0 : i32
    %c0_i32_0 = arith.constant 0 : i32
    return %arg0, %c0_i32 : i32, i32
  }
  func.func @transform_2(%arg0: i32) -> (i32, i32) {
    %c0_i32 = arith.constant 0 : i32
    %c0_i32_0 = arith.constant 0 : i32
    %c0_i32_1 = arith.constant 0 : i32
    return %c0_i32, %c0_i32_0 : i32, i32
  }
  func.func @transform_3(%arg0: i32) -> (i32, i32) {
    %c0_i32 = arith.constant 0 : i32
    %c0_i32_0 = arith.constant 0 : i32
    %c0_i32_1 = arith.constant 0 : i32
    return %c0_i32, %c0_i32_0 : i32, i32
  }
  func.func @transform_4(%arg0: i32) -> (i32, i32) {
    %c0_i32 = arith.constant 0 : i32
    %c0_i32_0 = arith.constant 0 : i32
    %c0_i32_1 = arith.constant 0 : i32
    return %c0_i32, %c0_i32_0 : i32, i32
  }
  func.func @transform_5(%arg0: i32) -> (i32, i32) {
    %c0_i32 = arith.constant 0 : i32
    %c0_i32_0 = arith.constant 0 : i32
    return %arg0, %c0_i32 : i32, i32
  }
}

</mosaic_0001>

<sc_bundles>
// kernel: kernel.4.cloned.1.call-start
scs
__scs_entry_jumppad:
0x0: {  	(pc) =	sbr.rel $0x88, $3  }
0x1: {  	(tag) =	ssettag $0x0;
	lr =	simm.s32 $0x1  }
0x2: {  	[smem:$0x3F9A] =	sst lr;
	_ =	strace $0xD0000000  }
0x3: {  	_ = 	snop  }
0x4: {  	_ = 	snop  }
0x5: {  	_ = 	snop  }
0x6: {  	_ = 	snop  }
0x7: {  	_ = 	snop  }
__scs_overlays_trampoline_lowered:
0x8: {  	[smem:$0x3FA9] =	sst s0  }
0x9: {  	[smem:$0x3FAA] =	sst s1  }
0xa: {  	[smem:$0x3FAB] =	sst s2  }
0xb: {  	[smem:$0x3FAC] =	sst s3  }
0xc: {  	[smem:$0x3FAD] =	sst s4  }
0xd: {  	[smem:$0x3FAE] =	sst s5  }
0xe: {  	[smem:$0x3FAF] =	sst s6  }
0xf: {  	[smem:$0x3FB0] =	sst s7  }
0x10: {  	[smem:$0x3FB1] =	sst s8  }
0x11: {  	[smem:$0x3FB2] =	sst s9;
	s0 =	simm.s32 @!p0 $0x0  }
0x12: {  	s1 =	sld [smem:$0x3F98];
	s0 =	simm.s32 @p0 $0x1  }
0x13: {  	[smem:$0x3FB3] =	sst s0;
	s0 =	simm.s32 @!p1 $0x0  }
0x14: {  	s2 =	sld [smem:$0x3F97];
	s0 =	simm.s32 @p1 $0x1  }
0x15: {  	[smem:$0x3FB4] =	sst s0;
	s0 =	simm.s32 @!p2 $0x0  }
0x16: {  	s3 =	sld [smem:$0x3FDB];
	s0 =	simm.s32 @p2 $0x1  }
0x17: {  	s4 =	simm.s32 $0x1BF5;
	[smem:$0x3FB6] =	sst s0  }
0x18: {  	s0 =	sld [smem:$0x3F99];
	_ =	swait.ge [sflag:s4], $0x0  }
0x19: {  	s7 =	sld [smem:$0x3F9A]  }
0x1a: {  	s8 =	sadd.s32 $0xFFFFE003, lr  }
0x1b: {  	s9 =	sadd.s32 $0xFFFFFEF7, lr;
	s5 =	simm.s32 $0xFFFFFFFF;
	p2 =	slt.u32 s8, $0xFFFFF086  }
0x1c: {  	p1 =	slt.u32 s9, $0xF7A;
	s5 =	simm.s32 @!p2 $0x0  }
0x1d: {  	s5 =	simm.s32 @p1 $0x1;
	p0 =	seq.s32 s7, s2  }
0x1e: {  	s7 =	smul.u32 @!p0 $0xF7A, s2;
	p2 =	seq.s32 @!p0 s5, $0x0  }
0x1f: {  	s9 =	smul.u32 $0xF7A, s1;
	s8 =	simm.s32 @!p0 $0x1BF5;
	p2 =	por !p2, p0  }
0x20: {  	[sflag:s8] =	ssyncset.s32 @!p0 $0xFFFFF086;
	s6 =	sadd.s32 @!p0 s3, s7;
	s7 =	simm.s32 @!p0 $0x108  }
0x21: {  	s3 =	sadd.s32 s3, s9;
	s6 =	sadd.s32 @!p0 $0x88, s6;
	s7 =	simm.s32 @p2 $0x1082  }
0x22: {  	[simem:s7], [sflag:s8] =	dma.local @!p0 [hbm:s6], $0xF7A  }
0x23: {  	s9 =	sor.u32 $0xD0000000, s2;
	s6 =	simm.s32 $0x108;
	_ =	swait.ge @!p0 [sflag:s8], $0x0  }
0x24: {  	s3 =	sadd.s32 $0x88, s3;
	s6 =	simm.s32 @!p1 $0x1082;
	[sflag:s4] =	ssyncset.s32 $0xFFFFF086  }
0x25: {  	[simem:s6], [sflag:s4] =	dma.local [hbm:s3], $0xF7A  }
0x26: {  	[smem:$0x3F9A] =	sst s1;
	(tag) =	ssettag s2;
	_ =	strace s9  }
0x27: {  	s1 =	sld [smem:$0x3FAA]  }
0x28: {  	s2 =	sld [smem:$0x3FAB]  }
0x29: {  	s4 =	sld [smem:$0x3FAD]  }
0x2a: {  	p0 =	seq.s32 s5, $0x0;
	s5 =	sld [smem:$0x3FAE]  }
0x2b: {  	s6 =	sld [smem:$0x3FAF]  }
0x2c: {  	s7 =	sld [smem:$0x3FB0]  }
0x2d: {  	s3 =	simm.s32 $0x108;
	s8 =	sld [smem:$0x3FB1]  }
0x2e: {  	s3 =	simm.s32 @!p0 $0x1082;
	s9 =	sld [smem:$0x3FB2]  }
0x2f: {  	lr =	sadd.s32 s0, s3;
	s0 =	sld [smem:$0x3FA9]  }
0x30: {  	s3 =	sld [smem:$0x3FAC]  }
0x31: {  	[smem:$0x3FB5] =	sst s10  }
0x32: {  	s10 =	sld [smem:$0x3FB3];
	_ =	sdelay $0x3  }
0x33: {  	p0 =	seq.s32 s10, $0x1;
	s10 =	sld [smem:$0x3FB5];
	_ =	sdelay $0x3  }
0x34: {  	[smem:$0x3FB5] =	sst s10  }
0x35: {  	s10 =	sld [smem:$0x3FB4];
	_ =	sdelay $0x3  }
0x36: {  	p1 =	seq.s32 s10, $0x1;
	s10 =	sld [smem:$0x3FB5];
	_ =	sdelay $0x3  }
0x37: {  	[smem:$0x3FB5] =	sst s10  }
0x38: {  	s10 =	sld [smem:$0x3FB6]  }
0x39: {  	_ = 	snop;
	(pc) =	sbr.ind lr, $3  }
0x3a: {  	_ = 	snop  }
0x3b: {  	_ = 	snop  }
0x3c: {  	p2 =	seq.s32 s10, $0x1;
	s10 =	sld [smem:$0x3FB5]  }
0x3d: {  	_ =	shalt  }
0x3e: {  	_ =	shalt  }
0x3f: {  	_ =	shalt  }
0x40: {  	_ =	shalt  }
0x41: {  	_ =	shalt  }
0x42: {  	_ =	shalt  }
0x43: {  	_ =	shalt  }
0x44: {  	_ =	shalt  }
0x45: {  	_ =	shalt  }
0x46: {  	_ =	shalt  }
0x47: {  	_ =	shalt  }
0x48: {  	_ =	shalt  }
0x49: {  	_ =	shalt  }
0x4a: {  	_ =	shalt  }
0x4b: {  	_ =	shalt  }
0x4c: {  	_ =	shalt  }
0x4d: {  	_ =	shalt  }
0x4e: {  	_ =	shalt  }
0x4f: {  	_ =	shalt  }
0x50: {  	_ =	shalt  }
0x51: {  	_ =	shalt  }
0x52: {  	_ =	shalt  }
0x53: {  	_ =	shalt  }
0x54: {  	_ =	shalt  }
0x55: {  	_ =	shalt  }
0x56: {  	_ =	shalt  }
0x57: {  	_ =	shalt  }
0x58: {  	_ =	shalt  }
0x59: {  	_ =	shalt  }
0x5a: {  	_ =	shalt  }
0x5b: {  	_ =	shalt  }
0x5c: {  	_ =	shalt  }
0x5d: {  	_ =	shalt  }
0x5e: {  	_ =	shalt  }
0x5f: {  	_ =	shalt  }
0x60: {  	_ =	shalt  }
0x61: {  	_ =	shalt  }
0x62: {  	_ =	shalt  }
0x63: {  	_ =	shalt  }
0x64: {  	_ =	shalt  }
0x65: {  	_ =	shalt  }
0x66: {  	_ =	shalt  }
0x67: {  	_ =	shalt  }
0x68: {  	_ =	shalt  }
0x69: {  	_ =	shalt  }
0x6a: {  	_ =	shalt  }
0x6b: {  	_ =	shalt  }
0x6c: {  	_ =	shalt  }
0x6d: {  	_ =	shalt  }
0x6e: {  	_ =	shalt  }
0x6f: {  	_ =	shalt  }
0x70: {  	_ =	shalt  }
0x71: {  	_ =	shalt  }
0x72: {  	_ =	shalt  }
0x73: {  	_ =	shalt  }
0x74: {  	_ =	shalt  }
0x75: {  	_ =	shalt  }
0x76: {  	_ =	shalt  }
0x77: {  	_ =	shalt  }
0x78: {  	_ =	shalt  }
0x79: {  	_ =	shalt  }
0x7a: {  	_ =	shalt  }
0x7b: {  	_ =	shalt  }
0x7c: {  	_ =	shalt  }
0x7d: {  	_ =	shalt  }
0x7e: {  	_ =	shalt  }
0x7f: {  	_ =	shalt  }
0x80: {  	_ =	shalt  }
0x81: {  	_ =	shalt  }
0x82: {  	_ =	shalt  }
0x83: {  	_ =	shalt  }
0x84: {  	_ =	shalt  }
0x85: {  	_ =	shalt  }
0x86: {  	_ =	shalt  }
0x87: {  	_ =	shalt  }
.Lfunc_end0:
.L_simem_size_0:
called_computation_lowered:
.L_overlay_start_0:
0x88: {  	s2 =	sld [smem:$0x3FD9]  }
0x89: {  	s3 =	sld [smem:$0x3FFE];
	_ =	sdelay $0x1  }
0x8a: {  	s1 =	srdreg.scid  }
0x8b: {  	s0 =	sand.u32 $0x1, s1  }
0x8c: {  	s18 =	sshll.u32 s0, $0xA;
	s2 =	sadd.s32 s3, s2  }
0x8d: {  	s2 =	sadd.s32 s2, s18  }
0x8e: {  	[smem:$0x3FC1] =	sst s2  }
0x8f: {  	_ = 	snop  }
0x90: {  	s2 =	sld [smem:$0x3FC9]  }
0x91: {  	s19 =	sld [smem:$0x3FC8]  }
0x92: {  	s4 =	sld [smem:$0x3FC4]  }
0x93: {  	s5 =	sld [smem:$0x3FC3]  }
0x94: {  	s6 =	sld [smem:$0x3FD0];
	(tm) =	ssettm $0x1  }
0x95: {  	s7 =	sld [smem:$0x3FFB];
	_ =	sdelay $0x3  }
0x96: {  	_ =	strace s7  }
0x97: {  	s7 =	sld [smem:$0x3FFC];
	_ =	sdelay $0x3  }
0x98: {  	_ =	strace s7  }
0x99: {  	s7 =	sld [smem:$0x3FFD];
	_ =	sdelay $0x3  }
0x9a: {  	_ =	strace s7  }
0x9b: {  	_ =	strace $0x8FFFFFFF  }
0x9c: {  	s20 =	sld [smem:$0x3FDB];
	_ =	sdelay $0x1  }
0x9d: {  	s8 =	simm.s32 $_scs_section_size  }
0x9e: {  	s9 =	simm.s32 $_size__tile_overlayer_lowered;
	s10 =	simm.s32 $_tile_overlayer_lowered  }
0x9f: {  	s23 =	simm.s32 $0x1BFF;
	s22 =	sshll.u32 s10, $0x1;
	s7 =	sadd.s32 s8, s20  }
0xa0: {  	s11 =	simm.s32 $0x0;
	s21 =	sshll.u32 s9, $0x1;
	s9 =	sadd.s32 s22, s7  }
0xa1: {  	[timem:s11], [sflag:s23] =	dma.local [hbm:s9], s21  }
0xa2: {  	_ =	swait.ge [sflag:s23], s21  }
0xa3: {  	s8 =	ssub.s32 $0x0, s21;
	[sflag:s23] =	ssyncset.done $0x0  }
0xa4: {  	[sflag:s23] =	ssyncadd.s32 s8;
	_ =	sdelay $0x1  }
0xa5: {  	s24 =	simm.s32 $0x1B8B  }
0xa6: {  	_ =	swait.ge [sflag:s24], $0x1  }
0xa7: {  	[sflag:s24] =	ssyncset.done $0x0  }
0xa8: {  	s25 =	simm.s32 $0x1B8E;
	[sflag:s24] =	ssyncadd.s32 $0xFFFFFFFF  }
0xa9: {  	s26 =	simm.s32 $execute0_lowered;
	[smem:$0x3FD2] =	sst s25  }
0xaa: {  	s8 =	sshll.u32 s26, $0x1;
	_ =	strace $0x80000046;
	[dreg:$0x1] =	wrdreg $0xFFFFFFFF  }
0xab: {  	s28 =	simm.s32 $_size_execute0_lowered;
	s7 =	sadd.s32 s7, s8;
	[dreg:$0x0] =	wrdreg $0x0  }
0xac: {  	s8 =	sshll.u32 s28, $0x1;
	[dreg:$0x2] =	wrdreg s7  }
0xad: {  	[dreg:$0x3] =	wrdreg s8  }
0xae: {  	[dreg:$0x4] =	wrdreg $0xC0  }
0xaf: {  	_ =	task [dreg:s11], $0x5FFFF  }
0xb0: {  	[dreg:$0x1] =	wrdreg $0xFFFFFFFF  }
0xb1: {  	[dreg:$0x0] =	wrdreg $0x60  }
0xb2: {  	[dreg:$0x2] =	wrdreg s4  }
0xb3: {  	[dreg:$0x3] =	wrdreg s5  }
0xb4: {  	[dreg:$0x4] =	wrdreg s2  }
0xb5: {  	[dreg:$0x5] =	wrdreg s19  }
0xb6: {  	[dreg:$0x6] =	wrdreg s6  }
0xb7: {  	[dreg:$0x7] =	wrdreg $0x9  }
0xb8: {  	_ =	task.clear_ibuf [dreg:s11], $0x8FFFF;
	_ =	strace $0x90000046  }
0xb9: {  	s29 =	simm.s32 $0x9;
	_ =	strace $0x80000048  }
0xba: {  	_ =	swait.ge [sflag:s29], $0x1  }
0xbb: {  	[sflag:s29] =	ssyncadd.s32 $0xFFFFFFFF  }
0xbc: {  	_ =	strace $0x90000048  }
0xbd: {  	_ =	sfence  }
0xbe: {  	s30 =	sld [smem:$0x0];
	_ =	sdelay $0x2  }
0xbf: {  	s31 =	sshll.u32 s1, $0xD;
	s1 =	sshrl.u32 s1, $0x2  }
0xc0: {  	s3 =	sand.u32 $0x4000, s31;
	s1 =	sadd.s32 s1, s30  }
0xc1: {  	s0 =	sor.u32 s3, s0;
	s1 =	sshll.u32 s1, $0x11  }
0xc2: {  	s0 =	sor.u32 s1, s0  }
0xc3: {  	s0 =	sadd.s32 $0x8F2B, s0  }
0xc4: {  	[sflag:s0] =	ssyncadd.remote.s32 $0x1  }
0xc5: {  	_ =	sfence.sel $0xFFFF  }
0xc6: {  	[dreg:$0x0] =	wrdreg $0xFFFFFFFF;
	(pc) =	sbr.abs _section_cstart, $3  }
0xc7: {  	[dreg:$0x1] =	wrdreg $0xFFFFFFFF  }
0xc8: {  	_ =	task.clear_ibuf [dreg:s11], $0x2FFFF;
	_ =	strace $0x9FFFFFFF  }
0xc9: {  	(tm) =	ssettm $0x7FFFFFFF  }
tec
execute0_lowered:
.L_overlay_start_1:
0x0: {  	(tag) =	ssettag $0x1  }
0x1: {  	s1 =	rddreg [dreg:$0x0]  }
0x2: {  	s2 =	rddreg [dreg:$0x1]  }
0x3: {  	s0 =	rddreg [dreg:$0x2]  }
0x4: {  	s4 =	rddreg [dreg:$0x3]  }
0x5: {  	s13 =	rddreg [dreg:$0x4]  }
0x6: {  	s3 =	simm.s32 $0x0;
	s5 =	srdreg.scid;
	s10 =	stileid.u32  }
0x7: {  	s16 =	simm.s32 $0x80;
	s18 =	simm.s32 $0x8200;
	s19 =	simm.s32 $0x10200  }
0x8: {  	s20 =	simm.s32 $0x1;
	s21 =	simm.s32 $0x4200;
	s22 =	simm.s32 $0xC200  }
0x9: {  	s23 =	simm.s32 $0x14200;
	s24 =	simm.s32 $0x2;
	s28 =	simm.s32 $0x4  }
0xa: {  	s29 =	simm.s32 $0x180;
	s30 =	simm.s32 $0x0;
	[smem:$0x7FF] =	sst s3  }
0xb: {  	s5 =	sand.u32 $0x1, s5;
	s8 =	sshll.u32 s10, $0xE;
	s25 =	sshll.u32 s10, $0x7  }
0xc: {  	_ =	strace $0x80000047;
	s6 =	ssub.s32 $0x2, s5;
	s9 =	sshll.u32 s5, $0xD  }
0xd: {  	s5 =	sshll.u32 s5, $0x6;
	s7 =	sshrl.u32 s6, $0x1;
	s9 =	sor.u32 s9, s8  }
0xe: {  	s4 =	sadd.s32 s4, s5;
	s14 =	ssub.s32 s6, s7;
	s26 =	sor.u32 $0x800, s9  }
0xf: {  	s5 =	sadd.s32 s25, s4;
	s6 =	sadd.s32 s0, s9;
	s8 =	sadd.s32 s13, s9  }
0x10: {  	s31 =	sor.u32 $0x1000, s9;
	s15 =	sor.u32 $0x1800, s9;
	s25 =	simm.s32 $0x3  }
0x11: {  	s7 =	sadd.s32 s0, s26;
	s9 =	sadd.s32 s0, s31;
	s10 =	sadd.s32 s13, s26  }
0x12: {  	s11 =	sadd.s32 s0, s15;
	s12 =	sadd.s32 s13, s31;
	s13 =	sadd.s32 s13, s15  }
0x13: {  	s14 =	smax.u32 s14, $0x1;
	s15 =	simm.s32 $0x5;
	s26 =	simm.s32 $0x100  }
.LBB2_1:
0x14: {  	[tilespmem:s3], [sflag:$0x5] =	stream.linear.gather [hbm4b:s5+s3], $0x200, $0x38;
	[tilespmem:$0x18200] =	vst v63  }
0x15: {  	_ =	swait.ge [sflag:s15], $0x200  }
0x16: {  	[sflag:s15] =	ssyncset.done $0x0  }
0x17: {  	s0 =	simm.s32 $0x200;
	[sflag:s15] =	ssyncadd.s32 $0xFFFFFE00  }
0x18: {  	[tilespmem:s0], [sflag:$0x1] =	stream.indirect.gather [hbm4b:s1+s16], $0x80, s3, s16, $0xb8;
	[tilespmem:$0x18200] =	vst v63  }
0x19: {  	_ = 	snop  }
0x1a: {  	[tilespmem:s18], [sflag:$0x1] =	stream.indirect.gather [hbm4b:s2+s16], $0x80, s3, s16, $0xb8;
	[tilespmem:$0x18200] =	vst v63  }
0x1b: {  	_ = 	snop  }
0x1c: {  	[tilespmem:s19], [sflag:$0x1] =	stream.linear.gather [hbm4b:s6+s3], $0x4000, $0x38;
	[tilespmem:$0x18200] =	vst v63  }
0x1d: {  	_ =	swait.ge [sflag:s20], $0x4000  }
0x1e: {  	[sflag:s20] =	ssyncset.done $0x0  }
0x1f: {  	[sflag:s20] =	ssyncadd.s32 $0xFFFFC000  }
0x20: {  	_ =	swait.ge [sflag:s20], $0x4000  }
0x21: {  	[sflag:s20] =	ssyncset.done $0x0  }
0x22: {  	[sflag:s20] =	ssyncadd.s32 $0xFFFFC000  }
0x23: {  	_ =	swait.ge [sflag:s20], $0x4000  }
0x24: {  	[sflag:s20] =	ssyncset.done $0x0  }
0x25: {  	[sflag:s20] =	ssyncadd.s32 $0xFFFFC000  }
0x26: {  	[tilespmem:s21], [sflag:$0x2] =	stream.indirect.gather [hbm4b:s1+s16], $0x80, s16, s16, $0xb8;
	[tilespmem:$0x18200] =	vst v63  }
0x27: {  	_ = 	snop  }
0x28: {  	[tilespmem:s22], [sflag:$0x2] =	stream.indirect.gather [hbm4b:s2+s16], $0x80, s16, s16, $0xb8;
	[tilespmem:$0x18200] =	vst v63  }
0x29: {  	s0 =	simm.s32 $0x0  }
0x2a: {  	[tilespmem:s23], [sflag:$0x2] =	stream.linear.gather [hbm4b:s7+s3], $0x4000, $0x38;
	[tilespmem:$0x18200] =	vst v63  }
0x2b: {  	v0 =	vld [tilespmem:s0+$0x8250];
	_ =	sdelay $0x4  }
0x2c: {  	v2 =	vld [tilespmem:s0+$0x8230];
	v1 =	vsub.f32 $0.0e+00, v0;
	_ =	sdelay $0x1  }
0x2d: {  	v9 =	vld [tilespmem:s0+$0x8270];
	v1 =	vmul.f32 $1.442695020e+00, v1  }
0x2e: {  	v4 =	vld [tilespmem:s0+$0x250]  }
0x2f: {  	(erf) = vpow2.f32 v1;
	v1 =	vld [tilespmem:s0+$0x10250]  }
0x30: {  	v3 =	vsub.f32 $0.0e+00, v2  }
0x31: {  	v7 =	vld [tilespmem:s0+$0x8260]  }
0x32: {  	v6 =	vld [tilespmem:s0+$0x8240];
	v5 =	vsub.f32 $0.0e+00, v9;
	v3 =	vmul.f32 $1.442695020e+00, v3;
	_ =	sdelay $0x1  }
0x33: {  	v8 =	vld [tilespmem:s0+$0x10230];
	(erf) = vpow2.f32 v3;
	v1 =	vsub.f32 v1, v4;
	v4 =	vmul.f32 $1.442695020e+00, v5  }
0x34: {  	v3 =	vld [tilespmem:s0+$0x230]  }
0x35: {  	v10 =	vsub.f32 $0.0e+00, v7  }
0x36: {  	v5 =	vsub.f32 $0.0e+00, v6;
	v1 =	vmul.f32 v1, v1  }
0x37: {  	v12 =	vld [tilespmem:s0+$0x8210];
	v10 =	vmul.f32 $1.442695020e+00, v10;
	(erf) = vpow2.f32 v4;
	v4 =	vpop (erf)  }
0x38: {  	v13 =	vld [tilespmem:s0+$0x8200];
	v5 =	vmul.f32 $1.442695020e+00, v5;
	v1 =	vmul.f32 v4, v1  }
0x39: {  	v11 =	vld [tilespmem:s0+$0x8220];
	v3 =	vsub.f32 v8, v3;
	(erf) = vpow2.f32 v10  }
0x3a: {  	v8 =	vld [tilespmem:s0+$0x240];
	(erf) = vpow2.f32 v5  }
0x3b: {  	v3 =	vmul.f32 v3, v3;
	v4 =	vld [tilespmem:s0+$0x10240]  }
0x3c: {  	v14 =	vld [tilespmem:s0+$0x260];
	v0 =	vadd.f32 v1, v0;
	v1 =	vpop (erf)  }
0x3d: {  	v5 =	vld [tilespmem:s0+$0x10260];
	v3 =	vmul.f32 v1, v3  }
0x3e: {  	v15 =	vld [tilespmem:s0+$0x220]  }
0x3f: {  	s31 =	simm.s32 $0x80;
	v16 =	vld [tilespmem:s0+$0x210];
	v0 =	vmul.f32 $5.000000000e-01, v0;
	v2 =	vadd.f32 v3, v2  }
0x40: {  	v18 =	vld [tilespmem:s31+$0x8250];
	v21 =	vsub.f32 $0.0e+00, v11;
	v4 =	vsub.f32 v4, v8  }
0x41: {  	v23 =	vld [tilespmem:s31+$0x8230];
	v10 =	vsub.f32 $0.0e+00, v13;
	v17 =	vpop (erf);
	v3 =	vsub.f32 $-1.206620570e+00, v0;
	v8 =	vmul.f32 $5.000000000e-01, v2  }
0x42: {  	v24 =	vld [tilespmem:s0+$0x200];
	v21 =	vmul.f32 $1.442695020e+00, v21;
	v14 =	vsub.f32 v5, v14;
	v19 =	vpop (erf);
	v20 =	vmul.f32 v4, v4  }
0x43: {  	v25 =	vld [tilespmem:s0+$0x10210];
	v10 =	vmul.f32 $1.442695020e+00, v10;
	v22 =	vpop (erf);
	v3 =	vmul.f32 $1.442695020e+00, v3;
	v8 =	vsub.f32 $-1.206620570e+00, v8  }
0x44: {  	v27 =	vld [tilespmem:s0+$0x270];
	v14 =	vmul.f32 v14, v14;
	v20 =	vmul.f32 v22, v20  }
0x45: {  	v28 =	vld [tilespmem:s31+$0x250];
	(erf) = vpow2.f32 v3;
	v8 =	vmul.f32 $1.442695020e+00, v8  }
0x46: {  	v22 =	vsub.f32 $0.0e+00, v12;
	v3 =	vld [tilespmem:s31+$0x8220];
	v20 =	vadd.f32 v20, v6;
	(erf) = vpow2.f32 v10  }
0x47: {  	v30 =	vld [tilespmem:s0+$0x10220];
	v14 =	vmul.f32 v19, v14;
	(erf) = vpow2.f32 v8  }
0x48: {  	v19 =	vld [tilespmem:s0+$0x10200];
	v10 =	vmul.f32 $1.442695020e+00, v22;
	v8 =	vmul.f32 $5.000000000e-01, v20  }
0x49: {  	v0 =	vld [tilespmem:s31+$0x8270];
	(erf) = vpow2.f32 v21  }
0x4a: {  	v55 =	vld [tilespmem:s0+$0x10270];
	v22 =	vsub.f32 $0.0e+00, v18;
	v8 =	vsub.f32 $-1.206620570e+00, v8;
	(erf) = vpow2.f32 v10  }
0x4b: {  	v5 =	vld [tilespmem:s31+$0x8240];
	v7 =	vadd.f32 v14, v7;
	v14 =	vsub.f32 $0.0e+00, v3  }
0x4c: {  	v26 =	vsub.f32 $0.0e+00, v23;
	v1 =	vld [tilespmem:s31+$0x8210];
	v21 =	vmul.f32 $1.442695020e+00, v22;
	v10 =	vmul.f32 $1.442695020e+00, v8  }
0x4d: {  	v4 =	vld [tilespmem:s31+$0x8200];
	v19 =	vsub.f32 v19, v24;
	v8 =	vmul.f32 $1.442695020e+00, v14;
	v14 =	vmul.f32 $5.000000000e-01, v7  }
0x4e: {  	v26 =	vmul.f32 $1.442695020e+00, v26;
	v2 =	vld [tilespmem:s31+$0x8260];
	v22 =	vsub.f32 $0.0e+00, v0;
	v31 =	vpop (erf)  }
0x4f: {  	v6 =	vld [tilespmem:s31+$0x260];
	v19 =	vmul.f32 v19, v19;
	[tilespmem:s0+$0x10250] =	vst v31;
	(erf) = vpow2.f32 v10;
	v56 =	vpop (erf);
	v14 =	vsub.f32 $-1.206620570e+00, v14  }
0x50: {  	v16 =	vsub.f32 v25, v16;
	v22 =	vmul.f32 $1.442695020e+00, v22;
	v57 =	vld [tilespmem:s31+$0x10250];
	(erf) = vpow2.f32 v21;
	v21 =	vpop (erf)  }
0x51: {  	v15 =	vsub.f32 v30, v15;
	v58 =	vld [tilespmem:s31+$0x230];
	v14 =	vmul.f32 $1.442695020e+00, v14;
	(erf) = vpow2.f32 v26;
	[tilespmem:s0+$0x10230] =	vst v21  }
0x52: {  	v16 =	vmul.f32 v16, v16;
	v60 =	vpop (erf);
	(erf) = vpow2.f32 v22;
	v22 =	vsub.f32 v55, v27;
	v59 =	vld [tilespmem:s31+$0x10230]  }
0x53: {  	v20 =	vsub.f32 $0.0e+00, v2;
	v19 =	vmul.f32 v56, v19;
	v61 =	vpop (erf);
	(erf) = vpow2.f32 v14  }
0x54: {  	v21 =	vsub.f32 $0.0e+00, v5;
	v14 =	vmul.f32 v61, v16;
	v16 =	vmul.f32 v22, v22  }
0x55: {  	v15 =	vmul.f32 v15, v15;
	v20 =	vmul.f32 $1.442695020e+00, v20  }
0x56: {  	v13 =	vadd.f32 v19, v13;
	v21 =	vmul.f32 $1.442695020e+00, v21  }
0x57: {  	(erf) = vpow2.f32 v20;
	v20 =	vsub.f32 v59, v58  }
0x58: {  	v13 =	vmul.f32 $5.000000000e-01, v13;
	v19 =	vsub.f32 v57, v28;
	v17 =	vmul.f32 v17, v16;
	v16 =	vpop (erf)  }
0x59: {  	v12 =	vadd.f32 v14, v12;
	v14 =	vmul.f32 v60, v15;
	v15 =	vpop (erf);
	v20 =	vmul.f32 v20, v20  }
0x5a: {  	v32 =	vsub.f32 $0.0e+00, v1;
	v19 =	vmul.f32 v19, v19;
	[tilespmem:s0+$0x10240] =	vst v16;
	(erf) = vpow2.f32 v21;
	v21 =	vpop (erf)  }
0x5b: {  	v29 =	vsub.f32 $0.0e+00, v4;
	v16 =	vld [tilespmem:s31+$0x240];
	v20 =	vmul.f32 v21, v20;
	v21 =	vsub.f32 $-1.206620570e+00, v13  }
0x5c: {  	v12 =	vmul.f32 $5.000000000e-01, v12;
	v15 =	vmul.f32 v15, v19;
	v19 =	vadd.f32 v17, v9;
	v17 =	vld [tilespmem:s31+$0x10240]  }
0x5d: {  	v7 =	vmul.f32 $1.442695020e+00, v32;
	v10 =	vmul.f32 $1.442695020e+00, v29;
	v22 =	vadd.f32 v14, v11  }
0x5e: {  	v62 =	vsub.f32 $-1.206620570e+00, v12;
	v9 =	vpop (erf);
	v15 =	vadd.f32 v15, v18;
	v63 =	vmul.f32 $5.000000000e-01, v19  }
0x5f: {  	s4 =	simm.s32 $0x400;
	v11 =	vld [tilespmem:s31+$0x220];
	v18 =	vmul.f32 $5.000000000e-01, v22;
	v13 =	vadd.f32 v20, v23;
	v14 =	vmul.f32 $1.442695020e+00, v21;
	v21 =	vpop (erf)  }
0x60: {  	v12 =	vld [tilespmem:s31+$0x210];
	v19 =	vmul.f32 $5.000000000e-01, v15;
	v20 =	vmul.f32 $1.442695020e+00, v62;
	v15 =	vsub.f32 $-1.206620570e+00, v63;
	[tilespmem:s0+$0x10260] =	vst v21  }
.LBB2_2:
0x61: {  	s17 =	sshra.s32 s4, $0x2;
	p0 =	sne.s32 s4, $0xFE00;
	s4 =	sadd.s32 $0x200, s4;
	v17 =	vsub.f32 v17, v16;
	v21 =	vld [tilespmem:s31+$0x10260];
	v22 =	vpop (erf);
	v18 =	vsub.f32 $-1.206620570e+00, v18;
	(erf) = vpow2.f32 v14  }
0x62: {  	v23 =	vmul.f32 $5.000000000e-01, v13;
	v16 =	vld [tilespmem:s17+$0x8210];
	v19 =	vsub.f32 $-1.206620570e+00, v19;
	(erf) = vpow2.f32 v20  }
0x63: {  	v14 =	vld [tilespmem:s17+$0x8270];
	v17 =	vmul.f32 v17, v17;
	v18 =	vmul.f32 $1.442695020e+00, v18  }
0x64: {  	v15 =	vmul.f32 $1.442695020e+00, v15;
	v13 =	vld [tilespmem:s17+$0x8250];
	v19 =	vmul.f32 $1.442695020e+00, v19;
	v20 =	vpop (erf)  }
0x65: {  	v23 =	vsub.f32 $-1.206620570e+00, v23;
	v24 =	vld [tilespmem:s17+$0x8260];
	v17 =	vmul.f32 v20, v17;
	(erf) = vpow2.f32 v18  }
0x66: {  	v18 =	vld [tilespmem:s17+$0x8200];
	v6 =	vsub.f32 v21, v6;
	(erf) = vpow2.f32 v15  }
0x67: {  	v20 =	vmul.f32 $1.442695020e+00, v23;
	v15 =	vld [tilespmem:s17+$0x8230];
	v17 =	vadd.f32 v17, v5;
	(erf) = vpow2.f32 v19  }
0x68: {  	v19 =	vld [tilespmem:s17+$0x8220];
	v21 =	vmul.f32 v6, v6;
	(erf) = vpow2.f32 v10  }
0x69: {  	v5 =	vld [tilespmem:s17+$0x8240];
	v10 =	vsub.f32 $0.0e+00, v13;
	v17 =	vmul.f32 $5.000000000e-01, v17;
	(erf) = vpow2.f32 v20  }
0x6a: {  	v6 =	vld [tilespmem:s17+$0x260];
	v20 =	vsub.f32 $0.0e+00, v24;
	v21 =	vmul.f32 v22, v21;
	(erf) = vpow2.f32 v8;
	v8 =	vpop (erf)  }
0x6b: {  	v22 =	vmul.f32 $1.442695020e+00, v10;
	v10 =	vsub.f32 $0.0e+00, v14;
	v23 =	vld [tilespmem:s31+$0x200];
	v17 =	vsub.f32 $-1.206620570e+00, v17;
	[tilespmem:s0+$0x10200] =	vst v8;
	v8 =	vpop (erf)  }
0x6c: {  	v25 =	vsub.f32 $0.0e+00, v15;
	v20 =	vmul.f32 $1.442695020e+00, v20;
	v26 =	vld [tilespmem:s31+$0x10200];
	v21 =	vadd.f32 v21, v2;
	[tilespmem:s0+$0x10210] =	vst v8;
	v2 =	vmovc v24  }
0x6d: {  	v8 =	vsub.f32 $0.0e+00, v19;
	v24 =	vmul.f32 $1.442695020e+00, v10;
	v27 =	vld [tilespmem:s31+$0x10210];
	v10 =	vmul.f32 $1.442695020e+00, v17  }
0x6e: {  	v17 =	vsub.f32 $0.0e+00, v18;
	v25 =	vmul.f32 $1.442695020e+00, v25;
	v28 =	vld [tilespmem:s31+$0x270];
	(erf) = vpow2.f32 v7;
	v7 =	vpop (erf)  }
0x6f: {  	v29 =	vsub.f32 $0.0e+00, v16;
	v8 =	vmul.f32 $1.442695020e+00, v8;
	v30 =	vld [tilespmem:s17+$0x250];
	(erf) = vpow2.f32 v10;
	[tilespmem:s0+$0x10220] =	vst v7;
	v7 =	vpop (erf)  }
0x70: {  	v21 =	vmul.f32 $5.000000000e-01, v21;
	v10 =	vmul.f32 $1.442695020e+00, v17;
	v17 =	vsub.f32 $0.0e+00, v5;
	v31 =	vld [tilespmem:s31+$0x10220];
	v32 =	vpop (erf);
	[tilespmem:s0+$0x10270] =	vst v7;
	s0 =	smov.u32 s31;
	s31 =	smov.u32 s17  }
0x71: {  	v7 =	vmul.f32 $1.442695020e+00, v29;
	(erf) = vpow2.f32 v22;
	v22 =	vsub.f32 v26, v23;
	[tilespmem:s0+$0x10250] =	vst v32;
	v23 =	vld [tilespmem:s0+$0x10270];
	v26 =	vpop (erf)  }
0x72: {  	v21 =	vsub.f32 $-1.206620570e+00, v21;
	v29 =	vld [tilespmem:s31+$0x10250];
	v12 =	vsub.f32 v27, v12;
	v27 =	vpop (erf)  }
0x73: {  	(erf) = vpow2.f32 v25;
	v22 =	vmul.f32 v22, v22;
	v25 =	vpop (erf)  }
0x74: {  	v21 =	vmul.f32 $1.442695020e+00, v21;
	v32 =	vld [tilespmem:s31+$0x230];
	[tilespmem:s0+$0x10230] =	vst v27  }
0x75: {  	v17 =	vmul.f32 $1.442695020e+00, v17;
	v12 =	vmul.f32 v12, v12;
	v27 =	vld [tilespmem:s31+$0x10230]  }
0x76: {  	v22 =	vmul.f32 v26, v22;
	(erf) = vpow2.f32 v24;
	v23 =	vsub.f32 v23, v28  }
0x77: {  	v11 =	vsub.f32 v31, v11;
	v24 =	vsub.f32 v29, v30;
	v26 =	vpop (erf);
	(erf) = vpow2.f32 v21  }
0x78: {  	v21 =	vadd.f32 v22, v4;
	v12 =	vmul.f32 v26, v12;
	v22 =	vmul.f32 v23, v23;
	v4 =	vpop (erf)  }
0x79: {  	v11 =	vmul.f32 v11, v11;
	(erf) = vpow2.f32 v20;
	[tilespmem:s0+$0x10240] =	vst v4;
	v4 =	vmov v18  }
0x7a: {  	v21 =	vmul.f32 $5.000000000e-01, v21;
	v18 =	vsub.f32 v27, v32;
	v20 =	vpop (erf);
	v9 =	vmul.f32 v9, v22  }
0x7b: {  	v11 =	vmul.f32 v25, v11;
	v22 =	vmul.f32 v24, v24;
	v12 =	vadd.f32 v12, v1;
	v1 =	vmovc v16  }
0x7c: {  	v18 =	vmul.f32 v18, v18;
	v16 =	vld [tilespmem:s31+$0x240];
	v23 =	vpop (erf);
	(erf) = vpow2.f32 v17  }
.Ltmp0:
0x7d: {  	v20 =	vmul.f32 v20, v22;
	v12 =	vmul.f32 $5.000000000e-01, v12;
	v22 =	vadd.f32 v9, v0;
	v0 =	vmovc v14;
	v17 =	vld [tilespmem:s31+$0x10240];
	(pc) =	sbr.rel @p0 .LBB2_2-.Ltmp0, $4  }
0x7e: {  	v14 =	vmul.f32 v23, v18;
	v18 =	vsub.f32 $-1.206620570e+00, v21;
	v21 =	vadd.f32 v11, v3;
	v3 =	vmovc v19  }
0x7f: {  	v19 =	vadd.f32 v20, v13;
	v20 =	vsub.f32 $-1.206620570e+00, v12;
	v22 =	vmul.f32 $5.000000000e-01, v22;
	v9 =	vpop (erf)  }
0x80: {  	v11 =	vld [tilespmem:s31+$0x220];
	v13 =	vadd.f32 v14, v15;
	v14 =	vmul.f32 $1.442695020e+00, v18;
	v18 =	vmul.f32 $5.000000000e-01, v21;
	v15 =	vpop (erf)  }
0x81: {  	v19 =	vmul.f32 $5.000000000e-01, v19;
	v20 =	vmul.f32 $1.442695020e+00, v20;
	v12 =	vld [tilespmem:s31+$0x210];
	[tilespmem:s0+$0x10260] =	vst v15;
	v15 =	vsub.f32 $-1.206620570e+00, v22  }
0x82: {  	(erf) = vpow2.f32 v14;
	v14 =	vsub.f32 $-1.206620570e+00, v18;
	_ =	sdelay $0x1  }
0x83: {  	v18 =	vsub.f32 $-1.206620570e+00, v19;
	v14 =	vmul.f32 $1.442695020e+00, v14  }
0x84: {  	(erf) = vpow2.f32 v20  }
0x85: {  	v15 =	vmul.f32 $1.442695020e+00, v15;
	(erf) = vpow2.f32 v14  }
0x86: {  	v14 =	vmul.f32 $1.442695020e+00, v18  }
0x87: {  	v13 =	vmul.f32 $5.000000000e-01, v13;
	v18 =	vpop (erf);
	(erf) = vpow2.f32 v15  }
0x88: {  	v19 =	vpop (erf);
	(erf) = vpow2.f32 v14  }
0x89: {  	v13 =	vsub.f32 $-1.206620570e+00, v13;
	_ =	sdelay $0x1  }
0x8a: {  	v13 =	vmul.f32 $1.442695020e+00, v13  }
0x8b: {  	v20 =	vld [tilespmem:s31+$0x200];
	v14 =	vpop (erf);
	(erf) = vpow2.f32 v10  }
0x8c: {  	v15 =	vld [tilespmem:s31+$0x10260];
	[tilespmem:s0+$0x10200] =	vst v14;
	v14 =	vpop (erf);
	(erf) = vpow2.f32 v13  }
0x8d: {  	v21 =	vld [tilespmem:s31+$0x10200];
	[tilespmem:s0+$0x10210] =	vst v14;
	v14 =	vpop (erf);
	(erf) = vpow2.f32 v8  }
0x8e: {  	v10 =	vld [tilespmem:s31+$0x10210];
	(erf) = vpow2.f32 v7  }
0x8f: {  	v13 =	vld [tilespmem:s31+$0x270];
	[tilespmem:s0+$0x10220] =	vst v14;
	v7 =	vpop (erf)  }
0x90: {  	v8 =	vld [tilespmem:s31+$0x10220];
	v14 =	vpop (erf);
	[tilespmem:s0+$0x10270] =	vst v7  }
0x91: {  	v7 =	vsub.f32 v17, v16;
	[tilespmem:s31+$0x10250] =	vst v14;
	v14 =	vld [tilespmem:s31+$0x10270]  }
0x92: {  	v6 =	vsub.f32 v15, v6  }
0x93: {  	v15 =	vsub.f32 v21, v20;
	v7 =	vmul.f32 v7, v7  }
0x94: {  	v6 =	vmul.f32 v6, v6;
	v10 =	vsub.f32 v10, v12;
	v16 =	vpop (erf)  }
0x95: {  	v15 =	vmul.f32 v15, v15;
	v7 =	vmul.f32 v19, v7;
	v12 =	vpop (erf);
	v8 =	vsub.f32 v8, v11  }
0x96: {  	v6 =	vmul.f32 v18, v6;
	v10 =	vmul.f32 v10, v10;
	v13 =	vsub.f32 v14, v13;
	v11 =	vpop (erf)  }
0x97: {  	v5 =	vadd.f32 v7, v5;
	v7 =	vmul.f32 v16, v15;
	v8 =	vmul.f32 v8, v8;
	v14 =	vpop (erf)  }
0x98: {  	v2 =	vadd.f32 v6, v2;
	v6 =	vmul.f32 v14, v10;
	v10 =	vmul.f32 v13, v13  }
0x99: {  	v5 =	vmul.f32 $5.000000000e-01, v5;
	v4 =	vadd.f32 v7, v4;
	v7 =	vmul.f32 v11, v8  }
0x9a: {  	v2 =	vmul.f32 $5.000000000e-01, v2;
	v8 =	vmul.f32 v9, v10;
	v1 =	vadd.f32 v6, v1  }
0x9b: {  	v5 =	vsub.f32 $-1.206620570e+00, v5;
	v4 =	vmul.f32 $5.000000000e-01, v4;
	v3 =	vadd.f32 v7, v3  }
0x9c: {  	v2 =	vsub.f32 $-1.206620570e+00, v2;
	v1 =	vmul.f32 $5.000000000e-01, v1;
	v0 =	vadd.f32 v8, v0  }
0x9d: {  	v5 =	vmul.f32 $1.442695020e+00, v5;
	v4 =	vsub.f32 $-1.206620570e+00, v4;
	v3 =	vmul.f32 $5.000000000e-01, v3  }
0x9e: {  	v2 =	vmul.f32 $1.442695020e+00, v2;
	v1 =	vsub.f32 $-1.206620570e+00, v1;
	v0 =	vmul.f32 $5.000000000e-01, v0  }
0x9f: {  	(erf) = vpow2.f32 v5;
	v4 =	vmul.f32 $1.442695020e+00, v4;
	v3 =	vsub.f32 $-1.206620570e+00, v3  }
0xa0: {  	(erf) = vpow2.f32 v2;
	v1 =	vmul.f32 $1.442695020e+00, v1;
	v0 =	vsub.f32 $-1.206620570e+00, v0  }
0xa1: {  	(erf) = vpow2.f32 v4;
	v2 =	vmul.f32 $1.442695020e+00, v3  }
0xa2: {  	(erf) = vpow2.f32 v1;
	v0 =	vmul.f32 $1.442695020e+00, v0  }
0xa3: {  	(erf) = vpow2.f32 v2  }
0xa4: {  	(erf) = vpow2.f32 v0;
	_ =	sdelay $0x3  }
0xa5: {  	[tilespmem:s31+$0x10230] =	vst v12;
	v0 =	vpop (erf)  }
0xa6: {  	[tilespmem:s31+$0x10240] =	vst v0;
	v0 =	vpop (erf)  }
0xa7: {  	[tilespmem:s31+$0x10260] =	vst v0;
	v0 =	vpop (erf)  }
0xa8: {  	[tilespmem:s31+$0x10200] =	vst v0;
	v0 =	vpop (erf)  }
0xa9: {  	[tilespmem:s31+$0x10210] =	vst v0;
	v0 =	vpop (erf)  }
0xaa: {  	[tilespmem:s31+$0x10220] =	vst v0;
	v0 =	vpop (erf)  }
0xab: {  	s17 =	simm.s32 $0x0;
	[tilespmem:s31+$0x10270] =	vst v0  }
0xac: {  	[hbm4b:s8+s17] =	stream.linear.scatter [tilespmem:s19], [sflag:$0x3], $0x4000, $0x38;
	[tilespmem:$0x18200] =	vst v63  }
0xad: {  	_ =	swait.ge [sflag:s24], $0x4000  }
0xae: {  	[sflag:s24] =	ssyncset.done $0x0  }
0xaf: {  	[sflag:s24] =	ssyncadd.s32 $0xFFFFC000  }
0xb0: {  	_ =	swait.ge [sflag:s24], $0x4000  }
0xb1: {  	[sflag:s24] =	ssyncset.done $0x0  }
0xb2: {  	[sflag:s24] =	ssyncadd.s32 $0xFFFFC000  }
0xb3: {  	_ =	swait.ge [sflag:s24], $0x4000  }
0xb4: {  	[sflag:s24] =	ssyncset.done $0x0  }
0xb5: {  	[sflag:s24] =	ssyncadd.s32 $0xFFFFC000  }
0xb6: {  	_ =	swait.ge [sflag:s25], $0x4000  }
0xb7: {  	[sflag:s25] =	ssyncset.done $0x0  }
0xb8: {  	s4 =	simm.s32 $0x200;
	[sflag:s25] =	ssyncadd.s32 $0xFFFFC000  }
0xb9: {  	[tilespmem:s4], [sflag:$0x1] =	stream.indirect.gather [hbm4b:s1+s16], $0x80, s26, s16, $0xb8;
	[tilespmem:$0x18200] =	vst v63  }
0xba: {  	_ = 	snop  }
0xbb: {  	[tilespmem:s18], [sflag:$0x1] =	stream.indirect.gather [hbm4b:s2+s16], $0x80, s26, s16, $0xb8;
	[tilespmem:$0x18200] =	vst v63  }
0xbc: {  	s0 =	simm.s32 $0x0  }
0xbd: {  	[tilespmem:s19], [sflag:$0x1] =	stream.linear.gather [hbm4b:s9+s17], $0x4000, $0x38;
	[tilespmem:$0x18200] =	vst v63  }
0xbe: {  	v0 =	vld [tilespmem:s0+$0xC250];
	_ =	sdelay $0x4  }
0xbf: {  	v2 =	vld [tilespmem:s0+$0xC230];
	v1 =	vsub.f32 $0.0e+00, v0;
	_ =	sdelay $0x1  }
0xc0: {  	v9 =	vld [tilespmem:s0+$0xC270];
	v1 =	vmul.f32 $1.442695020e+00, v1  }
0xc1: {  	v4 =	vld [tilespmem:s0+$0x4250]  }
0xc2: {  	(erf) = vpow2.f32 v1;
	v1 =	vld [tilespmem:s0+$0x14250]  }
0xc3: {  	v3 =	vsub.f32 $0.0e+00, v2  }
0xc4: {  	v7 =	vld [tilespmem:s0+$0xC260]  }
0xc5: {  	v6 =	vld [tilespmem:s0+$0xC240];
	v5 =	vsub.f32 $0.0e+00, v9;
	v3 =	vmul.f32 $1.442695020e+00, v3;
	_ =	sdelay $0x1  }
0xc6: {  	v8 =	vld [tilespmem:s0+$0x14230];
	(erf) = vpow2.f32 v3;
	v1 =	vsub.f32 v1, v4;
	v4 =	vmul.f32 $1.442695020e+00, v5  }
0xc7: {  	v3 =	vld [tilespmem:s0+$0x4230]  }
0xc8: {  	v10 =	vsub.f32 $0.0e+00, v7  }
0xc9: {  	v5 =	vsub.f32 $0.0e+00, v6;
	v1 =	vmul.f32 v1, v1  }
0xca: {  	v12 =	vld [tilespmem:s0+$0xC210];
	v10 =	vmul.f32 $1.442695020e+00, v10;
	(erf) = vpow2.f32 v4;
	v4 =	vpop (erf)  }
0xcb: {  	v13 =	vld [tilespmem:s0+$0xC200];
	v5 =	vmul.f32 $1.442695020e+00, v5;
	v1 =	vmul.f32 v4, v1  }
0xcc: {  	v11 =	vld [tilespmem:s0+$0xC220];
	v3 =	vsub.f32 v8, v3;
	(erf) = vpow2.f32 v10  }
0xcd: {  	v8 =	vld [tilespmem:s0+$0x4240];
	(erf) = vpow2.f32 v5  }
0xce: {  	v3 =	vmul.f32 v3, v3;
	v4 =	vld [tilespmem:s0+$0x14240]  }
0xcf: {  	v14 =	vld [tilespmem:s0+$0x4260];
	v0 =	vadd.f32 v1, v0;
	v1 =	vpop (erf)  }
0xd0: {  	v5 =	vld [tilespmem:s0+$0x14260];
	v3 =	vmul.f32 v1, v3  }
0xd1: {  	v15 =	vld [tilespmem:s0+$0x4220]  }
0xd2: {  	s31 =	simm.s32 $0x80;
	v16 =	vld [tilespmem:s0+$0x4210];
	v0 =	vmul.f32 $5.000000000e-01, v0;
	v2 =	vadd.f32 v3, v2  }
0xd3: {  	v18 =	vld [tilespmem:s31+$0xC250];
	v21 =	vsub.f32 $0.0e+00, v11;
	v4 =	vsub.f32 v4, v8  }
0xd4: {  	v23 =	vld [tilespmem:s31+$0xC230];
	v10 =	vsub.f32 $0.0e+00, v13;
	v17 =	vpop (erf);
	v3 =	vsub.f32 $-1.206620570e+00, v0;
	v8 =	vmul.f32 $5.000000000e-01, v2  }
0xd5: {  	v24 =	vld [tilespmem:s0+$0x4200];
	v21 =	vmul.f32 $1.442695020e+00, v21;
	v14 =	vsub.f32 v5, v14;
	v19 =	vpop (erf);
	v20 =	vmul.f32 v4, v4  }
0xd6: {  	v25 =	vld [tilespmem:s0+$0x14210];
	v10 =	vmul.f32 $1.442695020e+00, v10;
	v22 =	vpop (erf);
	v3 =	vmul.f32 $1.442695020e+00, v3;
	v8 =	vsub.f32 $-1.206620570e+00, v8  }
0xd7: {  	v27 =	vld [tilespmem:s0+$0x4270];
	v14 =	vmul.f32 v14, v14;
	v20 =	vmul.f32 v22, v20  }
0xd8: {  	v28 =	vld [tilespmem:s31+$0x4250];
	(erf) = vpow2.f32 v3;
	v8 =	vmul.f32 $1.442695020e+00, v8  }
0xd9: {  	v22 =	vsub.f32 $0.0e+00, v12;
	v3 =	vld [tilespmem:s31+$0xC220];
	v20 =	vadd.f32 v20, v6;
	(erf) = vpow2.f32 v10  }
0xda: {  	v30 =	vld [tilespmem:s0+$0x14220];
	v14 =	vmul.f32 v19, v14;
	(erf) = vpow2.f32 v8  }
0xdb: {  	v19 =	vld [tilespmem:s0+$0x14200];
	v10 =	vmul.f32 $1.442695020e+00, v22;
	v8 =	vmul.f32 $5.000000000e-01, v20  }
0xdc: {  	v0 =	vld [tilespmem:s31+$0xC270];
	(erf) = vpow2.f32 v21  }
0xdd: {  	v55 =	vld [tilespmem:s0+$0x14270];
	v22 =	vsub.f32 $0.0e+00, v18;
	v8 =	vsub.f32 $-1.206620570e+00, v8;
	(erf) = vpow2.f32 v10  }
0xde: {  	v5 =	vld [tilespmem:s31+$0xC240];
	v7 =	vadd.f32 v14, v7;
	v14 =	vsub.f32 $0.0e+00, v3  }
0xdf: {  	v26 =	vsub.f32 $0.0e+00, v23;
	v1 =	vld [tilespmem:s31+$0xC210];
	v21 =	vmul.f32 $1.442695020e+00, v22;
	v10 =	vmul.f32 $1.442695020e+00, v8  }
0xe0: {  	v4 =	vld [tilespmem:s31+$0xC200];
	v19 =	vsub.f32 v19, v24;
	v8 =	vmul.f32 $1.442695020e+00, v14;
	v14 =	vmul.f32 $5.000000000e-01, v7  }
0xe1: {  	v26 =	vmul.f32 $1.442695020e+00, v26;
	v2 =	vld [tilespmem:s31+$0xC260];
	v22 =	vsub.f32 $0.0e+00, v0;
	v31 =	vpop (erf)  }
0xe2: {  	v6 =	vld [tilespmem:s31+$0x4260];
	v19 =	vmul.f32 v19, v19;
	[tilespmem:s0+$0x14250] =	vst v31;
	(erf) = vpow2.f32 v10;
	v56 =	vpop (erf);
	v14 =	vsub.f32 $-1.206620570e+00, v14  }
0xe3: {  	v16 =	vsub.f32 v25, v16;
	v22 =	vmul.f32 $1.442695020e+00, v22;
	v57 =	vld [tilespmem:s31+$0x14250];
	(erf) = vpow2.f32 v21;
	v21 =	vpop (erf)  }
0xe4: {  	v15 =	vsub.f32 v30, v15;
	v58 =	vld [tilespmem:s31+$0x4230];
	v14 =	vmul.f32 $1.442695020e+00, v14;
	(erf) = vpow2.f32 v26;
	[tilespmem:s0+$0x14230] =	vst v21  }
0xe5: {  	v16 =	vmul.f32 v16, v16;
	v60 =	vpop (erf);
	(erf) = vpow2.f32 v22;
	v22 =	vsub.f32 v55, v27;
	v59 =	vld [tilespmem:s31+$0x14230]  }
0xe6: {  	v20 =	vsub.f32 $0.0e+00, v2;
	v19 =	vmul.f32 v56, v19;
	v61 =	vpop (erf);
	(erf) = vpow2.f32 v14  }
0xe7: {  	v21 =	vsub.f32 $0.0e+00, v5;
	v14 =	vmul.f32 v61, v16;
	v16 =	vmul.f32 v22, v22  }
0xe8: {  	v15 =	vmul.f32 v15, v15;
	v20 =	vmul.f32 $1.442695020e+00, v20  }
0xe9: {  	v13 =	vadd.f32 v19, v13;
	v21 =	vmul.f32 $1.442695020e+00, v21  }
0xea: {  	(erf) = vpow2.f32 v20;
	v20 =	vsub.f32 v59, v58  }
0xeb: {  	v13 =	vmul.f32 $5.000000000e-01, v13;
	v19 =	vsub.f32 v57, v28;
	v17 =	vmul.f32 v17, v16;
	v16 =	vpop (erf)  }
0xec: {  	v12 =	vadd.f32 v14, v12;
	v14 =	vmul.f32 v60, v15;
	v15 =	vpop (erf);
	v20 =	vmul.f32 v20, v20  }
0xed: {  	v32 =	vsub.f32 $0.0e+00, v1;
	v19 =	vmul.f32 v19, v19;
	[tilespmem:s0+$0x14240] =	vst v16;
	(erf) = vpow2.f32 v21;
	v21 =	vpop (erf)  }
0xee: {  	v29 =	vsub.f32 $0.0e+00, v4;
	v16 =	vld [tilespmem:s31+$0x4240];
	v20 =	vmul.f32 v21, v20;
	v21 =	vsub.f32 $-1.206620570e+00, v13  }
0xef: {  	v12 =	vmul.f32 $5.000000000e-01, v12;
	v15 =	vmul.f32 v15, v19;
	v19 =	vadd.f32 v17, v9;
	v17 =	vld [tilespmem:s31+$0x14240]  }
0xf0: {  	v7 =	vmul.f32 $1.442695020e+00, v32;
	v10 =	vmul.f32 $1.442695020e+00, v29;
	v22 =	vadd.f32 v14, v11  }
0xf1: {  	v62 =	vsub.f32 $-1.206620570e+00, v12;
	v9 =	vpop (erf);
	v15 =	vadd.f32 v15, v18;
	v63 =	vmul.f32 $5.000000000e-01, v19  }
0xf2: {  	s4 =	simm.s32 $0x400;
	v11 =	vld [tilespmem:s31+$0x4220];
	v18 =	vmul.f32 $5.000000000e-01, v22;
	v13 =	vadd.f32 v20, v23;
	v14 =	vmul.f32 $1.442695020e+00, v21;
	v21 =	vpop (erf)  }
0xf3: {  	v12 =	vld [tilespmem:s31+$0x4210];
	v19 =	vmul.f32 $5.000000000e-01, v15;
	v20 =	vmul.f32 $1.442695020e+00, v62;
	v15 =	vsub.f32 $-1.206620570e+00, v63;
	[tilespmem:s0+$0x14260] =	vst v21  }
.LBB2_4:
0xf4: {  	s17 =	sshra.s32 s4, $0x2;
	p0 =	sne.s32 s4, $0xFE00;
	s4 =	sadd.s32 $0x200, s4;
	v17 =	vsub.f32 v17, v16;
	v21 =	vld [tilespmem:s31+$0x14260];
	v22 =	vpop (erf);
	v18 =	vsub.f32 $-1.206620570e+00, v18;
	(erf) = vpow2.f32 v14  }
0xf5: {  	v23 =	vmul.f32 $5.000000000e-01, v13;
	v16 =	vld [tilespmem:s17+$0xC210];
	v19 =	vsub.f32 $-1.206620570e+00, v19;
	(erf) = vpow2.f32 v20  }
0xf6: {  	v14 =	vld [tilespmem:s17+$0xC270];
	v17 =	vmul.f32 v17, v17;
	v18 =	vmul.f32 $1.442695020e+00, v18  }
0xf7: {  	v15 =	vmul.f32 $1.442695020e+00, v15;
	v13 =	vld [tilespmem:s17+$0xC250];
	v19 =	vmul.f32 $1.442695020e+00, v19;
	v20 =	vpop (erf)  }
0xf8: {  	v23 =	vsub.f32 $-1.206620570e+00, v23;
	v24 =	vld [tilespmem:s17+$0xC260];
	v17 =	vmul.f32 v20, v17;
	(erf) = vpow2.f32 v18  }
0xf9: {  	v18 =	vld [tilespmem:s17+$0xC200];
	v6 =	vsub.f32 v21, v6;
	(erf) = vpow2.f32 v15  }
0xfa: {  	v20 =	vmul.f32 $1.442695020e+00, v23;
	v15 =	vld [tilespmem:s17+$0xC230];
	v17 =	vadd.f32 v17, v5;
	(erf) = vpow2.f32 v19  }
0xfb: {  	v19 =	vld [tilespmem:s17+$0xC220];
	v21 =	vmul.f32 v6, v6;
	(erf) = vpow2.f32 v10  }
0xfc: {  	v5 =	vld [tilespmem:s17+$0xC240];
	v10 =	vsub.f32 $0.0e+00, v13;
	v17 =	vmul.f32 $5.000000000e-01, v17;
	(erf) = vpow2.f32 v20  }
0xfd: {  	v6 =	vld [tilespmem:s17+$0x4260];
	v20 =	vsub.f32 $0.0e+00, v24;
	v21 =	vmul.f32 v22, v21;
	(erf) = vpow2.f32 v8;
	v8 =	vpop (erf)  }
0xfe: {  	v22 =	vmul.f32 $1.442695020e+00, v10;
	v10 =	vsub.f32 $0.0e+00, v14;
	v23 =	vld [tilespmem:s31+$0x4200];
	v17 =	vsub.f32 $-1.206620570e+00, v17;
	[tilespmem:s0+$0x14200] =	vst v8;
	v8 =	vpop (erf)  }
0xff: {  	v25 =	vsub.f32 $0.0e+00, v15;
	v20 =	vmul.f32 $1.442695020e+00, v20;
	v26 =	vld [tilespmem:s31+$0x14200];
	v21 =	vadd.f32 v21, v2;
	[tilespmem:s0+$0x14210] =	vst v8;
	v2 =	vmovc v24  }
0x100: {  	v8 =	vsub.f32 $0.0e+00, v19;
	v24 =	vmul.f32 $1.442695020e+00, v10;
	v27 =	vld [tilespmem:s31+$0x14210];
	v10 =	vmul.f32 $1.442695020e+00, v17  }
0x101: {  	v17 =	vsub.f32 $0.0e+00, v18;
	v25 =	vmul.f32 $1.442695020e+00, v25;
	v28 =	vld [tilespmem:s31+$0x4270];
	(erf) = vpow2.f32 v7;
	v7 =	vpop (erf)  }
0x102: {  	v29 =	vsub.f32 $0.0e+00, v16;
	v8 =	vmul.f32 $1.442695020e+00, v8;
	v30 =	vld [tilespmem:s17+$0x4250];
	(erf) = vpow2.f32 v10;
	[tilespmem:s0+$0x14220] =	vst v7;
	v7 =	vpop (erf)  }
0x103: {  	v21 =	vmul.f32 $5.000000000e-01, v21;
	v10 =	vmul.f32 $1.442695020e+00, v17;
	v17 =	vsub.f32 $0.0e+00, v5;
	v31 =	vld [tilespmem:s31+$0x14220];
	v32 =	vpop (erf);
	[tilespmem:s0+$0x14270] =	vst v7;
	s0 =	smov.u32 s31;
	s31 =	smov.u32 s17  }
0x104: {  	v7 =	vmul.f32 $1.442695020e+00, v29;
	(erf) = vpow2.f32 v22;
	v22 =	vsub.f32 v26, v23;
	[tilespmem:s0+$0x14250] =	vst v32;
	v23 =	vld [tilespmem:s0+$0x14270];
	v26 =	vpop (erf)  }
0x105: {  	v21 =	vsub.f32 $-1.206620570e+00, v21;
	v29 =	vld [tilespmem:s31+$0x14250];
	v12 =	vsub.f32 v27, v12;
	v27 =	vpop (erf)  }
0x106: {  	(erf) = vpow2.f32 v25;
	v22 =	vmul.f32 v22, v22;
	v25 =	vpop (erf)  }
0x107: {  	v21 =	vmul.f32 $1.442695020e+00, v21;
	v32 =	vld [tilespmem:s31+$0x4230];
	[tilespmem:s0+$0x14230] =	vst v27  }
0x108: {  	v17 =	vmul.f32 $1.442695020e+00, v17;
	v12 =	vmul.f32 v12, v12;
	v27 =	vld [tilespmem:s31+$0x14230]  }
0x109: {  	v22 =	vmul.f32 v26, v22;
	(erf) = vpow2.f32 v24;
	v23 =	vsub.f32 v23, v28  }
0x10a: {  	v11 =	vsub.f32 v31, v11;
	v24 =	vsub.f32 v29, v30;
	v26 =	vpop (erf);
	(erf) = vpow2.f32 v21  }
0x10b: {  	v21 =	vadd.f32 v22, v4;
	v12 =	vmul.f32 v26, v12;
	v22 =	vmul.f32 v23, v23;
	v4 =	vpop (erf)  }
0x10c: {  	v11 =	vmul.f32 v11, v11;
	(erf) = vpow2.f32 v20;
	[tilespmem:s0+$0x14240] =	vst v4;
	v4 =	vmov v18  }
0x10d: {  	v21 =	vmul.f32 $5.000000000e-01, v21;
	v18 =	vsub.f32 v27, v32;
	v20 =	vpop (erf);
	v9 =	vmul.f32 v9, v22  }
0x10e: {  	v11 =	vmul.f32 v25, v11;
	v22 =	vmul.f32 v24, v24;
	v12 =	vadd.f32 v12, v1;
	v1 =	vmovc v16  }
0x10f: {  	v18 =	vmul.f32 v18, v18;
	v16 =	vld [tilespmem:s31+$0x4240];
	v23 =	vpop (erf);
	(erf) = vpow2.f32 v17  }
.Ltmp1:
0x110: {  	v20 =	vmul.f32 v20, v22;
	v12 =	vmul.f32 $5.000000000e-01, v12;
	v22 =	vadd.f32 v9, v0;
	v0 =	vmovc v14;
	v17 =	vld [tilespmem:s31+$0x14240];
	(pc) =	sbr.rel @p0 .LBB2_4-.Ltmp1, $4  }
0x111: {  	v14 =	vmul.f32 v23, v18;
	v18 =	vsub.f32 $-1.206620570e+00, v21;
	v21 =	vadd.f32 v11, v3;
	v3 =	vmovc v19  }
0x112: {  	v19 =	vadd.f32 v20, v13;
	v20 =	vsub.f32 $-1.206620570e+00, v12;
	v22 =	vmul.f32 $5.000000000e-01, v22;
	v9 =	vpop (erf)  }
0x113: {  	v11 =	vld [tilespmem:s31+$0x4220];
	v13 =	vadd.f32 v14, v15;
	v14 =	vmul.f32 $1.442695020e+00, v18;
	v18 =	vmul.f32 $5.000000000e-01, v21;
	v15 =	vpop (erf)  }
0x114: {  	v19 =	vmul.f32 $5.000000000e-01, v19;
	v20 =	vmul.f32 $1.442695020e+00, v20;
	v12 =	vld [tilespmem:s31+$0x4210];
	[tilespmem:s0+$0x14260] =	vst v15;
	v15 =	vsub.f32 $-1.206620570e+00, v22  }
0x115: {  	(erf) = vpow2.f32 v14;
	v14 =	vsub.f32 $-1.206620570e+00, v18;
	_ =	sdelay $0x1  }
0x116: {  	v18 =	vsub.f32 $-1.206620570e+00, v19;
	v14 =	vmul.f32 $1.442695020e+00, v14  }
0x117: {  	(erf) = vpow2.f32 v20  }
0x118: {  	v15 =	vmul.f32 $1.442695020e+00, v15;
	(erf) = vpow2.f32 v14  }
0x119: {  	v14 =	vmul.f32 $1.442695020e+00, v18  }
0x11a: {  	v13 =	vmul.f32 $5.000000000e-01, v13;
	v18 =	vpop (erf);
	(erf) = vpow2.f32 v15  }
0x11b: {  	v19 =	vpop (erf);
	(erf) = vpow2.f32 v14  }
0x11c: {  	v13 =	vsub.f32 $-1.206620570e+00, v13;
	_ =	sdelay $0x1  }
0x11d: {  	v13 =	vmul.f32 $1.442695020e+00, v13  }
0x11e: {  	v20 =	vld [tilespmem:s31+$0x4200];
	v14 =	vpop (erf);
	(erf) = vpow2.f32 v10  }
0x11f: {  	v15 =	vld [tilespmem:s31+$0x14260];
	[tilespmem:s0+$0x14200] =	vst v14;
	v14 =	vpop (erf);
	(erf) = vpow2.f32 v13  }
0x120: {  	v21 =	vld [tilespmem:s31+$0x14200];
	[tilespmem:s0+$0x14210] =	vst v14;
	v14 =	vpop (erf);
	(erf) = vpow2.f32 v8  }
0x121: {  	v10 =	vld [tilespmem:s31+$0x14210];
	(erf) = vpow2.f32 v7  }
0x122: {  	v13 =	vld [tilespmem:s31+$0x4270];
	[tilespmem:s0+$0x14220] =	vst v14;
	v7 =	vpop (erf)  }
0x123: {  	v8 =	vld [tilespmem:s31+$0x14220];
	v14 =	vpop (erf);
	[tilespmem:s0+$0x14270] =	vst v7  }
0x124: {  	v7 =	vsub.f32 v17, v16;
	[tilespmem:s31+$0x14250] =	vst v14;
	v14 =	vld [tilespmem:s31+$0x14270]  }
0x125: {  	v6 =	vsub.f32 v15, v6  }
0x126: {  	v15 =	vsub.f32 v21, v20;
	v7 =	vmul.f32 v7, v7  }
0x127: {  	v6 =	vmul.f32 v6, v6;
	v10 =	vsub.f32 v10, v12;
	v16 =	vpop (erf)  }
0x128: {  	v15 =	vmul.f32 v15, v15;
	v7 =	vmul.f32 v19, v7;
	v12 =	vpop (erf);
	v8 =	vsub.f32 v8, v11  }
0x129: {  	v6 =	vmul.f32 v18, v6;
	v10 =	vmul.f32 v10, v10;
	v13 =	vsub.f32 v14, v13;
	v11 =	vpop (erf)  }
0x12a: {  	v5 =	vadd.f32 v7, v5;
	v7 =	vmul.f32 v16, v15;
	v8 =	vmul.f32 v8, v8;
	v14 =	vpop (erf)  }
0x12b: {  	v2 =	vadd.f32 v6, v2;
	v6 =	vmul.f32 v14, v10;
	v10 =	vmul.f32 v13, v13  }
0x12c: {  	v5 =	vmul.f32 $5.000000000e-01, v5;
	v4 =	vadd.f32 v7, v4;
	v7 =	vmul.f32 v11, v8  }
0x12d: {  	v2 =	vmul.f32 $5.000000000e-01, v2;
	v8 =	vmul.f32 v9, v10;
	v1 =	vadd.f32 v6, v1  }
0x12e: {  	v5 =	vsub.f32 $-1.206620570e+00, v5;
	v4 =	vmul.f32 $5.000000000e-01, v4;
	v3 =	vadd.f32 v7, v3  }
0x12f: {  	v2 =	vsub.f32 $-1.206620570e+00, v2;
	v1 =	vmul.f32 $5.000000000e-01, v1;
	v0 =	vadd.f32 v8, v0  }
0x130: {  	v5 =	vmul.f32 $1.442695020e+00, v5;
	v4 =	vsub.f32 $-1.206620570e+00, v4;
	v3 =	vmul.f32 $5.000000000e-01, v3  }
0x131: {  	v2 =	vmul.f32 $1.442695020e+00, v2;
	v1 =	vsub.f32 $-1.206620570e+00, v1;
	v0 =	vmul.f32 $5.000000000e-01, v0  }
0x132: {  	(erf) = vpow2.f32 v5;
	v4 =	vmul.f32 $1.442695020e+00, v4;
	v3 =	vsub.f32 $-1.206620570e+00, v3  }
0x133: {  	(erf) = vpow2.f32 v2;
	v1 =	vmul.f32 $1.442695020e+00, v1;
	v0 =	vsub.f32 $-1.206620570e+00, v0  }
0x134: {  	(erf) = vpow2.f32 v4;
	v2 =	vmul.f32 $1.442695020e+00, v3  }
0x135: {  	(erf) = vpow2.f32 v1;
	v0 =	vmul.f32 $1.442695020e+00, v0  }
0x136: {  	(erf) = vpow2.f32 v2  }
0x137: {  	(erf) = vpow2.f32 v0;
	_ =	sdelay $0x3  }
0x138: {  	[tilespmem:s31+$0x14230] =	vst v12;
	v0 =	vpop (erf)  }
0x139: {  	[tilespmem:s31+$0x14240] =	vst v0;
	v0 =	vpop (erf)  }
0x13a: {  	[tilespmem:s31+$0x14260] =	vst v0;
	v0 =	vpop (erf)  }
0x13b: {  	[tilespmem:s31+$0x14200] =	vst v0;
	v0 =	vpop (erf)  }
0x13c: {  	[tilespmem:s31+$0x14210] =	vst v0;
	v0 =	vpop (erf)  }
0x13d: {  	[tilespmem:s31+$0x14220] =	vst v0;
	v0 =	vpop (erf)  }
0x13e: {  	s17 =	simm.s32 $0x0;
	[tilespmem:s31+$0x14270] =	vst v0  }
0x13f: {  	[hbm4b:s10+s17] =	stream.linear.scatter [tilespmem:s23], [sflag:$0x4], $0x4000, $0x38;
	[tilespmem:$0x18200] =	vst v63  }
0x140: {  	_ =	swait.ge [sflag:s20], $0x4000  }
0x141: {  	[sflag:s20] =	ssyncset.done $0x0  }
0x142: {  	[sflag:s20] =	ssyncadd.s32 $0xFFFFC000  }
0x143: {  	_ =	swait.ge [sflag:s20], $0x4000  }
0x144: {  	[sflag:s20] =	ssyncset.done $0x0  }
0x145: {  	[sflag:s20] =	ssyncadd.s32 $0xFFFFC000  }
0x146: {  	_ =	swait.ge [sflag:s20], $0x4000  }
0x147: {  	[sflag:s20] =	ssyncset.done $0x0  }
0x148: {  	[sflag:s20] =	ssyncadd.s32 $0xFFFFC000  }
0x149: {  	_ =	swait.ge [sflag:s28], $0x4000  }
0x14a: {  	[sflag:s28] =	ssyncset.done $0x0  }
0x14b: {  	[sflag:s28] =	ssyncadd.s32 $0xFFFFC000  }
0x14c: {  	[tilespmem:s21], [sflag:$0x2] =	stream.indirect.gather [hbm4b:s1+s16], $0x80, s29, s16, $0xb8;
	[tilespmem:$0x18200] =	vst v63  }
0x14d: {  	_ = 	snop  }
0x14e: {  	[tilespmem:s22], [sflag:$0x2] =	stream.indirect.gather [hbm4b:s2+s16], $0x80, s29, s16, $0xb8;
	[tilespmem:$0x18200] =	vst v63  }
0x14f: {  	s0 =	simm.s32 $0x0  }
0x150: {  	[tilespmem:s23], [sflag:$0x2] =	stream.linear.gather [hbm4b:s11+s17], $0x4000, $0x38;
	[tilespmem:$0x18200] =	vst v63  }
0x151: {  	v0 =	vld [tilespmem:s0+$0x8250];
	_ =	sdelay $0x4  }
0x152: {  	v2 =	vld [tilespmem:s0+$0x8230];
	v1 =	vsub.f32 $0.0e+00, v0;
	_ =	sdelay $0x1  }
0x153: {  	v9 =	vld [tilespmem:s0+$0x8270];
	v1 =	vmul.f32 $1.442695020e+00, v1  }
0x154: {  	v4 =	vld [tilespmem:s0+$0x250]  }
0x155: {  	(erf) = vpow2.f32 v1;
	v1 =	vld [tilespmem:s0+$0x10250]  }
0x156: {  	v3 =	vsub.f32 $0.0e+00, v2  }
0x157: {  	v7 =	vld [tilespmem:s0+$0x8260]  }
0x158: {  	v6 =	vld [tilespmem:s0+$0x8240];
	v5 =	vsub.f32 $0.0e+00, v9;
	v3 =	vmul.f32 $1.442695020e+00, v3;
	_ =	sdelay $0x1  }
0x159: {  	v8 =	vld [tilespmem:s0+$0x10230];
	(erf) = vpow2.f32 v3;
	v1 =	vsub.f32 v1, v4;
	v4 =	vmul.f32 $1.442695020e+00, v5  }
0x15a: {  	v3 =	vld [tilespmem:s0+$0x230]  }
0x15b: {  	v10 =	vsub.f32 $0.0e+00, v7  }
0x15c: {  	v5 =	vsub.f32 $0.0e+00, v6;
	v1 =	vmul.f32 v1, v1  }
0x15d: {  	v12 =	vld [tilespmem:s0+$0x8210];
	v10 =	vmul.f32 $1.442695020e+00, v10;
	(erf) = vpow2.f32 v4;
	v4 =	vpop (erf)  }
0x15e: {  	v13 =	vld [tilespmem:s0+$0x8200];
	v5 =	vmul.f32 $1.442695020e+00, v5;
	v1 =	vmul.f32 v4, v1  }
0x15f: {  	v11 =	vld [tilespmem:s0+$0x8220];
	v3 =	vsub.f32 v8, v3;
	(erf) = vpow2.f32 v10  }
0x160: {  	v8 =	vld [tilespmem:s0+$0x240];
	(erf) = vpow2.f32 v5  }
0x161: {  	v3 =	vmul.f32 v3, v3;
	v4 =	vld [tilespmem:s0+$0x10240]  }
0x162: {  	v14 =	vld [tilespmem:s0+$0x260];
	v0 =	vadd.f32 v1, v0;
	v1 =	vpop (erf)  }
0x163: {  	v5 =	vld [tilespmem:s0+$0x10260];
	v3 =	vmul.f32 v1, v3  }
0x164: {  	v15 =	vld [tilespmem:s0+$0x220]  }
0x165: {  	s31 =	simm.s32 $0x80;
	v16 =	vld [tilespmem:s0+$0x210];
	v0 =	vmul.f32 $5.000000000e-01, v0;
	v2 =	vadd.f32 v3, v2  }
0x166: {  	v18 =	vld [tilespmem:s31+$0x8250];
	v21 =	vsub.f32 $0.0e+00, v11;
	v4 =	vsub.f32 v4, v8  }
0x167: {  	v23 =	vld [tilespmem:s31+$0x8230];
	v10 =	vsub.f32 $0.0e+00, v13;
	v17 =	vpop (erf);
	v3 =	vsub.f32 $-1.206620570e+00, v0;
	v8 =	vmul.f32 $5.000000000e-01, v2  }
0x168: {  	v24 =	vld [tilespmem:s0+$0x200];
	v21 =	vmul.f32 $1.442695020e+00, v21;
	v14 =	vsub.f32 v5, v14;
	v19 =	vpop (erf);
	v20 =	vmul.f32 v4, v4  }
0x169: {  	v25 =	vld [tilespmem:s0+$0x10210];
	v10 =	vmul.f32 $1.442695020e+00, v10;
	v22 =	vpop (erf);
	v3 =	vmul.f32 $1.442695020e+00, v3;
	v8 =	vsub.f32 $-1.206620570e+00, v8  }
0x16a: {  	v27 =	vld [tilespmem:s0+$0x270];
	v14 =	vmul.f32 v14, v14;
	v20 =	vmul.f32 v22, v20  }
0x16b: {  	v28 =	vld [tilespmem:s31+$0x250];
	(erf) = vpow2.f32 v3;
	v8 =	vmul.f32 $1.442695020e+00, v8  }
0x16c: {  	v22 =	vsub.f32 $0.0e+00, v12;
	v3 =	vld [tilespmem:s31+$0x8220];
	v20 =	vadd.f32 v20, v6;
	(erf) = vpow2.f32 v10  }
0x16d: {  	v30 =	vld [tilespmem:s0+$0x10220];
	v14 =	vmul.f32 v19, v14;
	(erf) = vpow2.f32 v8  }
0x16e: {  	v19 =	vld [tilespmem:s0+$0x10200];
	v10 =	vmul.f32 $1.442695020e+00, v22;
	v8 =	vmul.f32 $5.000000000e-01, v20  }
0x16f: {  	v0 =	vld [tilespmem:s31+$0x8270];
	(erf) = vpow2.f32 v21  }
0x170: {  	v55 =	vld [tilespmem:s0+$0x10270];
	v22 =	vsub.f32 $0.0e+00, v18;
	v8 =	vsub.f32 $-1.206620570e+00, v8;
	(erf) = vpow2.f32 v10  }
0x171: {  	v5 =	vld [tilespmem:s31+$0x8240];
	v7 =	vadd.f32 v14, v7;
	v14 =	vsub.f32 $0.0e+00, v3  }
0x172: {  	v26 =	vsub.f32 $0.0e+00, v23;
	v1 =	vld [tilespmem:s31+$0x8210];
	v21 =	vmul.f32 $1.442695020e+00, v22;
	v10 =	vmul.f32 $1.442695020e+00, v8  }
0x173: {  	v4 =	vld [tilespmem:s31+$0x8200];
	v19 =	vsub.f32 v19, v24;
	v8 =	vmul.f32 $1.442695020e+00, v14;
	v14 =	vmul.f32 $5.000000000e-01, v7  }
0x174: {  	v26 =	vmul.f32 $1.442695020e+00, v26;
	v2 =	vld [tilespmem:s31+$0x8260];
	v22 =	vsub.f32 $0.0e+00, v0;
	v31 =	vpop (erf)  }
0x175: {  	v6 =	vld [tilespmem:s31+$0x260];
	v19 =	vmul.f32 v19, v19;
	[tilespmem:s0+$0x10250] =	vst v31;
	(erf) = vpow2.f32 v10;
	v56 =	vpop (erf);
	v14 =	vsub.f32 $-1.206620570e+00, v14  }
0x176: {  	v16 =	vsub.f32 v25, v16;
	v22 =	vmul.f32 $1.442695020e+00, v22;
	v57 =	vld [tilespmem:s31+$0x10250];
	(erf) = vpow2.f32 v21;
	v21 =	vpop (erf)  }
0x177: {  	v15 =	vsub.f32 v30, v15;
	v58 =	vld [tilespmem:s31+$0x230];
	v14 =	vmul.f32 $1.442695020e+00, v14;
	(erf) = vpow2.f32 v26;
	[tilespmem:s0+$0x10230] =	vst v21  }
0x178: {  	v16 =	vmul.f32 v16, v16;
	v60 =	vpop (erf);
	(erf) = vpow2.f32 v22;
	v22 =	vsub.f32 v55, v27;
	v59 =	vld [tilespmem:s31+$0x10230]  }
0x179: {  	v20 =	vsub.f32 $0.0e+00, v2;
	v19 =	vmul.f32 v56, v19;
	v61 =	vpop (erf);
	(erf) = vpow2.f32 v14  }
0x17a: {  	v21 =	vsub.f32 $0.0e+00, v5;
	v14 =	vmul.f32 v61, v16;
	v16 =	vmul.f32 v22, v22  }
0x17b: {  	v15 =	vmul.f32 v15, v15;
	v20 =	vmul.f32 $1.442695020e+00, v20  }
0x17c: {  	v13 =	vadd.f32 v19, v13;
	v21 =	vmul.f32 $1.442695020e+00, v21  }
0x17d: {  	(erf) = vpow2.f32 v20;
	v20 =	vsub.f32 v59, v58  }
0x17e: {  	v13 =	vmul.f32 $5.000000000e-01, v13;
	v19 =	vsub.f32 v57, v28;
	v17 =	vmul.f32 v17, v16;
	v16 =	vpop (erf)  }
0x17f: {  	v12 =	vadd.f32 v14, v12;
	v14 =	vmul.f32 v60, v15;
	v15 =	vpop (erf);
	v20 =	vmul.f32 v20, v20  }
0x180: {  	v32 =	vsub.f32 $0.0e+00, v1;
	v19 =	vmul.f32 v19, v19;
	[tilespmem:s0+$0x10240] =	vst v16;
	(erf) = vpow2.f32 v21;
	v21 =	vpop (erf)  }
0x181: {  	v29 =	vsub.f32 $0.0e+00, v4;
	v16 =	vld [tilespmem:s31+$0x240];
	v20 =	vmul.f32 v21, v20;
	v21 =	vsub.f32 $-1.206620570e+00, v13  }
0x182: {  	v12 =	vmul.f32 $5.000000000e-01, v12;
	v15 =	vmul.f32 v15, v19;
	v19 =	vadd.f32 v17, v9;
	v17 =	vld [tilespmem:s31+$0x10240]  }
0x183: {  	v7 =	vmul.f32 $1.442695020e+00, v32;
	v10 =	vmul.f32 $1.442695020e+00, v29;
	v22 =	vadd.f32 v14, v11  }
0x184: {  	v62 =	vsub.f32 $-1.206620570e+00, v12;
	v9 =	vpop (erf);
	v15 =	vadd.f32 v15, v18;
	v63 =	vmul.f32 $5.000000000e-01, v19  }
0x185: {  	s4 =	simm.s32 $0x400;
	v11 =	vld [tilespmem:s31+$0x220];
	v18 =	vmul.f32 $5.000000000e-01, v22;
	v13 =	vadd.f32 v20, v23;
	v14 =	vmul.f32 $1.442695020e+00, v21;
	v21 =	vpop (erf)  }
0x186: {  	v12 =	vld [tilespmem:s31+$0x210];
	v19 =	vmul.f32 $5.000000000e-01, v15;
	v20 =	vmul.f32 $1.442695020e+00, v62;
	v15 =	vsub.f32 $-1.206620570e+00, v63;
	[tilespmem:s0+$0x10260] =	vst v21  }
.LBB2_6:
0x187: {  	s17 =	sshra.s32 s4, $0x2;
	p0 =	sne.s32 s4, $0xFE00;
	s4 =	sadd.s32 $0x200, s4;
	v17 =	vsub.f32 v17, v16;
	v21 =	vld [tilespmem:s31+$0x10260];
	v22 =	vpop (erf);
	v18 =	vsub.f32 $-1.206620570e+00, v18;
	(erf) = vpow2.f32 v14  }
0x188: {  	v23 =	vmul.f32 $5.000000000e-01, v13;
	v16 =	vld [tilespmem:s17+$0x8210];
	v19 =	vsub.f32 $-1.206620570e+00, v19;
	(erf) = vpow2.f32 v20  }
0x189: {  	v14 =	vld [tilespmem:s17+$0x8270];
	v17 =	vmul.f32 v17, v17;
	v18 =	vmul.f32 $1.442695020e+00, v18  }
0x18a: {  	v15 =	vmul.f32 $1.442695020e+00, v15;
	v13 =	vld [tilespmem:s17+$0x8250];
	v19 =	vmul.f32 $1.442695020e+00, v19;
	v20 =	vpop (erf)  }
0x18b: {  	v23 =	vsub.f32 $-1.206620570e+00, v23;
	v24 =	vld [tilespmem:s17+$0x8260];
	v17 =	vmul.f32 v20, v17;
	(erf) = vpow2.f32 v18  }
0x18c: {  	v18 =	vld [tilespmem:s17+$0x8200];
	v6 =	vsub.f32 v21, v6;
	(erf) = vpow2.f32 v15  }
0x18d: {  	v20 =	vmul.f32 $1.442695020e+00, v23;
	v15 =	vld [tilespmem:s17+$0x8230];
	v17 =	vadd.f32 v17, v5;
	(erf) = vpow2.f32 v19  }
0x18e: {  	v19 =	vld [tilespmem:s17+$0x8220];
	v21 =	vmul.f32 v6, v6;
	(erf) = vpow2.f32 v10  }
0x18f: {  	v5 =	vld [tilespmem:s17+$0x8240];
	v10 =	vsub.f32 $0.0e+00, v13;
	v17 =	vmul.f32 $5.000000000e-01, v17;
	(erf) = vpow2.f32 v20  }
0x190: {  	v6 =	vld [tilespmem:s17+$0x260];
	v20 =	vsub.f32 $0.0e+00, v24;
	v21 =	vmul.f32 v22, v21;
	(erf) = vpow2.f32 v8;
	v8 =	vpop (erf)  }
0x191: {  	v22 =	vmul.f32 $1.442695020e+00, v10;
	v10 =	vsub.f32 $0.0e+00, v14;
	v23 =	vld [tilespmem:s31+$0x200];
	v17 =	vsub.f32 $-1.206620570e+00, v17;
	[tilespmem:s0+$0x10200] =	vst v8;
	v8 =	vpop (erf)  }
0x192: {  	v25 =	vsub.f32 $0.0e+00, v15;
	v20 =	vmul.f32 $1.442695020e+00, v20;
	v26 =	vld [tilespmem:s31+$0x10200];
	v21 =	vadd.f32 v21, v2;
	[tilespmem:s0+$0x10210] =	vst v8;
	v2 =	vmovc v24  }
0x193: {  	v8 =	vsub.f32 $0.0e+00, v19;
	v24 =	vmul.f32 $1.442695020e+00, v10;
	v27 =	vld [tilespmem:s31+$0x10210];
	v10 =	vmul.f32 $1.442695020e+00, v17  }
0x194: {  	v17 =	vsub.f32 $0.0e+00, v18;
	v25 =	vmul.f32 $1.442695020e+00, v25;
	v28 =	vld [tilespmem:s31+$0x270];
	(erf) = vpow2.f32 v7;
	v7 =	vpop (erf)  }
0x195: {  	v29 =	vsub.f32 $0.0e+00, v16;
	v8 =	vmul.f32 $1.442695020e+00, v8;
	v30 =	vld [tilespmem:s17+$0x250];
	(erf) = vpow2.f32 v10;
	[tilespmem:s0+$0x10220] =	vst v7;
	v7 =	vpop (erf)  }
0x196: {  	v21 =	vmul.f32 $5.000000000e-01, v21;
	v10 =	vmul.f32 $1.442695020e+00, v17;
	v17 =	vsub.f32 $0.0e+00, v5;
	v31 =	vld [tilespmem:s31+$0x10220];
	v32 =	vpop (erf);
	[tilespmem:s0+$0x10270] =	vst v7;
	s0 =	smov.u32 s31;
	s31 =	smov.u32 s17  }
0x197: {  	v7 =	vmul.f32 $1.442695020e+00, v29;
	(erf) = vpow2.f32 v22;
	v22 =	vsub.f32 v26, v23;
	[tilespmem:s0+$0x10250] =	vst v32;
	v23 =	vld [tilespmem:s0+$0x10270];
	v26 =	vpop (erf)  }
0x198: {  	v21 =	vsub.f32 $-1.206620570e+00, v21;
	v29 =	vld [tilespmem:s31+$0x10250];
	v12 =	vsub.f32 v27, v12;
	v27 =	vpop (erf)  }
0x199: {  	(erf) = vpow2.f32 v25;
	v22 =	vmul.f32 v22, v22;
	v25 =	vpop (erf)  }
0x19a: {  	v21 =	vmul.f32 $1.442695020e+00, v21;
	v32 =	vld [tilespmem:s31+$0x230];
	[tilespmem:s0+$0x10230] =	vst v27  }
0x19b: {  	v17 =	vmul.f32 $1.442695020e+00, v17;
	v12 =	vmul.f32 v12, v12;
	v27 =	vld [tilespmem:s31+$0x10230]  }
0x19c: {  	v22 =	vmul.f32 v26, v22;
	(erf) = vpow2.f32 v24;
	v23 =	vsub.f32 v23, v28  }
0x19d: {  	v11 =	vsub.f32 v31, v11;
	v24 =	vsub.f32 v29, v30;
	v26 =	vpop (erf);
	(erf) = vpow2.f32 v21  }
0x19e: {  	v21 =	vadd.f32 v22, v4;
	v12 =	vmul.f32 v26, v12;
	v22 =	vmul.f32 v23, v23;
	v4 =	vpop (erf)  }
0x19f: {  	v11 =	vmul.f32 v11, v11;
	(erf) = vpow2.f32 v20;
	[tilespmem:s0+$0x10240] =	vst v4;
	v4 =	vmov v18  }
0x1a0: {  	v21 =	vmul.f32 $5.000000000e-01, v21;
	v18 =	vsub.f32 v27, v32;
	v20 =	vpop (erf);
	v9 =	vmul.f32 v9, v22  }
0x1a1: {  	v11 =	vmul.f32 v25, v11;
	v22 =	vmul.f32 v24, v24;
	v12 =	vadd.f32 v12, v1;
	v1 =	vmovc v16  }
0x1a2: {  	v18 =	vmul.f32 v18, v18;
	v16 =	vld [tilespmem:s31+$0x240];
	v23 =	vpop (erf);
	(erf) = vpow2.f32 v17  }
.Ltmp2:
0x1a3: {  	v20 =	vmul.f32 v20, v22;
	v12 =	vmul.f32 $5.000000000e-01, v12;
	v22 =	vadd.f32 v9, v0;
	v0 =	vmovc v14;
	v17 =	vld [tilespmem:s31+$0x10240];
	(pc) =	sbr.rel @p0 .LBB2_6-.Ltmp2, $4  }
0x1a4: {  	v14 =	vmul.f32 v23, v18;
	v18 =	vsub.f32 $-1.206620570e+00, v21;
	v21 =	vadd.f32 v11, v3;
	v3 =	vmovc v19  }
0x1a5: {  	v19 =	vadd.f32 v20, v13;
	v20 =	vsub.f32 $-1.206620570e+00, v12;
	v22 =	vmul.f32 $5.000000000e-01, v22;
	v9 =	vpop (erf)  }
0x1a6: {  	v11 =	vld [tilespmem:s31+$0x220];
	v13 =	vadd.f32 v14, v15;
	v14 =	vmul.f32 $1.442695020e+00, v18;
	v18 =	vmul.f32 $5.000000000e-01, v21;
	v15 =	vpop (erf)  }
0x1a7: {  	v19 =	vmul.f32 $5.000000000e-01, v19;
	v20 =	vmul.f32 $1.442695020e+00, v20;
	v12 =	vld [tilespmem:s31+$0x210];
	[tilespmem:s0+$0x10260] =	vst v15;
	v15 =	vsub.f32 $-1.206620570e+00, v22  }
0x1a8: {  	(erf) = vpow2.f32 v14;
	v14 =	vsub.f32 $-1.206620570e+00, v18;
	_ =	sdelay $0x1  }
0x1a9: {  	v18 =	vsub.f32 $-1.206620570e+00, v19;
	v14 =	vmul.f32 $1.442695020e+00, v14  }
0x1aa: {  	(erf) = vpow2.f32 v20  }
0x1ab: {  	v15 =	vmul.f32 $1.442695020e+00, v15;
	(erf) = vpow2.f32 v14  }
0x1ac: {  	v14 =	vmul.f32 $1.442695020e+00, v18  }
0x1ad: {  	v13 =	vmul.f32 $5.000000000e-01, v13;
	v18 =	vpop (erf);
	(erf) = vpow2.f32 v15  }
0x1ae: {  	v19 =	vpop (erf);
	(erf) = vpow2.f32 v14  }
0x1af: {  	v13 =	vsub.f32 $-1.206620570e+00, v13;
	_ =	sdelay $0x1  }
0x1b0: {  	v13 =	vmul.f32 $1.442695020e+00, v13  }
0x1b1: {  	v20 =	vld [tilespmem:s31+$0x200];
	v14 =	vpop (erf);
	(erf) = vpow2.f32 v10  }
0x1b2: {  	v15 =	vld [tilespmem:s31+$0x10260];
	[tilespmem:s0+$0x10200] =	vst v14;
	v14 =	vpop (erf);
	(erf) = vpow2.f32 v13  }
0x1b3: {  	v21 =	vld [tilespmem:s31+$0x10200];
	[tilespmem:s0+$0x10210] =	vst v14;
	v14 =	vpop (erf);
	(erf) = vpow2.f32 v8  }
0x1b4: {  	v10 =	vld [tilespmem:s31+$0x10210];
	(erf) = vpow2.f32 v7  }
0x1b5: {  	v13 =	vld [tilespmem:s31+$0x270];
	[tilespmem:s0+$0x10220] =	vst v14;
	v7 =	vpop (erf)  }
0x1b6: {  	v8 =	vld [tilespmem:s31+$0x10220];
	v14 =	vpop (erf);
	[tilespmem:s0+$0x10270] =	vst v7  }
0x1b7: {  	v7 =	vsub.f32 v17, v16;
	[tilespmem:s31+$0x10250] =	vst v14;
	v14 =	vld [tilespmem:s31+$0x10270]  }
0x1b8: {  	v6 =	vsub.f32 v15, v6  }
0x1b9: {  	v15 =	vsub.f32 v21, v20;
	v7 =	vmul.f32 v7, v7  }
0x1ba: {  	v6 =	vmul.f32 v6, v6;
	v10 =	vsub.f32 v10, v12;
	v16 =	vpop (erf)  }
0x1bb: {  	v15 =	vmul.f32 v15, v15;
	v7 =	vmul.f32 v19, v7;
	v12 =	vpop (erf);
	v8 =	vsub.f32 v8, v11  }
0x1bc: {  	v6 =	vmul.f32 v18, v6;
	v10 =	vmul.f32 v10, v10;
	v13 =	vsub.f32 v14, v13;
	v11 =	vpop (erf)  }
0x1bd: {  	v5 =	vadd.f32 v7, v5;
	v7 =	vmul.f32 v16, v15;
	v8 =	vmul.f32 v8, v8;
	v14 =	vpop (erf)  }
0x1be: {  	v2 =	vadd.f32 v6, v2;
	v6 =	vmul.f32 v14, v10;
	v10 =	vmul.f32 v13, v13  }
0x1bf: {  	v5 =	vmul.f32 $5.000000000e-01, v5;
	v4 =	vadd.f32 v7, v4;
	v7 =	vmul.f32 v11, v8  }
0x1c0: {  	v2 =	vmul.f32 $5.000000000e-01, v2;
	v8 =	vmul.f32 v9, v10;
	v1 =	vadd.f32 v6, v1  }
0x1c1: {  	v5 =	vsub.f32 $-1.206620570e+00, v5;
	v4 =	vmul.f32 $5.000000000e-01, v4;
	v3 =	vadd.f32 v7, v3  }
0x1c2: {  	v2 =	vsub.f32 $-1.206620570e+00, v2;
	v1 =	vmul.f32 $5.000000000e-01, v1;
	v0 =	vadd.f32 v8, v0  }
0x1c3: {  	v5 =	vmul.f32 $1.442695020e+00, v5;
	v4 =	vsub.f32 $-1.206620570e+00, v4;
	v3 =	vmul.f32 $5.000000000e-01, v3  }
0x1c4: {  	v2 =	vmul.f32 $1.442695020e+00, v2;
	v1 =	vsub.f32 $-1.206620570e+00, v1;
	v0 =	vmul.f32 $5.000000000e-01, v0  }
0x1c5: {  	(erf) = vpow2.f32 v5;
	v4 =	vmul.f32 $1.442695020e+00, v4;
	v3 =	vsub.f32 $-1.206620570e+00, v3  }
0x1c6: {  	(erf) = vpow2.f32 v2;
	v1 =	vmul.f32 $1.442695020e+00, v1;
	v0 =	vsub.f32 $-1.206620570e+00, v0  }
0x1c7: {  	(erf) = vpow2.f32 v4;
	v2 =	vmul.f32 $1.442695020e+00, v3  }
0x1c8: {  	(erf) = vpow2.f32 v1;
	v0 =	vmul.f32 $1.442695020e+00, v0  }
0x1c9: {  	(erf) = vpow2.f32 v2  }
0x1ca: {  	(erf) = vpow2.f32 v0;
	_ =	sdelay $0x3  }
0x1cb: {  	[tilespmem:s31+$0x10230] =	vst v12;
	v0 =	vpop (erf)  }
0x1cc: {  	[tilespmem:s31+$0x10240] =	vst v0;
	v0 =	vpop (erf)  }
0x1cd: {  	[tilespmem:s31+$0x10260] =	vst v0;
	v0 =	vpop (erf)  }
0x1ce: {  	[tilespmem:s31+$0x10200] =	vst v0;
	v0 =	vpop (erf)  }
0x1cf: {  	[tilespmem:s31+$0x10210] =	vst v0;
	v0 =	vpop (erf)  }
0x1d0: {  	[tilespmem:s31+$0x10220] =	vst v0;
	v0 =	vpop (erf)  }
0x1d1: {  	s17 =	simm.s32 $0x0;
	[tilespmem:s31+$0x10270] =	vst v0  }
0x1d2: {  	[hbm4b:s12+s17] =	stream.linear.scatter [tilespmem:s19], [sflag:$0x3], $0x4000, $0x38;
	[tilespmem:$0x18200] =	vst v63  }
0x1d3: {  	_ =	swait.ge [sflag:s24], $0x4000  }
0x1d4: {  	[sflag:s24] =	ssyncset.done $0x0  }
0x1d5: {  	[sflag:s24] =	ssyncadd.s32 $0xFFFFC000  }
0x1d6: {  	_ =	swait.ge [sflag:s24], $0x4000  }
0x1d7: {  	[sflag:s24] =	ssyncset.done $0x0  }
0x1d8: {  	[sflag:s24] =	ssyncadd.s32 $0xFFFFC000  }
0x1d9: {  	_ =	swait.ge [sflag:s24], $0x4000  }
0x1da: {  	[sflag:s24] =	ssyncset.done $0x0  }
0x1db: {  	[sflag:s24] =	ssyncadd.s32 $0xFFFFC000  }
0x1dc: {  	_ =	swait.ge [sflag:s25], $0x4000  }
0x1dd: {  	[sflag:s25] =	ssyncset.done $0x0  }
0x1de: {  	s0 =	simm.s32 $0x0;
	[sflag:s25] =	ssyncadd.s32 $0xFFFFC000  }
0x1df: {  	v0 =	vld [tilespmem:s0+$0xC250];
	_ =	sdelay $0x4  }
0x1e0: {  	v2 =	vld [tilespmem:s0+$0xC230];
	v1 =	vsub.f32 $0.0e+00, v0;
	_ =	sdelay $0x1  }
0x1e1: {  	v9 =	vld [tilespmem:s0+$0xC270];
	v1 =	vmul.f32 $1.442695020e+00, v1  }
0x1e2: {  	v4 =	vld [tilespmem:s0+$0x4250]  }
0x1e3: {  	(erf) = vpow2.f32 v1;
	v1 =	vld [tilespmem:s0+$0x14250]  }
0x1e4: {  	v3 =	vsub.f32 $0.0e+00, v2  }
0x1e5: {  	v7 =	vld [tilespmem:s0+$0xC260]  }
0x1e6: {  	v6 =	vld [tilespmem:s0+$0xC240];
	v5 =	vsub.f32 $0.0e+00, v9;
	v3 =	vmul.f32 $1.442695020e+00, v3;
	_ =	sdelay $0x1  }
0x1e7: {  	v8 =	vld [tilespmem:s0+$0x14230];
	(erf) = vpow2.f32 v3;
	v1 =	vsub.f32 v1, v4;
	v4 =	vmul.f32 $1.442695020e+00, v5  }
0x1e8: {  	v3 =	vld [tilespmem:s0+$0x4230]  }
0x1e9: {  	v10 =	vsub.f32 $0.0e+00, v7  }
0x1ea: {  	v5 =	vsub.f32 $0.0e+00, v6;
	v1 =	vmul.f32 v1, v1  }
0x1eb: {  	v12 =	vld [tilespmem:s0+$0xC210];
	v10 =	vmul.f32 $1.442695020e+00, v10;
	(erf) = vpow2.f32 v4;
	v4 =	vpop (erf)  }
0x1ec: {  	v13 =	vld [tilespmem:s0+$0xC200];
	v5 =	vmul.f32 $1.442695020e+00, v5;
	v1 =	vmul.f32 v4, v1  }
0x1ed: {  	v11 =	vld [tilespmem:s0+$0xC220];
	v3 =	vsub.f32 v8, v3;
	(erf) = vpow2.f32 v10  }
0x1ee: {  	v8 =	vld [tilespmem:s0+$0x4240];
	(erf) = vpow2.f32 v5  }
0x1ef: {  	v3 =	vmul.f32 v3, v3;
	v4 =	vld [tilespmem:s0+$0x14240]  }
0x1f0: {  	v14 =	vld [tilespmem:s0+$0x4260];
	v0 =	vadd.f32 v1, v0;
	v1 =	vpop (erf)  }
0x1f1: {  	v5 =	vld [tilespmem:s0+$0x14260];
	v3 =	vmul.f32 v1, v3  }
0x1f2: {  	v15 =	vld [tilespmem:s0+$0x4220]  }
0x1f3: {  	s31 =	simm.s32 $0x80;
	v16 =	vld [tilespmem:s0+$0x4210];
	v0 =	vmul.f32 $5.000000000e-01, v0;
	v2 =	vadd.f32 v3, v2  }
0x1f4: {  	v18 =	vld [tilespmem:s31+$0xC250];
	v21 =	vsub.f32 $0.0e+00, v11;
	v4 =	vsub.f32 v4, v8  }
0x1f5: {  	v23 =	vld [tilespmem:s31+$0xC230];
	v10 =	vsub.f32 $0.0e+00, v13;
	v17 =	vpop (erf);
	v3 =	vsub.f32 $-1.206620570e+00, v0;
	v8 =	vmul.f32 $5.000000000e-01, v2  }
0x1f6: {  	v24 =	vld [tilespmem:s0+$0x4200];
	v21 =	vmul.f32 $1.442695020e+00, v21;
	v14 =	vsub.f32 v5, v14;
	v19 =	vpop (erf);
	v20 =	vmul.f32 v4, v4  }
0x1f7: {  	v25 =	vld [tilespmem:s0+$0x14210];
	v10 =	vmul.f32 $1.442695020e+00, v10;
	v22 =	vpop (erf);
	v3 =	vmul.f32 $1.442695020e+00, v3;
	v8 =	vsub.f32 $-1.206620570e+00, v8  }
0x1f8: {  	v27 =	vld [tilespmem:s0+$0x4270];
	v14 =	vmul.f32 v14, v14;
	v20 =	vmul.f32 v22, v20  }
0x1f9: {  	v28 =	vld [tilespmem:s31+$0x4250];
	(erf) = vpow2.f32 v3;
	v8 =	vmul.f32 $1.442695020e+00, v8  }
0x1fa: {  	v22 =	vsub.f32 $0.0e+00, v12;
	v3 =	vld [tilespmem:s31+$0xC220];
	v20 =	vadd.f32 v20, v6;
	(erf) = vpow2.f32 v10  }
0x1fb: {  	v30 =	vld [tilespmem:s0+$0x14220];
	v14 =	vmul.f32 v19, v14;
	(erf) = vpow2.f32 v8  }
0x1fc: {  	v19 =	vld [tilespmem:s0+$0x14200];
	v10 =	vmul.f32 $1.442695020e+00, v22;
	v8 =	vmul.f32 $5.000000000e-01, v20  }
0x1fd: {  	v0 =	vld [tilespmem:s31+$0xC270];
	(erf) = vpow2.f32 v21  }
0x1fe: {  	v55 =	vld [tilespmem:s0+$0x14270];
	v22 =	vsub.f32 $0.0e+00, v18;
	v8 =	vsub.f32 $-1.206620570e+00, v8;
	(erf) = vpow2.f32 v10  }
0x1ff: {  	v5 =	vld [tilespmem:s31+$0xC240];
	v7 =	vadd.f32 v14, v7;
	v14 =	vsub.f32 $0.0e+00, v3  }
0x200: {  	v26 =	vsub.f32 $0.0e+00, v23;
	v1 =	vld [tilespmem:s31+$0xC210];
	v21 =	vmul.f32 $1.442695020e+00, v22;
	v10 =	vmul.f32 $1.442695020e+00, v8  }
0x201: {  	v4 =	vld [tilespmem:s31+$0xC200];
	v19 =	vsub.f32 v19, v24;
	v8 =	vmul.f32 $1.442695020e+00, v14;
	v14 =	vmul.f32 $5.000000000e-01, v7  }
0x202: {  	v26 =	vmul.f32 $1.442695020e+00, v26;
	v2 =	vld [tilespmem:s31+$0xC260];
	v22 =	vsub.f32 $0.0e+00, v0;
	v31 =	vpop (erf)  }
0x203: {  	v6 =	vld [tilespmem:s31+$0x4260];
	v19 =	vmul.f32 v19, v19;
	[tilespmem:s0+$0x14250] =	vst v31;
	(erf) = vpow2.f32 v10;
	v56 =	vpop (erf);
	v14 =	vsub.f32 $-1.206620570e+00, v14  }
0x204: {  	v16 =	vsub.f32 v25, v16;
	v22 =	vmul.f32 $1.442695020e+00, v22;
	v57 =	vld [tilespmem:s31+$0x14250];
	(erf) = vpow2.f32 v21;
	v21 =	vpop (erf)  }
0x205: {  	v15 =	vsub.f32 v30, v15;
	v58 =	vld [tilespmem:s31+$0x4230];
	v14 =	vmul.f32 $1.442695020e+00, v14;
	(erf) = vpow2.f32 v26;
	[tilespmem:s0+$0x14230] =	vst v21  }
0x206: {  	v16 =	vmul.f32 v16, v16;
	v60 =	vpop (erf);
	(erf) = vpow2.f32 v22;
	v22 =	vsub.f32 v55, v27;
	v59 =	vld [tilespmem:s31+$0x14230]  }
0x207: {  	v20 =	vsub.f32 $0.0e+00, v2;
	v19 =	vmul.f32 v56, v19;
	v61 =	vpop (erf);
	(erf) = vpow2.f32 v14  }
0x208: {  	v21 =	vsub.f32 $0.0e+00, v5;
	v14 =	vmul.f32 v61, v16;
	v16 =	vmul.f32 v22, v22  }
0x209: {  	v15 =	vmul.f32 v15, v15;
	v20 =	vmul.f32 $1.442695020e+00, v20  }
0x20a: {  	v13 =	vadd.f32 v19, v13;
	v21 =	vmul.f32 $1.442695020e+00, v21  }
0x20b: {  	(erf) = vpow2.f32 v20;
	v20 =	vsub.f32 v59, v58  }
0x20c: {  	v13 =	vmul.f32 $5.000000000e-01, v13;
	v19 =	vsub.f32 v57, v28;
	v17 =	vmul.f32 v17, v16;
	v16 =	vpop (erf)  }
0x20d: {  	v12 =	vadd.f32 v14, v12;
	v14 =	vmul.f32 v60, v15;
	v15 =	vpop (erf);
	v20 =	vmul.f32 v20, v20  }
0x20e: {  	v32 =	vsub.f32 $0.0e+00, v1;
	v19 =	vmul.f32 v19, v19;
	[tilespmem:s0+$0x14240] =	vst v16;
	(erf) = vpow2.f32 v21;
	v21 =	vpop (erf)  }
0x20f: {  	v29 =	vsub.f32 $0.0e+00, v4;
	v16 =	vld [tilespmem:s31+$0x4240];
	v20 =	vmul.f32 v21, v20;
	v21 =	vsub.f32 $-1.206620570e+00, v13  }
0x210: {  	v12 =	vmul.f32 $5.000000000e-01, v12;
	v15 =	vmul.f32 v15, v19;
	v19 =	vadd.f32 v17, v9;
	v17 =	vld [tilespmem:s31+$0x14240]  }
0x211: {  	v7 =	vmul.f32 $1.442695020e+00, v32;
	v10 =	vmul.f32 $1.442695020e+00, v29;
	v22 =	vadd.f32 v14, v11  }
0x212: {  	v62 =	vsub.f32 $-1.206620570e+00, v12;
	v9 =	vpop (erf);
	v15 =	vadd.f32 v15, v18;
	v63 =	vmul.f32 $5.000000000e-01, v19  }
0x213: {  	s4 =	simm.s32 $0x400;
	v11 =	vld [tilespmem:s31+$0x4220];
	v18 =	vmul.f32 $5.000000000e-01, v22;
	v13 =	vadd.f32 v20, v23;
	v14 =	vmul.f32 $1.442695020e+00, v21;
	v21 =	vpop (erf)  }
0x214: {  	v12 =	vld [tilespmem:s31+$0x4210];
	v19 =	vmul.f32 $5.000000000e-01, v15;
	v20 =	vmul.f32 $1.442695020e+00, v62;
	v15 =	vsub.f32 $-1.206620570e+00, v63;
	[tilespmem:s0+$0x14260] =	vst v21  }
.LBB2_8:
0x215: {  	s17 =	sshra.s32 s4, $0x2;
	p0 =	sne.s32 s4, $0xFE00;
	s4 =	sadd.s32 $0x200, s4;
	v17 =	vsub.f32 v17, v16;
	v21 =	vld [tilespmem:s31+$0x14260];
	v22 =	vpop (erf);
	v18 =	vsub.f32 $-1.206620570e+00, v18;
	(erf) = vpow2.f32 v14  }
0x216: {  	v23 =	vmul.f32 $5.000000000e-01, v13;
	v16 =	vld [tilespmem:s17+$0xC210];
	v19 =	vsub.f32 $-1.206620570e+00, v19;
	(erf) = vpow2.f32 v20  }
0x217: {  	v14 =	vld [tilespmem:s17+$0xC270];
	v17 =	vmul.f32 v17, v17;
	v18 =	vmul.f32 $1.442695020e+00, v18  }
0x218: {  	v15 =	vmul.f32 $1.442695020e+00, v15;
	v13 =	vld [tilespmem:s17+$0xC250];
	v19 =	vmul.f32 $1.442695020e+00, v19;
	v20 =	vpop (erf)  }
0x219: {  	v23 =	vsub.f32 $-1.206620570e+00, v23;
	v24 =	vld [tilespmem:s17+$0xC260];
	v17 =	vmul.f32 v20, v17;
	(erf) = vpow2.f32 v18  }
0x21a: {  	v18 =	vld [tilespmem:s17+$0xC200];
	v6 =	vsub.f32 v21, v6;
	(erf) = vpow2.f32 v15  }
0x21b: {  	v20 =	vmul.f32 $1.442695020e+00, v23;
	v15 =	vld [tilespmem:s17+$0xC230];
	v17 =	vadd.f32 v17, v5;
	(erf) = vpow2.f32 v19  }
0x21c: {  	v19 =	vld [tilespmem:s17+$0xC220];
	v21 =	vmul.f32 v6, v6;
	(erf) = vpow2.f32 v10  }
0x21d: {  	v5 =	vld [tilespmem:s17+$0xC240];
	v10 =	vsub.f32 $0.0e+00, v13;
	v17 =	vmul.f32 $5.000000000e-01, v17;
	(erf) = vpow2.f32 v20  }
0x21e: {  	v6 =	vld [tilespmem:s17+$0x4260];
	v20 =	vsub.f32 $0.0e+00, v24;
	v21 =	vmul.f32 v22, v21;
	(erf) = vpow2.f32 v8;
	v8 =	vpop (erf)  }
0x21f: {  	v22 =	vmul.f32 $1.442695020e+00, v10;
	v10 =	vsub.f32 $0.0e+00, v14;
	v23 =	vld [tilespmem:s31+$0x4200];
	v17 =	vsub.f32 $-1.206620570e+00, v17;
	[tilespmem:s0+$0x14200] =	vst v8;
	v8 =	vpop (erf)  }
0x220: {  	v25 =	vsub.f32 $0.0e+00, v15;
	v20 =	vmul.f32 $1.442695020e+00, v20;
	v26 =	vld [tilespmem:s31+$0x14200];
	v21 =	vadd.f32 v21, v2;
	[tilespmem:s0+$0x14210] =	vst v8;
	v2 =	vmovc v24  }
0x221: {  	v8 =	vsub.f32 $0.0e+00, v19;
	v24 =	vmul.f32 $1.442695020e+00, v10;
	v27 =	vld [tilespmem:s31+$0x14210];
	v10 =	vmul.f32 $1.442695020e+00, v17  }
0x222: {  	v17 =	vsub.f32 $0.0e+00, v18;
	v25 =	vmul.f32 $1.442695020e+00, v25;
	v28 =	vld [tilespmem:s31+$0x4270];
	(erf) = vpow2.f32 v7;
	v7 =	vpop (erf)  }
0x223: {  	v29 =	vsub.f32 $0.0e+00, v16;
	v8 =	vmul.f32 $1.442695020e+00, v8;
	v30 =	vld [tilespmem:s17+$0x4250];
	(erf) = vpow2.f32 v10;
	[tilespmem:s0+$0x14220] =	vst v7;
	v7 =	vpop (erf)  }
0x224: {  	v21 =	vmul.f32 $5.000000000e-01, v21;
	v10 =	vmul.f32 $1.442695020e+00, v17;
	v17 =	vsub.f32 $0.0e+00, v5;
	v31 =	vld [tilespmem:s31+$0x14220];
	v32 =	vpop (erf);
	[tilespmem:s0+$0x14270] =	vst v7;
	s0 =	smov.u32 s31;
	s31 =	smov.u32 s17  }
0x225: {  	v7 =	vmul.f32 $1.442695020e+00, v29;
	(erf) = vpow2.f32 v22;
	v22 =	vsub.f32 v26, v23;
	[tilespmem:s0+$0x14250] =	vst v32;
	v23 =	vld [tilespmem:s0+$0x14270];
	v26 =	vpop (erf)  }
0x226: {  	v21 =	vsub.f32 $-1.206620570e+00, v21;
	v29 =	vld [tilespmem:s31+$0x14250];
	v12 =	vsub.f32 v27, v12;
	v27 =	vpop (erf)  }
0x227: {  	(erf) = vpow2.f32 v25;
	v22 =	vmul.f32 v22, v22;
	v25 =	vpop (erf)  }
0x228: {  	v21 =	vmul.f32 $1.442695020e+00, v21;
	v32 =	vld [tilespmem:s31+$0x4230];
	[tilespmem:s0+$0x14230] =	vst v27  }
0x229: {  	v17 =	vmul.f32 $1.442695020e+00, v17;
	v12 =	vmul.f32 v12, v12;
	v27 =	vld [tilespmem:s31+$0x14230]  }
0x22a: {  	v22 =	vmul.f32 v26, v22;
	(erf) = vpow2.f32 v24;
	v23 =	vsub.f32 v23, v28  }
0x22b: {  	v11 =	vsub.f32 v31, v11;
	v24 =	vsub.f32 v29, v30;
	v26 =	vpop (erf);
	(erf) = vpow2.f32 v21  }
0x22c: {  	v21 =	vadd.f32 v22, v4;
	v12 =	vmul.f32 v26, v12;
	v22 =	vmul.f32 v23, v23;
	v4 =	vpop (erf)  }
0x22d: {  	v11 =	vmul.f32 v11, v11;
	(erf) = vpow2.f32 v20;
	[tilespmem:s0+$0x14240] =	vst v4;
	v4 =	vmov v18  }
0x22e: {  	v21 =	vmul.f32 $5.000000000e-01, v21;
	v18 =	vsub.f32 v27, v32;
	v20 =	vpop (erf);
	v9 =	vmul.f32 v9, v22  }
0x22f: {  	v11 =	vmul.f32 v25, v11;
	v22 =	vmul.f32 v24, v24;
	v12 =	vadd.f32 v12, v1;
	v1 =	vmovc v16  }
0x230: {  	v18 =	vmul.f32 v18, v18;
	v16 =	vld [tilespmem:s31+$0x4240];
	v23 =	vpop (erf);
	(erf) = vpow2.f32 v17  }
.Ltmp3:
0x231: {  	v20 =	vmul.f32 v20, v22;
	v12 =	vmul.f32 $5.000000000e-01, v12;
	v22 =	vadd.f32 v9, v0;
	v0 =	vmovc v14;
	v17 =	vld [tilespmem:s31+$0x14240];
	(pc) =	sbr.rel @p0 .LBB2_8-.Ltmp3, $4  }
0x232: {  	v14 =	vmul.f32 v23, v18;
	v18 =	vsub.f32 $-1.206620570e+00, v21;
	v21 =	vadd.f32 v11, v3;
	v3 =	vmovc v19  }
0x233: {  	v19 =	vadd.f32 v20, v13;
	v20 =	vsub.f32 $-1.206620570e+00, v12;
	v22 =	vmul.f32 $5.000000000e-01, v22;
	v9 =	vpop (erf)  }
0x234: {  	v11 =	vld [tilespmem:s31+$0x4220];
	v13 =	vadd.f32 v14, v15;
	v14 =	vmul.f32 $1.442695020e+00, v18;
	v18 =	vmul.f32 $5.000000000e-01, v21;
	v15 =	vpop (erf)  }
0x235: {  	v19 =	vmul.f32 $5.000000000e-01, v19;
	v20 =	vmul.f32 $1.442695020e+00, v20;
	v12 =	vld [tilespmem:s31+$0x4210];
	[tilespmem:s0+$0x14260] =	vst v15;
	v15 =	vsub.f32 $-1.206620570e+00, v22  }
0x236: {  	v30 =	vsub.f32 $-1.206620570e+00, v18;
	_ =	sdelay $0x1  }
0x237: {  	(erf) = vpow2.f32 v14;
	v14 =	vmul.f32 $1.442695020e+00, v30  }
0x238: {  	(erf) = vpow2.f32 v20  }
0x239: {  	v15 =	vmul.f32 $1.442695020e+00, v15;
	(erf) = vpow2.f32 v14;
	_ =	sdelay $0x1  }
0x23a: {  	v33 =	vpop (erf);
	v13 =	vmul.f32 $5.000000000e-01, v13;
	v31 =	vsub.f32 $-1.206620570e+00, v19;
	(erf) = vpow2.f32 v15;
	_ =	sdelay $0x1  }
0x23b: {  	v13 =	vsub.f32 $-1.206620570e+00, v13;
	v32 =	vmul.f32 $1.442695020e+00, v31;
	_ =	sdelay $0x1  }
0x23c: {  	v35 =	vpop (erf);
	v13 =	vmul.f32 $1.442695020e+00, v13;
	(erf) = vpow2.f32 v32  }
0x23d: {  	v34 =	vld [tilespmem:s31+$0x14260];
	v36 =	vpop (erf);
	(erf) = vpow2.f32 v10  }
0x23e: {  	v37 =	vld [tilespmem:s31+$0x4200];
	[tilespmem:s0+$0x14200] =	vst v36;
	v38 =	vpop (erf);
	(erf) = vpow2.f32 v13  }
0x23f: {  	v21 =	vld [tilespmem:s31+$0x14200];
	[tilespmem:s0+$0x14210] =	vst v38;
	v41 =	vpop (erf);
	(erf) = vpow2.f32 v8  }
0x240: {  	v39 =	vld [tilespmem:s31+$0x14210];
	(erf) = vpow2.f32 v7  }
0x241: {  	v40 =	vld [tilespmem:s31+$0x4270];
	[tilespmem:s0+$0x14220] =	vst v41;
	v42 =	vpop (erf)  }
0x242: {  	v43 =	vld [tilespmem:s31+$0x14220];
	[tilespmem:s0+$0x14270] =	vst v42  }
0x243: {  	v45 =	vsub.f32 v17, v16;
	v46 =	vld [tilespmem:s31+$0x14270]  }
0x244: {  	v6 =	vsub.f32 v34, v6  }
0x245: {  	v7 =	vmul.f32 v45, v45;
	v44 =	vpop (erf);
	v47 =	vsub.f32 v21, v37  }
0x246: {  	v6 =	vmul.f32 v6, v6;
	v10 =	vsub.f32 v39, v12;
	v48 =	vpop (erf)  }
0x247: {  	v7 =	vmul.f32 v35, v7;
	v15 =	vmul.f32 v47, v47;
	v49 =	vpop (erf);
	v8 =	vsub.f32 v43, v11  }
0x248: {  	v6 =	vmul.f32 v33, v6;
	v10 =	vmul.f32 v10, v10;
	v13 =	vsub.f32 v46, v40;
	v50 =	vpop (erf)  }
0x249: {  	v5 =	vadd.f32 v7, v5;
	v51 =	vmul.f32 v48, v15;
	v8 =	vmul.f32 v8, v8;
	v52 =	vpop (erf)  }
0x24a: {  	v2 =	vadd.f32 v6, v2;
	v54 =	vmul.f32 v13, v13;
	v53 =	vmul.f32 v52, v10  }
0x24b: {  	v5 =	vmul.f32 $5.000000000e-01, v5;
	v4 =	vadd.f32 v51, v4;
	v55 =	vmul.f32 v50, v8  }
0x24c: {  	v2 =	vmul.f32 $5.000000000e-01, v2;
	v56 =	vmul.f32 v9, v54;
	v1 =	vadd.f32 v53, v1  }
0x24d: {  	v5 =	vsub.f32 $-1.206620570e+00, v5;
	v4 =	vmul.f32 $5.000000000e-01, v4;
	v3 =	vadd.f32 v55, v3  }
0x24e: {  	v2 =	vsub.f32 $-1.206620570e+00, v2;
	v0 =	vadd.f32 v56, v0;
	v1 =	vmul.f32 $5.000000000e-01, v1  }
0x24f: {  	v5 =	vmul.f32 $1.442695020e+00, v5;
	v4 =	vsub.f32 $-1.206620570e+00, v4;
	v3 =	vmul.f32 $5.000000000e-01, v3  }
0x250: {  	v2 =	vmul.f32 $1.442695020e+00, v2;
	v0 =	vmul.f32 $5.000000000e-01, v0;
	v1 =	vsub.f32 $-1.206620570e+00, v1  }
0x251: {  	(erf) = vpow2.f32 v5;
	v4 =	vmul.f32 $1.442695020e+00, v4;
	v3 =	vsub.f32 $-1.206620570e+00, v3  }
0x252: {  	(erf) = vpow2.f32 v2;
	v0 =	vsub.f32 $-1.206620570e+00, v0;
	v1 =	vmul.f32 $1.442695020e+00, v1  }
0x253: {  	(erf) = vpow2.f32 v4;
	v57 =	vmul.f32 $1.442695020e+00, v3  }
0x254: {  	v0 =	vmul.f32 $1.442695020e+00, v0;
	(erf) = vpow2.f32 v1  }
0x255: {  	(erf) = vpow2.f32 v57  }
0x256: {  	(erf) = vpow2.f32 v0;
	_ =	sdelay $0x2  }
0x257: {  	[tilespmem:s31+$0x14250] =	vst v44  }
0x258: {  	[tilespmem:s31+$0x14230] =	vst v49;
	v58 =	vpop (erf)  }
0x259: {  	[tilespmem:s31+$0x14240] =	vst v58;
	v59 =	vpop (erf)  }
0x25a: {  	[tilespmem:s31+$0x14260] =	vst v59;
	v60 =	vpop (erf)  }
0x25b: {  	[tilespmem:s31+$0x14200] =	vst v60;
	v61 =	vpop (erf)  }
0x25c: {  	s30 =	sadd.s32 $0x1, s30;
	[tilespmem:s31+$0x14210] =	vst v61;
	v62 =	vpop (erf)  }
0x25d: {  	p0 =	sne.s32 s30, s14;
	[tilespmem:s31+$0x14220] =	vst v62;
	v63 =	vpop (erf)  }
.Ltmp4:
0x25e: {  	[tilespmem:s31+$0x14270] =	vst v63;
	(pc) =	sbr.rel @p0 .LBB2_1-.Ltmp4, $4  }
0x25f: {  	[hbm4b:s13+s3] =	stream.linear.scatter [tilespmem:s23], [sflag:$0x4], $0x4000, $0x38;
	[tilespmem:$0x18200] =	vst v63  }
0x260: {  	_ =	swait.ge [sflag:s28], $0x4000  }
0x261: {  	[sflag:s28] =	ssyncset.done $0x0  }
0x262: {  	[sflag:s28] =	ssyncadd.s32 $0xFFFFC000  }
0x263: {  	_ =	sfence.sel $0x180000  }
0x264: {  	[bflag:$0x0] =	sbarrier.arrive $0xFFFF  }
0x265: {  	_ =	strace $0x90000047  }
0x266: {  	s0 =	stileid.u32;
	[bflag:$0x2] =	sbarrier.arrive $0xFFFF  }
0x267: {  	p0 =	sne.s32 s0, $0x0;
	s0 =	rddreg [dreg:$0x5]  }
0x268: {  	s0 =	sadd.s32 @!p0 $0x100000, s0  }
0x269: {  	[sflag:s0] =	ssyncadd.tile.s32 @!p0 $0x1;
	_ =	shalt  }
.Lfunc_end2:
_tile_overlayer_lowered:
.L_overlay_start_2:
0x26a: {  	(tag) =	ssettag $0x2  }
0x26b: {  	s0 =	rddreg [dreg:$0x0];
	s2 =	stileid.u32  }
0x26c: {  	s1 =	rddreg [dreg:$0x1];
	p0 =	sne.s32 s2, $0x0  }
0x26d: {  	s3 =	rddreg [dreg:$0x2];
	[bflag:$0x3] =	sbarrier.arrive $0xFFFF;
	s2 =	simm.s32 @!p0 $0x1C05  }
0x26e: {  	[timem:s3], [sflag:s2] =	dma.local @!p0 [hbm:s0], s1  }
0x26f: {  	s0 =	simm.s32 @!p0 $0x5  }
0x270: {  	_ =	swait.ge @!p0 [sflag:s0], s1  }
0x271: {  	s1 =	ssub.s32 @!p0 $0x0, s1;
	[sflag:s0] =	ssyncset.done @!p0 $0x0  }
0x272: {  	[sflag:s0] =	ssyncadd.s32 @!p0 s1  }
0x273: {  	[bflag:$0x3] =	sbarrier.arrive $0xFFFF  }
0x274: {  	_ =	shalt  }

</sc_bundles>
